<compile_context>
chip_gen: v7x
topology: tpu7x:2x2x1
jax: 0.10.2.dev20260603
libtpu: 0.0.44.dev20260713+nightly
codegen_flags: <defaults>
</compile_context>

<pallas_src>
import jax
import jax.numpy as jnp
import numpy as np
from jax.experimental import pallas as pl
from jax.experimental.pallas import tpu as pltpu

D_MODEL = 512
D_HEAD = 64
N_HEADS = 8
L = 512
B = 2
BH = B * N_HEADS
U = min(int(5 * np.log(L)), L)


def _dot(a, b, dims, precision=None):
    return jax.lax.dot_general(
        a, b, dimension_numbers=(dims, ((), ())),
        preferred_element_type=jnp.float32, precision=precision)


def _attn_kernel(xq_ref, xk_ref, xv_ref, wq_ref, wk_ref, wv_ref, wfc_ref,
                 gamma_ref, beta_ref, maskT_ref, cntT_ref, tri_ref,
                 out_ref, q_s, k_s, v_s, oh_s):
    for b in range(B):
        q_s[b] = _dot(xq_ref[b], wq_ref[...], ((1,), (0,)))
        k_s[b] = _dot(xk_ref[b], wk_ref[...], ((1,), (0,)))
        v_s[b] = _dot(xv_ref[b], wv_ref[...], ((1,), (0,)))
    maskT = maskT_ref[...]
    cntT = cntT_ref[...]
    m_rows = []
    for b in range(B):
        for h in range(N_HEADS):
            sl = slice(h * D_HEAD, (h + 1) * D_HEAD)
            s_t = _dot(k_s[b][:, sl], q_s[b][:, sl], ((1,), (1,)))
            mx = jnp.max(jnp.where(maskT > 0.5, s_t, -jnp.inf), axis=0,
                         keepdims=True)
            mn = jnp.sum(s_t * cntT, axis=0, keepdims=True)
            m_rows.append(mx - mn)
    m = jnp.concatenate(m_rows, axis=0)

    iota = jax.lax.broadcasted_iota(jnp.int32, (BH, L), 1)
    for s in range(U):
        rmax = jnp.max(m, axis=1, keepdims=True)
        cand = jnp.where(m == rmax, iota, L)
        sel = jnp.min(cand, axis=1, keepdims=True)
        oh = iota == sel
        oh_s[s] = oh.astype(jnp.float32)
        m = jnp.where(oh, -jnp.inf, m)

    ones_u = jnp.ones((U, 1), jnp.float32)
    tri = tri_ref[...]
    for b in range(B):
        ctx = _dot(tri, v_s[b], ((1,), (0,)))
        pieces = []
        for h in range(N_HEADS):
            bh = b * N_HEADS + h
            sl = slice(h * D_HEAD, (h + 1) * D_HEAD)
            p = oh_s[:, bh, :]
            qsel = _dot(p, q_s[b][:, sl], ((1,), (0,)))
            scores = _dot(qsel, k_s[b][:, sl], ((1,), (1,))) * 0.125
            smax = jnp.max(scores, axis=1, keepdims=True)
            e = jnp.exp(scores - smax)
            attn = e / jnp.sum(e, axis=1, keepdims=True)
            vals = _dot(attn, v_s[b][:, sl], ((1,), (0,)))
            scat = _dot(p, vals, ((0,), (0,)))
            selc = _dot(p, ones_u, ((0,), (0,)))
            pieces.append(ctx[:, sl] * (1.0 - selc) + scat)
        ctx_f = jnp.concatenate(pieces, axis=1)
        o = _dot(ctx_f, wfc_ref[...], ((1,), (0,))) + xq_ref[b]
        mu = jnp.mean(o, axis=1, keepdims=True)
        xc = o - mu
        var = jnp.mean(xc * xc, axis=1, keepdims=True)
        y = xc / jnp.sqrt(var + 1e-5)
        out_ref[b] = y * gamma_ref[...] + beta_ref[...]


def kernel(input_Q, input_K, input_V, attn_mask, W_Q, W_K, W_V, W_fc,
           ln_gamma, ln_beta):
    del attn_mask
    idx = jax.random.randint(jax.random.key(42), (L, U), 0, L)
    cnt = jnp.zeros((L, L), jnp.float32).at[
        jnp.arange(L)[:, None], idx].add(1.0)
    mask_t = (cnt > 0).astype(jnp.float32).T
    cnt_t = (cnt * (1.0 / U)).T
    tri = jnp.tril(jnp.ones((L, L), jnp.float32))
    return pl.pallas_call(
        _attn_kernel,
        out_shape=jax.ShapeDtypeStruct((B, L, D_MODEL), jnp.float32),
        scratch_shapes=[
            pltpu.VMEM((B, L, D_MODEL), jnp.float32),
            pltpu.VMEM((B, L, D_MODEL), jnp.float32),
            pltpu.VMEM((B, L, D_MODEL), jnp.float32),
            pltpu.VMEM((U, BH, L), jnp.float32),
        ],
    )(input_Q, input_K, input_V, W_Q, W_K, W_V, W_fc,
      ln_gamma.reshape(1, D_MODEL), ln_beta.reshape(1, D_MODEL),
      mask_t, cnt_t, tri)

# --- scband reference (transcript-rebuilt; emitter-appended) ---
"""Pipeline reference for scband-prob-attention-9947144258110 (READ-ONLY COPY).

The authoritative reference and input builder live on the scoring server;
editing this copy changes nothing except your own understanding.
"""

import jax, jax.numpy as jnp
import numpy as np

D_MODEL = 512
D_K = 64
D_V = 64
H = 8
C = 5


def setup_inputs(seed: int = 0) -> dict:
    key = jax.random.key(seed)
    ks = jax.random.split(key, 8)
    B, L_Q, L_K = 2, 512, 512
    s = 0.02
    inp = {}
    inp["input_Q"] = jax.random.normal(ks[0], (B, L_Q, D_MODEL), dtype=jnp.float32)
    inp["input_K"] = jax.random.normal(ks[1], (B, L_K, D_MODEL), dtype=jnp.float32)
    inp["input_V"] = jax.random.normal(ks[2], (B, L_K, D_MODEL), dtype=jnp.float32)
    inp["attn_mask"] = jnp.zeros((B, L_Q, L_K), dtype=bool)
    inp["W_Q"] = jax.random.normal(ks[3], (D_MODEL, H * D_K), dtype=jnp.float32) * s
    inp["W_K"] = jax.random.normal(ks[4], (D_MODEL, H * D_K), dtype=jnp.float32) * s
    inp["W_V"] = jax.random.normal(ks[5], (D_MODEL, H * D_V), dtype=jnp.float32) * s
    inp["W_fc"] = jax.random.normal(ks[6], (H * D_V, D_MODEL), dtype=jnp.float32) * s
    inp["ln_gamma"] = jnp.ones((D_MODEL,), dtype=jnp.float32)
    inp["ln_beta"] = jnp.zeros((D_MODEL,), dtype=jnp.float32)
    return inp


def reference(input_Q, input_K, input_V, attn_mask, W_Q, W_K, W_V, W_fc, ln_gamma, ln_beta):
    B, L_Q, _ = input_Q.shape
    L_K = input_K.shape[1]
    u_k = min(int(C * np.log(L_K)), L_Q)
    u_q = min(int(C * np.log(L_Q)), L_Q)
    Q = (input_Q @ W_Q).reshape(B, L_Q, H, D_K).transpose(0, 2, 1, 3)
    K = (input_K @ W_K).reshape(B, L_K, H, D_K).transpose(0, 2, 1, 3)
    V = (input_V @ W_V).reshape(B, L_K, H, D_V).transpose(0, 2, 1, 3)
    # _prob_QK: sample u_k keys per query row (gather instead of materializing K_expand)
    index_sample = jax.random.randint(jax.random.key(42), (L_Q, u_k), 0, L_K)
    K_sample = K[:, :, index_sample, :]  # [B,H,L_Q,u_k,E]
    Q_K_sample = jnp.einsum('bhle,bhlse->bhls', Q, K_sample)
    M = jnp.max(Q_K_sample, axis=-1) - jnp.mean(Q_K_sample, axis=-1)  # [B,H,L_Q]
    _, index = jax.lax.top_k(M, u_q)  # [B,H,u_q]
    Q_sample = jnp.take_along_axis(Q, index[..., None], axis=2)  # [B,H,u_q,E]
    scores = jnp.einsum('bhqe,bhke->bhqk', Q_sample, K) / np.sqrt(D_K)
    # attn_mask is not None in this config -> mask + cumsum initial context
    mask = jnp.broadcast_to(attn_mask[:, None, :, :], (B, H, L_Q, L_K))
    mask_sel = jnp.take_along_axis(mask, index[..., None], axis=2)  # [B,H,u_q,L_K]
    scores = jnp.where(mask_sel, -jnp.inf, scores)
    attn = jax.nn.softmax(scores, axis=-1)
    values = jnp.einsum('bhqk,bhkd->bhqd', attn, V)  # [B,H,u_q,D_V]
    context = jnp.cumsum(V, axis=2)  # initial context when attn_mask is given
    b_idx = jnp.arange(B)[:, None, None]
    h_idx = jnp.arange(H)[None, :, None]
    context = context.at[b_idx, h_idx, index, :].set(values)  # scatter-overwrite
    context = context.transpose(0, 2, 1, 3).reshape(B, L_Q, H * D_V)  # mix=False
    output = context @ W_fc  # dropout p=0.0
    x = output + input_Q
    mu = jnp.mean(x, axis=-1, keepdims=True)
    var = jnp.var(x, axis=-1, keepdims=True)
    return (x - mu) / jnp.sqrt(var + 1e-5) * ln_gamma + ln_beta

if __name__ == "__main__":
    import jax
    _d = setup_inputs()
    print(jax.jit(kernel)(*tuple(_d.values())))

</pallas_src>

<mosaic_0001>
module attributes {stable_mosaic.version = 14 : i64} {
  func.func @_attn_kernel(%arg0: memref<2x512x512xf32, #tpu.memory_space<vmem>>, %arg1: memref<2x512x512xf32, #tpu.memory_space<vmem>>, %arg2: memref<2x512x512xf32, #tpu.memory_space<vmem>>, %arg3: memref<512x512xf32, #tpu.memory_space<vmem>>, %arg4: memref<512x512xf32, #tpu.memory_space<vmem>>, %arg5: memref<512x512xf32, #tpu.memory_space<vmem>>, %arg6: memref<512x512xf32, #tpu.memory_space<vmem>>, %arg7: memref<1x512xf32, #tpu.memory_space<vmem>>, %arg8: memref<1x512xf32, #tpu.memory_space<vmem>>, %arg9: memref<512x512xf32, #tpu.memory_space<vmem>>, %arg10: memref<512x512xf32, #tpu.memory_space<vmem>>, %arg11: memref<512x512xf32, #tpu.memory_space<vmem>>, %arg12: memref<2x512x512xf32, #tpu.memory_space<vmem>>, %arg13: memref<2x512x512xf32, #tpu.memory_space<vmem>>, %arg14: memref<2x512x512xf32, #tpu.memory_space<vmem>>, %arg15: memref<2x512x512xf32, #tpu.memory_space<vmem>>, %arg16: memref<31x16x512xf32, #tpu.memory_space<vmem>>) attributes {dimension_semantics = [], scalar_prefetch = 0 : i64, scratch_operands = 4 : i64, tpu.core_type = #tpu.core_type<tc>} {
    %get3A = arith.constant 0 : index
    %get3A_0 = arith.constant 0 : index
    %get3A_1 = arith.constant 0 : index
    %get3A_2 = vector.load %arg0[%get3A, %get3A_0, %get3A_1] : memref<2x512x512xf32, #tpu.memory_space<vmem>>, vector<1x512x512xf32>
    %get3A_3 = vector.shape_cast %get3A_2 : vector<1x512x512xf32> to vector<512x512xf32>
    %get3A_4 = arith.constant 0 : index
    %get3A_5 = arith.constant 0 : index
    %get3A_6 = vector.load %arg3[%get3A_4, %get3A_5] : memref<512x512xf32, #tpu.memory_space<vmem>>, vector<512x512xf32>
    %dot_general3A = arith.constant dense<0.000000e+00> : vector<512x512xf32>
    %dot_general3A_7 = tpu.matmul %get3A_3, %get3A_6, %dot_general3A {dimension_numbers = #tpu.dot_dimension_numbers<[1], [0], [0], [1], [0, 0, 1, 1], [], []>, transpose_lhs_hint = false} : vector<512x512xf32>, vector<512x512xf32>, vector<512x512xf32> -> vector<512x512xf32>
    %swap3A = arith.constant 0 : index
    %swap3A_8 = arith.constant 0 : index
    %swap3A_9 = arith.constant 0 : index
    %swap3A_10 = vector.load %arg13[%swap3A, %swap3A_8, %swap3A_9] : memref<2x512x512xf32, #tpu.memory_space<vmem>>, vector<1x512x512xf32>
    %swap3A_11 = vector.shape_cast %swap3A_10 : vector<1x512x512xf32> to vector<512x512xf32>
    %swap3A_12 = vector.shape_cast %dot_general3A_7 : vector<512x512xf32> to vector<1x512x512xf32>
    tpu.vector_store %arg13[%swap3A, %swap3A_8, %swap3A_9], %swap3A_12 {strides = array<i32>} : memref<2x512x512xf32, #tpu.memory_space<vmem>>, vector<1x512x512xf32>,
    %get3A_13 = arith.constant 0 : index
    %get3A_14 = arith.constant 0 : index
    %get3A_15 = arith.constant 0 : index
    %get3A_16 = vector.load %arg1[%get3A_13, %get3A_14, %get3A_15] : memref<2x512x512xf32, #tpu.memory_space<vmem>>, vector<1x512x512xf32>
    %get3A_17 = vector.shape_cast %get3A_16 : vector<1x512x512xf32> to vector<512x512xf32>
    %get3A_18 = arith.constant 0 : index
    %get3A_19 = arith.constant 0 : index
    %get3A_20 = vector.load %arg4[%get3A_18, %get3A_19] : memref<512x512xf32, #tpu.memory_space<vmem>>, vector<512x512xf32>
    %dot_general3A_21 = arith.constant dense<0.000000e+00> : vector<512x512xf32>
    %dot_general3A_22 = tpu.matmul %get3A_17, %get3A_20, %dot_general3A_21 {dimension_numbers = #tpu.dot_dimension_numbers<[1], [0], [0], [1], [0, 0, 1, 1], [], []>, transpose_lhs_hint = false} : vector<512x512xf32>, vector<512x512xf32>, vector<512x512xf32> -> vector<512x512xf32>
    %swap3A_23 = arith.constant 0 : index
    %swap3A_24 = arith.constant 0 : index
    %swap3A_25 = arith.constant 0 : index
    %swap3A_26 = vector.load %arg14[%swap3A_23, %swap3A_24, %swap3A_25] : memref<2x512x512xf32, #tpu.memory_space<vmem>>, vector<1x512x512xf32>
    %swap3A_27 = vector.shape_cast %swap3A_26 : vector<1x512x512xf32> to vector<512x512xf32>
    %swap3A_28 = vector.shape_cast %dot_general3A_22 : vector<512x512xf32> to vector<1x512x512xf32>
    tpu.vector_store %arg14[%swap3A_23, %swap3A_24, %swap3A_25], %swap3A_28 {strides = array<i32>} : memref<2x512x512xf32, #tpu.memory_space<vmem>>, vector<1x512x512xf32>,
    %get3A_29 = arith.constant 0 : index
    %get3A_30 = arith.constant 0 : index
    %get3A_31 = arith.constant 0 : index
    %get3A_32 = vector.load %arg2[%get3A_29, %get3A_30, %get3A_31] : memref<2x512x512xf32, #tpu.memory_space<vmem>>, vector<1x512x512xf32>
    %get3A_33 = vector.shape_cast %get3A_32 : vector<1x512x512xf32> to vector<512x512xf32>
    %get3A_34 = arith.constant 0 : index
    %get3A_35 = arith.constant 0 : index
    %get3A_36 = vector.load %arg5[%get3A_34, %get3A_35] : memref<512x512xf32, #tpu.memory_space<vmem>>, vector<512x512xf32>
    %dot_general3A_37 = arith.constant dense<0.000000e+00> : vector<512x512xf32>
    %dot_general3A_38 = tpu.matmul %get3A_33, %get3A_36, %dot_general3A_37 {dimension_numbers = #tpu.dot_dimension_numbers<[1], [0], [0], [1], [0, 0, 1, 1], [], []>, transpose_lhs_hint = false} : vector<512x512xf32>, vector<512x512xf32>, vector<512x512xf32> -> vector<512x512xf32>
    %swap3A_39 = arith.constant 0 : index
    %swap3A_40 = arith.constant 0 : index
    %swap3A_41 = arith.constant 0 : index
    %swap3A_42 = vector.load %arg15[%swap3A_39, %swap3A_40, %swap3A_41] : memref<2x512x512xf32, #tpu.memory_space<vmem>>, vector<1x512x512xf32>
    %swap3A_43 = vector.shape_cast %swap3A_42 : vector<1x512x512xf32> to vector<512x512xf32>
    %swap3A_44 = vector.shape_cast %dot_general3A_38 : vector<512x512xf32> to vector<1x512x512xf32>
    tpu.vector_store %arg15[%swap3A_39, %swap3A_40, %swap3A_41], %swap3A_44 {strides = array<i32>} : memref<2x512x512xf32, #tpu.memory_space<vmem>>, vector<1x512x512xf32>,
    %get3A_45 = arith.constant 1 : index
    %get3A_46 = arith.constant 0 : index
    %get3A_47 = arith.constant 0 : index
    %get3A_48 = vector.load %arg0[%get3A_45, %get3A_46, %get3A_47] : memref<2x512x512xf32, #tpu.memory_space<vmem>>, vector<1x512x512xf32>
    %get3A_49 = vector.shape_cast %get3A_48 : vector<1x512x512xf32> to vector<512x512xf32>
    %get3A_50 = arith.constant 0 : index
    %get3A_51 = arith.constant 0 : index
    %get3A_52 = vector.load %arg3[%get3A_50, %get3A_51] : memref<512x512xf32, #tpu.memory_space<vmem>>, vector<512x512xf32>
    %dot_general3A_53 = arith.constant dense<0.000000e+00> : vector<512x512xf32>
    %dot_general3A_54 = tpu.matmul %get3A_49, %get3A_52, %dot_general3A_53 {dimension_numbers = #tpu.dot_dimension_numbers<[1], [0], [0], [1], [0, 0, 1, 1], [], []>, transpose_lhs_hint = false} : vector<512x512xf32>, vector<512x512xf32>, vector<512x512xf32> -> vector<512x512xf32>
    %swap3A_55 = arith.constant 1 : index
    %swap3A_56 = arith.constant 0 : index
    %swap3A_57 = arith.constant 0 : index
    %swap3A_58 = vector.load %arg13[%swap3A_55, %swap3A_56, %swap3A_57] : memref<2x512x512xf32, #tpu.memory_space<vmem>>, vector<1x512x512xf32>
    %swap3A_59 = vector.shape_cast %swap3A_58 : vector<1x512x512xf32> to vector<512x512xf32>
    %swap3A_60 = vector.shape_cast %dot_general3A_54 : vector<512x512xf32> to vector<1x512x512xf32>
    tpu.vector_store %arg13[%swap3A_55, %swap3A_56, %swap3A_57], %swap3A_60 {strides = array<i32>} : memref<2x512x512xf32, #tpu.memory_space<vmem>>, vector<1x512x512xf32>,
    %get3A_61 = arith.constant 1 : index
    %get3A_62 = arith.constant 0 : index
    %get3A_63 = arith.constant 0 : index
    %get3A_64 = vector.load %arg1[%get3A_61, %get3A_62, %get3A_63] : memref<2x512x512xf32, #tpu.memory_space<vmem>>, vector<1x512x512xf32>
    %get3A_65 = vector.shape_cast %get3A_64 : vector<1x512x512xf32> to vector<512x512xf32>
    %get3A_66 = arith.constant 0 : index
    %get3A_67 = arith.constant 0 : index
    %get3A_68 = vector.load %arg4[%get3A_66, %get3A_67] : memref<512x512xf32, #tpu.memory_space<vmem>>, vector<512x512xf32>
    %dot_general3A_69 = arith.constant dense<0.000000e+00> : vector<512x512xf32>
    %dot_general3A_70 = tpu.matmul %get3A_65, %get3A_68, %dot_general3A_69 {dimension_numbers = #tpu.dot_dimension_numbers<[1], [0], [0], [1], [0, 0, 1, 1], [], []>, transpose_lhs_hint = false} : vector<512x512xf32>, vector<512x512xf32>, vector<512x512xf32> -> vector<512x512xf32>
    %swap3A_71 = arith.constant 1 : index
    %swap3A_72 = arith.constant 0 : index
    %swap3A_73 = arith.constant 0 : index
    %swap3A_74 = vector.load %arg14[%swap3A_71, %swap3A_72, %swap3A_73] : memref<2x512x512xf32, #tpu.memory_space<vmem>>, vector<1x512x512xf32>
    %swap3A_75 = vector.shape_cast %swap3A_74 : vector<1x512x512xf32> to vector<512x512xf32>
    %swap3A_76 = vector.shape_cast %dot_general3A_70 : vector<512x512xf32> to vector<1x512x512xf32>
    tpu.vector_store %arg14[%swap3A_71, %swap3A_72, %swap3A_73], %swap3A_76 {strides = array<i32>} : memref<2x512x512xf32, #tpu.memory_space<vmem>>, vector<1x512x512xf32>,
    %get3A_77 = arith.constant 1 : index
    %get3A_78 = arith.constant 0 : index
    %get3A_79 = arith.constant 0 : index
    %get3A_80 = vector.load %arg2[%get3A_77, %get3A_78, %get3A_79] : memref<2x512x512xf32, #tpu.memory_space<vmem>>, vector<1x512x512xf32>
    %get3A_81 = vector.shape_cast %get3A_80 : vector<1x512x512xf32> to vector<512x512xf32>
    %get3A_82 = arith.constant 0 : index
    %get3A_83 = arith.constant 0 : index
    %get3A_84 = vector.load %arg5[%get3A_82, %get3A_83] : memref<512x512xf32, #tpu.memory_space<vmem>>, vector<512x512xf32>
    %dot_general3A_85 = arith.constant dense<0.000000e+00> : vector<512x512xf32>
    %dot_general3A_86 = tpu.matmul %get3A_81, %get3A_84, %dot_general3A_85 {dimension_numbers = #tpu.dot_dimension_numbers<[1], [0], [0], [1], [0, 0, 1, 1], [], []>, transpose_lhs_hint = false} : vector<512x512xf32>, vector<512x512xf32>, vector<512x512xf32> -> vector<512x512xf32>
    %swap3A_87 = arith.constant 1 : index
    %swap3A_88 = arith.constant 0 : index
    %swap3A_89 = arith.constant 0 : index
    %swap3A_90 = vector.load %arg15[%swap3A_87, %swap3A_88, %swap3A_89] : memref<2x512x512xf32, #tpu.memory_space<vmem>>, vector<1x512x512xf32>
    %swap3A_91 = vector.shape_cast %swap3A_90 : vector<1x512x512xf32> to vector<512x512xf32>
    %swap3A_92 = vector.shape_cast %dot_general3A_86 : vector<512x512xf32> to vector<1x512x512xf32>
    tpu.vector_store %arg15[%swap3A_87, %swap3A_88, %swap3A_89], %swap3A_92 {strides = array<i32>} : memref<2x512x512xf32, #tpu.memory_space<vmem>>, vector<1x512x512xf32>,
    %get3A_93 = arith.constant 0 : index
    %get3A_94 = arith.constant 0 : index
    %get3A_95 = vector.load %arg9[%get3A_93, %get3A_94] : memref<512x512xf32, #tpu.memory_space<vmem>>, vector<512x512xf32>
    %get3A_96 = arith.constant 0 : index
    %get3A_97 = arith.constant 0 : index
    %get3A_98 = vector.load %arg10[%get3A_96, %get3A_97] : memref<512x512xf32, #tpu.memory_space<vmem>>, vector<512x512xf32>
    %get3A_99 = arith.constant 0 : index
    %get3A_100 = arith.constant 0 : index
    %get3A_101 = arith.constant 0 : index
    %get3A_102 = vector.load %arg14[%get3A_99, %get3A_100, %get3A_101] : memref<2x512x512xf32, #tpu.memory_space<vmem>>, vector<1x512x512xf32>
    %get3A_103 = vector.shape_cast %get3A_102 : vector<1x512x512xf32> to vector<512x512xf32>
    %slice3A = vector.extract_strided_slice %get3A_103 {offsets = [0, 0], sizes = [512, 64], strides = [1, 1]} : vector<512x512xf32> to vector<512x64xf32>
    %get3A_104 = arith.constant 0 : index
    %get3A_105 = arith.constant 0 : index
    %get3A_106 = arith.constant 0 : index
    %get3A_107 = vector.load %arg13[%get3A_104, %get3A_105, %get3A_106] : memref<2x512x512xf32, #tpu.memory_space<vmem>>, vector<1x512x512xf32>
    %get3A_108 = vector.shape_cast %get3A_107 : vector<1x512x512xf32> to vector<512x512xf32>
    %slice3A_109 = vector.extract_strided_slice %get3A_108 {offsets = [0, 0], sizes = [512, 64], strides = [1, 1]} : vector<512x512xf32> to vector<512x64xf32>
    %dot_general3A_110 = arith.constant dense<0.000000e+00> : vector<512x512xf32>
    %dot_general3A_111 = tpu.matmul %slice3A, %slice3A_109, %dot_general3A_110 {dimension_numbers = #tpu.dot_dimension_numbers<[1], [1], [0], [0], [0, 0, 1, 0], [], []>, transpose_lhs_hint = false} : vector<512x64xf32>, vector<512x64xf32>, vector<512x512xf32> -> vector<512x512xf32>
    %gt3A = arith.constant 5.000000e-01 : f32
    %gt3A_112 = vector.broadcast %gt3A : f32 to vector<512x512xf32>
    %gt3A_113 = arith.cmpf ogt, %get3A_95, %gt3A_112 : vector<512x512xf32>
    %jit3A = arith.constant 0xFF800000 : f32
    %broadcast_in_dim3A = vector.broadcast %jit3A : f32 to vector<512x512xf32>
    %select_n3A = arith.select %gt3A_113, %dot_general3A_111, %broadcast_in_dim3A : vector<512x512xi1>, vector<512x512xf32>
    %reduce_max3A = arith.constant dense<0xFF800000> : vector<512xf32>
    %reduce_max3A_114 = vector.multi_reduction <maximumf>, %select_n3A, %reduce_max3A [0] : vector<512x512xf32> to vector<512xf32>
    %broadcast_in_dim3A_115 = vector.shape_cast %reduce_max3A_114 : vector<512xf32> to vector<1x512xf32>
    %mul3A = arith.mulf %dot_general3A_111, %get3A_98 : vector<512x512xf32>
    %reduce_sum3A = arith.constant dense<0.000000e+00> : vector<512xf32>
    %reduce_sum3A_116 = vector.multi_reduction <add>, %mul3A, %reduce_sum3A [0] : vector<512x512xf32> to vector<512xf32>
    %broadcast_in_dim3A_117 = vector.shape_cast %reduce_sum3A_116 : vector<512xf32> to vector<1x512xf32>
    %sub3A = arith.subf %broadcast_in_dim3A_115, %broadcast_in_dim3A_117 : vector<1x512xf32>
    %get3A_118 = arith.constant 0 : index
    %get3A_119 = arith.constant 0 : index
    %get3A_120 = arith.constant 0 : index
    %get3A_121 = vector.load %arg14[%get3A_118, %get3A_119, %get3A_120] : memref<2x512x512xf32, #tpu.memory_space<vmem>>, vector<1x512x512xf32>
    %get3A_122 = vector.shape_cast %get3A_121 : vector<1x512x512xf32> to vector<512x512xf32>
    %slice3A_123 = vector.extract_strided_slice %get3A_122 {offsets = [0, 64], sizes = [512, 64], strides = [1, 1]} : vector<512x512xf32> to vector<512x64xf32>
    %get3A_124 = arith.constant 0 : index
    %get3A_125 = arith.constant 0 : index
    %get3A_126 = arith.constant 0 : index
    %get3A_127 = vector.load %arg13[%get3A_124, %get3A_125, %get3A_126] : memref<2x512x512xf32, #tpu.memory_space<vmem>>, vector<1x512x512xf32>
    %get3A_128 = vector.shape_cast %get3A_127 : vector<1x512x512xf32> to vector<512x512xf32>
    %slice3A_129 = vector.extract_strided_slice %get3A_128 {offsets = [0, 64], sizes = [512, 64], strides = [1, 1]} : vector<512x512xf32> to vector<512x64xf32>
    %dot_general3A_130 = arith.constant dense<0.000000e+00> : vector<512x512xf32>
    %dot_general3A_131 = tpu.matmul %slice3A_123, %slice3A_129, %dot_general3A_130 {dimension_numbers = #tpu.dot_dimension_numbers<[1], [1], [0], [0], [0, 0, 1, 0], [], []>, transpose_lhs_hint = false} : vector<512x64xf32>, vector<512x64xf32>, vector<512x512xf32> -> vector<512x512xf32>
    %gt3A_132 = arith.constant 5.000000e-01 : f32
    %gt3A_133 = vector.broadcast %gt3A_132 : f32 to vector<512x512xf32>
    %gt3A_134 = arith.cmpf ogt, %get3A_95, %gt3A_133 : vector<512x512xf32>
    %jit3A_135 = arith.constant 0xFF800000 : f32
    %broadcast_in_dim3A_136 = vector.broadcast %jit3A_135 : f32 to vector<512x512xf32>
    %select_n3A_137 = arith.select %gt3A_134, %dot_general3A_131, %broadcast_in_dim3A_136 : vector<512x512xi1>, vector<512x512xf32>
    %reduce_max3A_138 = arith.constant dense<0xFF800000> : vector<512xf32>
    %reduce_max3A_139 = vector.multi_reduction <maximumf>, %select_n3A_137, %reduce_max3A_138 [0] : vector<512x512xf32> to vector<512xf32>
    %broadcast_in_dim3A_140 = vector.shape_cast %reduce_max3A_139 : vector<512xf32> to vector<1x512xf32>
    %mul3A_141 = arith.mulf %dot_general3A_131, %get3A_98 : vector<512x512xf32>
    %reduce_sum3A_142 = arith.constant dense<0.000000e+00> : vector<512xf32>
    %reduce_sum3A_143 = vector.multi_reduction <add>, %mul3A_141, %reduce_sum3A_142 [0] : vector<512x512xf32> to vector<512xf32>
    %broadcast_in_dim3A_144 = vector.shape_cast %reduce_sum3A_143 : vector<512xf32> to vector<1x512xf32>
    %sub3A_145 = arith.subf %broadcast_in_dim3A_140, %broadcast_in_dim3A_144 : vector<1x512xf32>
    %get3A_146 = arith.constant 0 : index
    %get3A_147 = arith.constant 0 : index
    %get3A_148 = arith.constant 0 : index
    %get3A_149 = vector.load %arg14[%get3A_146, %get3A_147, %get3A_148] : memref<2x512x512xf32, #tpu.memory_space<vmem>>, vector<1x512x512xf32>
    %get3A_150 = vector.shape_cast %get3A_149 : vector<1x512x512xf32> to vector<512x512xf32>
    %slice3A_151 = vector.extract_strided_slice %get3A_150 {offsets = [0, 128], sizes = [512, 64], strides = [1, 1]} : vector<512x512xf32> to vector<512x64xf32>
    %get3A_152 = arith.constant 0 : index
    %get3A_153 = arith.constant 0 : index
    %get3A_154 = arith.constant 0 : index
    %get3A_155 = vector.load %arg13[%get3A_152, %get3A_153, %get3A_154] : memref<2x512x512xf32, #tpu.memory_space<vmem>>, vector<1x512x512xf32>
    %get3A_156 = vector.shape_cast %get3A_155 : vector<1x512x512xf32> to vector<512x512xf32>
    %slice3A_157 = vector.extract_strided_slice %get3A_156 {offsets = [0, 128], sizes = [512, 64], strides = [1, 1]} : vector<512x512xf32> to vector<512x64xf32>
    %dot_general3A_158 = arith.constant dense<0.000000e+00> : vector<512x512xf32>
    %dot_general3A_159 = tpu.matmul %slice3A_151, %slice3A_157, %dot_general3A_158 {dimension_numbers = #tpu.dot_dimension_numbers<[1], [1], [0], [0], [0, 0, 1, 0], [], []>, transpose_lhs_hint = false} : vector<512x64xf32>, vector<512x64xf32>, vector<512x512xf32> -> vector<512x512xf32>
    %gt3A_160 = arith.constant 5.000000e-01 : f32
    %gt3A_161 = vector.broadcast %gt3A_160 : f32 to vector<512x512xf32>
    %gt3A_162 = arith.cmpf ogt, %get3A_95, %gt3A_161 : vector<512x512xf32>
    %jit3A_163 = arith.constant 0xFF800000 : f32
    %broadcast_in_dim3A_164 = vector.broadcast %jit3A_163 : f32 to vector<512x512xf32>
    %select_n3A_165 = arith.select %gt3A_162, %dot_general3A_159, %broadcast_in_dim3A_164 : vector<512x512xi1>, vector<512x512xf32>
    %reduce_max3A_166 = arith.constant dense<0xFF800000> : vector<512xf32>
    %reduce_max3A_167 = vector.multi_reduction <maximumf>, %select_n3A_165, %reduce_max3A_166 [0] : vector<512x512xf32> to vector<512xf32>
    %broadcast_in_dim3A_168 = vector.shape_cast %reduce_max3A_167 : vector<512xf32> to vector<1x512xf32>
    %mul3A_169 = arith.mulf %dot_general3A_159, %get3A_98 : vector<512x512xf32>
    %reduce_sum3A_170 = arith.constant dense<0.000000e+00> : vector<512xf32>
    %reduce_sum3A_171 = vector.multi_reduction <add>, %mul3A_169, %reduce_sum3A_170 [0] : vector<512x512xf32> to vector<512xf32>
    %broadcast_in_dim3A_172 = vector.shape_cast %reduce_sum3A_171 : vector<512xf32> to vector<1x512xf32>
    %sub3A_173 = arith.subf %broadcast_in_dim3A_168, %broadcast_in_dim3A_172 : vector<1x512xf32>
    %get3A_174 = arith.constant 0 : index
    %get3A_175 = arith.constant 0 : index
    %get3A_176 = arith.constant 0 : index
    %get3A_177 = vector.load %arg14[%get3A_174, %get3A_175, %get3A_176] : memref<2x512x512xf32, #tpu.memory_space<vmem>>, vector<1x512x512xf32>
    %get3A_178 = vector.shape_cast %get3A_177 : vector<1x512x512xf32> to vector<512x512xf32>
    %slice3A_179 = vector.extract_strided_slice %get3A_178 {offsets = [0, 192], sizes = [512, 64], strides = [1, 1]} : vector<512x512xf32> to vector<512x64xf32>
    %get3A_180 = arith.constant 0 : index
    %get3A_181 = arith.constant 0 : index
    %get3A_182 = arith.constant 0 : index
    %get3A_183 = vector.load %arg13[%get3A_180, %get3A_181, %get3A_182] : memref<2x512x512xf32, #tpu.memory_space<vmem>>, vector<1x512x512xf32>
    %get3A_184 = vector.shape_cast %get3A_183 : vector<1x512x512xf32> to vector<512x512xf32>
    %slice3A_185 = vector.extract_strided_slice %get3A_184 {offsets = [0, 192], sizes = [512, 64], strides = [1, 1]} : vector<512x512xf32> to vector<512x64xf32>
    %dot_general3A_186 = arith.constant dense<0.000000e+00> : vector<512x512xf32>
    %dot_general3A_187 = tpu.matmul %slice3A_179, %slice3A_185, %dot_general3A_186 {dimension_numbers = #tpu.dot_dimension_numbers<[1], [1], [0], [0], [0, 0, 1, 0], [], []>, transpose_lhs_hint = false} : vector<512x64xf32>, vector<512x64xf32>, vector<512x512xf32> -> vector<512x512xf32>
    %gt3A_188 = arith.constant 5.000000e-01 : f32
    %gt3A_189 = vector.broadcast %gt3A_188 : f32 to vector<512x512xf32>
    %gt3A_190 = arith.cmpf ogt, %get3A_95, %gt3A_189 : vector<512x512xf32>
    %jit3A_191 = arith.constant 0xFF800000 : f32
    %broadcast_in_dim3A_192 = vector.broadcast %jit3A_191 : f32 to vector<512x512xf32>
    %select_n3A_193 = arith.select %gt3A_190, %dot_general3A_187, %broadcast_in_dim3A_192 : vector<512x512xi1>, vector<512x512xf32>
    %reduce_max3A_194 = arith.constant dense<0xFF800000> : vector<512xf32>
    %reduce_max3A_195 = vector.multi_reduction <maximumf>, %select_n3A_193, %reduce_max3A_194 [0] : vector<512x512xf32> to vector<512xf32>
    %broadcast_in_dim3A_196 = vector.shape_cast %reduce_max3A_195 : vector<512xf32> to vector<1x512xf32>
    %mul3A_197 = arith.mulf %dot_general3A_187, %get3A_98 : vector<512x512xf32>
    %reduce_sum3A_198 = arith.constant dense<0.000000e+00> : vector<512xf32>
    %reduce_sum3A_199 = vector.multi_reduction <add>, %mul3A_197, %reduce_sum3A_198 [0] : vector<512x512xf32> to vector<512xf32>
    %broadcast_in_dim3A_200 = vector.shape_cast %reduce_sum3A_199 : vector<512xf32> to vector<1x512xf32>
    %sub3A_201 = arith.subf %broadcast_in_dim3A_196, %broadcast_in_dim3A_200 : vector<1x512xf32>
    %get3A_202 = arith.constant 0 : index
    %get3A_203 = arith.constant 0 : index
    %get3A_204 = arith.constant 0 : index
    %get3A_205 = vector.load %arg14[%get3A_202, %get3A_203, %get3A_204] : memref<2x512x512xf32, #tpu.memory_space<vmem>>, vector<1x512x512xf32>
    %get3A_206 = vector.shape_cast %get3A_205 : vector<1x512x512xf32> to vector<512x512xf32>
    %slice3A_207 = vector.extract_strided_slice %get3A_206 {offsets = [0, 256], sizes = [512, 64], strides = [1, 1]} : vector<512x512xf32> to vector<512x64xf32>
    %get3A_208 = arith.constant 0 : index
    %get3A_209 = arith.constant 0 : index
    %get3A_210 = arith.constant 0 : index
    %get3A_211 = vector.load %arg13[%get3A_208, %get3A_209, %get3A_210] : memref<2x512x512xf32, #tpu.memory_space<vmem>>, vector<1x512x512xf32>
    %get3A_212 = vector.shape_cast %get3A_211 : vector<1x512x512xf32> to vector<512x512xf32>
    %slice3A_213 = vector.extract_strided_slice %get3A_212 {offsets = [0, 256], sizes = [512, 64], strides = [1, 1]} : vector<512x512xf32> to vector<512x64xf32>
    %dot_general3A_214 = arith.constant dense<0.000000e+00> : vector<512x512xf32>
    %dot_general3A_215 = tpu.matmul %slice3A_207, %slice3A_213, %dot_general3A_214 {dimension_numbers = #tpu.dot_dimension_numbers<[1], [1], [0], [0], [0, 0, 1, 0], [], []>, transpose_lhs_hint = false} : vector<512x64xf32>, vector<512x64xf32>, vector<512x512xf32> -> vector<512x512xf32>
    %gt3A_216 = arith.constant 5.000000e-01 : f32
    %gt3A_217 = vector.broadcast %gt3A_216 : f32 to vector<512x512xf32>
    %gt3A_218 = arith.cmpf ogt, %get3A_95, %gt3A_217 : vector<512x512xf32>
    %jit3A_219 = arith.constant 0xFF800000 : f32
    %broadcast_in_dim3A_220 = vector.broadcast %jit3A_219 : f32 to vector<512x512xf32>
    %select_n3A_221 = arith.select %gt3A_218, %dot_general3A_215, %broadcast_in_dim3A_220 : vector<512x512xi1>, vector<512x512xf32>
    %reduce_max3A_222 = arith.constant dense<0xFF800000> : vector<512xf32>
    %reduce_max3A_223 = vector.multi_reduction <maximumf>, %select_n3A_221, %reduce_max3A_222 [0] : vector<512x512xf32> to vector<512xf32>
    %broadcast_in_dim3A_224 = vector.shape_cast %reduce_max3A_223 : vector<512xf32> to vector<1x512xf32>
    %mul3A_225 = arith.mulf %dot_general3A_215, %get3A_98 : vector<512x512xf32>
    %reduce_sum3A_226 = arith.constant dense<0.000000e+00> : vector<512xf32>
    %reduce_sum3A_227 = vector.multi_reduction <add>, %mul3A_225, %reduce_sum3A_226 [0] : vector<512x512xf32> to vector<512xf32>
    %broadcast_in_dim3A_228 = vector.shape_cast %reduce_sum3A_227 : vector<512xf32> to vector<1x512xf32>
    %sub3A_229 = arith.subf %broadcast_in_dim3A_224, %broadcast_in_dim3A_228 : vector<1x512xf32>
    %get3A_230 = arith.constant 0 : index
    %get3A_231 = arith.constant 0 : index
    %get3A_232 = arith.constant 0 : index
    %get3A_233 = vector.load %arg14[%get3A_230, %get3A_231, %get3A_232] : memref<2x512x512xf32, #tpu.memory_space<vmem>>, vector<1x512x512xf32>
    %get3A_234 = vector.shape_cast %get3A_233 : vector<1x512x512xf32> to vector<512x512xf32>
    %slice3A_235 = vector.extract_strided_slice %get3A_234 {offsets = [0, 320], sizes = [512, 64], strides = [1, 1]} : vector<512x512xf32> to vector<512x64xf32>
    %get3A_236 = arith.constant 0 : index
    %get3A_237 = arith.constant 0 : index
    %get3A_238 = arith.constant 0 : index
    %get3A_239 = vector.load %arg13[%get3A_236, %get3A_237, %get3A_238] : memref<2x512x512xf32, #tpu.memory_space<vmem>>, vector<1x512x512xf32>
    %get3A_240 = vector.shape_cast %get3A_239 : vector<1x512x512xf32> to vector<512x512xf32>
    %slice3A_241 = vector.extract_strided_slice %get3A_240 {offsets = [0, 320], sizes = [512, 64], strides = [1, 1]} : vector<512x512xf32> to vector<512x64xf32>
    %dot_general3A_242 = arith.constant dense<0.000000e+00> : vector<512x512xf32>
    %dot_general3A_243 = tpu.matmul %slice3A_235, %slice3A_241, %dot_general3A_242 {dimension_numbers = #tpu.dot_dimension_numbers<[1], [1], [0], [0], [0, 0, 1, 0], [], []>, transpose_lhs_hint = false} : vector<512x64xf32>, vector<512x64xf32>, vector<512x512xf32> -> vector<512x512xf32>
    %gt3A_244 = arith.constant 5.000000e-01 : f32
    %gt3A_245 = vector.broadcast %gt3A_244 : f32 to vector<512x512xf32>
    %gt3A_246 = arith.cmpf ogt, %get3A_95, %gt3A_245 : vector<512x512xf32>
    %jit3A_247 = arith.constant 0xFF800000 : f32
    %broadcast_in_dim3A_248 = vector.broadcast %jit3A_247 : f32 to vector<512x512xf32>
    %select_n3A_249 = arith.select %gt3A_246, %dot_general3A_243, %broadcast_in_dim3A_248 : vector<512x512xi1>, vector<512x512xf32>
    %reduce_max3A_250 = arith.constant dense<0xFF800000> : vector<512xf32>
    %reduce_max3A_251 = vector.multi_reduction <maximumf>, %select_n3A_249, %reduce_max3A_250 [0] : vector<512x512xf32> to vector<512xf32>
    %broadcast_in_dim3A_252 = vector.shape_cast %reduce_max3A_251 : vector<512xf32> to vector<1x512xf32>
    %mul3A_253 = arith.mulf %dot_general3A_243, %get3A_98 : vector<512x512xf32>
    %reduce_sum3A_254 = arith.constant dense<0.000000e+00> : vector<512xf32>
    %reduce_sum3A_255 = vector.multi_reduction <add>, %mul3A_253, %reduce_sum3A_254 [0] : vector<512x512xf32> to vector<512xf32>
    %broadcast_in_dim3A_256 = vector.shape_cast %reduce_sum3A_255 : vector<512xf32> to vector<1x512xf32>
    %sub3A_257 = arith.subf %broadcast_in_dim3A_252, %broadcast_in_dim3A_256 : vector<1x512xf32>
    %get3A_258 = arith.constant 0 : index
    %get3A_259 = arith.constant 0 : index
    %get3A_260 = arith.constant 0 : index
    %get3A_261 = vector.load %arg14[%get3A_258, %get3A_259, %get3A_260] : memref<2x512x512xf32, #tpu.memory_space<vmem>>, vector<1x512x512xf32>
    %get3A_262 = vector.shape_cast %get3A_261 : vector<1x512x512xf32> to vector<512x512xf32>
    %slice3A_263 = vector.extract_strided_slice %get3A_262 {offsets = [0, 384], sizes = [512, 64], strides = [1, 1]} : vector<512x512xf32> to vector<512x64xf32>
    %get3A_264 = arith.constant 0 : index
    %get3A_265 = arith.constant 0 : index
    %get3A_266 = arith.constant 0 : index
    %get3A_267 = vector.load %arg13[%get3A_264, %get3A_265, %get3A_266] : memref<2x512x512xf32, #tpu.memory_space<vmem>>, vector<1x512x512xf32>
    %get3A_268 = vector.shape_cast %get3A_267 : vector<1x512x512xf32> to vector<512x512xf32>
    %slice3A_269 = vector.extract_strided_slice %get3A_268 {offsets = [0, 384], sizes = [512, 64], strides = [1, 1]} : vector<512x512xf32> to vector<512x64xf32>
    %dot_general3A_270 = arith.constant dense<0.000000e+00> : vector<512x512xf32>
    %dot_general3A_271 = tpu.matmul %slice3A_263, %slice3A_269, %dot_general3A_270 {dimension_numbers = #tpu.dot_dimension_numbers<[1], [1], [0], [0], [0, 0, 1, 0], [], []>, transpose_lhs_hint = false} : vector<512x64xf32>, vector<512x64xf32>, vector<512x512xf32> -> vector<512x512xf32>
    %gt3A_272 = arith.constant 5.000000e-01 : f32
    %gt3A_273 = vector.broadcast %gt3A_272 : f32 to vector<512x512xf32>
    %gt3A_274 = arith.cmpf ogt, %get3A_95, %gt3A_273 : vector<512x512xf32>
    %jit3A_275 = arith.constant 0xFF800000 : f32
    %broadcast_in_dim3A_276 = vector.broadcast %jit3A_275 : f32 to vector<512x512xf32>
    %select_n3A_277 = arith.select %gt3A_274, %dot_general3A_271, %broadcast_in_dim3A_276 : vector<512x512xi1>, vector<512x512xf32>
    %reduce_max3A_278 = arith.constant dense<0xFF800000> : vector<512xf32>
    %reduce_max3A_279 = vector.multi_reduction <maximumf>, %select_n3A_277, %reduce_max3A_278 [0] : vector<512x512xf32> to vector<512xf32>
    %broadcast_in_dim3A_280 = vector.shape_cast %reduce_max3A_279 : vector<512xf32> to vector<1x512xf32>
    %mul3A_281 = arith.mulf %dot_general3A_271, %get3A_98 : vector<512x512xf32>
    %reduce_sum3A_282 = arith.constant dense<0.000000e+00> : vector<512xf32>
    %reduce_sum3A_283 = vector.multi_reduction <add>, %mul3A_281, %reduce_sum3A_282 [0] : vector<512x512xf32> to vector<512xf32>
    %broadcast_in_dim3A_284 = vector.shape_cast %reduce_sum3A_283 : vector<512xf32> to vector<1x512xf32>
    %sub3A_285 = arith.subf %broadcast_in_dim3A_280, %broadcast_in_dim3A_284 : vector<1x512xf32>
    %get3A_286 = arith.constant 0 : index
    %get3A_287 = arith.constant 0 : index
    %get3A_288 = arith.constant 0 : index
    %get3A_289 = vector.load %arg14[%get3A_286, %get3A_287, %get3A_288] : memref<2x512x512xf32, #tpu.memory_space<vmem>>, vector<1x512x512xf32>
    %get3A_290 = vector.shape_cast %get3A_289 : vector<1x512x512xf32> to vector<512x512xf32>
    %slice3A_291 = vector.extract_strided_slice %get3A_290 {offsets = [0, 448], sizes = [512, 64], strides = [1, 1]} : vector<512x512xf32> to vector<512x64xf32>
    %get3A_292 = arith.constant 0 : index
    %get3A_293 = arith.constant 0 : index
    %get3A_294 = arith.constant 0 : index
    %get3A_295 = vector.load %arg13[%get3A_292, %get3A_293, %get3A_294] : memref<2x512x512xf32, #tpu.memory_space<vmem>>, vector<1x512x512xf32>
    %get3A_296 = vector.shape_cast %get3A_295 : vector<1x512x512xf32> to vector<512x512xf32>
    %slice3A_297 = vector.extract_strided_slice %get3A_296 {offsets = [0, 448], sizes = [512, 64], strides = [1, 1]} : vector<512x512xf32> to vector<512x64xf32>
    %dot_general3A_298 = arith.constant dense<0.000000e+00> : vector<512x512xf32>
    %dot_general3A_299 = tpu.matmul %slice3A_291, %slice3A_297, %dot_general3A_298 {dimension_numbers = #tpu.dot_dimension_numbers<[1], [1], [0], [0], [0, 0, 1, 0], [], []>, transpose_lhs_hint = false} : vector<512x64xf32>, vector<512x64xf32>, vector<512x512xf32> -> vector<512x512xf32>
    %gt3A_300 = arith.constant 5.000000e-01 : f32
    %gt3A_301 = vector.broadcast %gt3A_300 : f32 to vector<512x512xf32>
    %gt3A_302 = arith.cmpf ogt, %get3A_95, %gt3A_301 : vector<512x512xf32>
    %jit3A_303 = arith.constant 0xFF800000 : f32
    %broadcast_in_dim3A_304 = vector.broadcast %jit3A_303 : f32 to vector<512x512xf32>
    %select_n3A_305 = arith.select %gt3A_302, %dot_general3A_299, %broadcast_in_dim3A_304 : vector<512x512xi1>, vector<512x512xf32>
    %reduce_max3A_306 = arith.constant dense<0xFF800000> : vector<512xf32>
    %reduce_max3A_307 = vector.multi_reduction <maximumf>, %select_n3A_305, %reduce_max3A_306 [0] : vector<512x512xf32> to vector<512xf32>
    %broadcast_in_dim3A_308 = vector.shape_cast %reduce_max3A_307 : vector<512xf32> to vector<1x512xf32>
    %mul3A_309 = arith.mulf %dot_general3A_299, %get3A_98 : vector<512x512xf32>
    %reduce_sum3A_310 = arith.constant dense<0.000000e+00> : vector<512xf32>
    %reduce_sum3A_311 = vector.multi_reduction <add>, %mul3A_309, %reduce_sum3A_310 [0] : vector<512x512xf32> to vector<512xf32>
    %broadcast_in_dim3A_312 = vector.shape_cast %reduce_sum3A_311 : vector<512xf32> to vector<1x512xf32>
    %sub3A_313 = arith.subf %broadcast_in_dim3A_308, %broadcast_in_dim3A_312 : vector<1x512xf32>
    %get3A_314 = arith.constant 1 : index
    %get3A_315 = arith.constant 0 : index
    %get3A_316 = arith.constant 0 : index
    %get3A_317 = vector.load %arg14[%get3A_314, %get3A_315, %get3A_316] : memref<2x512x512xf32, #tpu.memory_space<vmem>>, vector<1x512x512xf32>
    %get3A_318 = vector.shape_cast %get3A_317 : vector<1x512x512xf32> to vector<512x512xf32>
    %slice3A_319 = vector.extract_strided_slice %get3A_318 {offsets = [0, 0], sizes = [512, 64], strides = [1, 1]} : vector<512x512xf32> to vector<512x64xf32>
    %get3A_320 = arith.constant 1 : index
    %get3A_321 = arith.constant 0 : index
    %get3A_322 = arith.constant 0 : index
    %get3A_323 = vector.load %arg13[%get3A_320, %get3A_321, %get3A_322] : memref<2x512x512xf32, #tpu.memory_space<vmem>>, vector<1x512x512xf32>
    %get3A_324 = vector.shape_cast %get3A_323 : vector<1x512x512xf32> to vector<512x512xf32>
    %slice3A_325 = vector.extract_strided_slice %get3A_324 {offsets = [0, 0], sizes = [512, 64], strides = [1, 1]} : vector<512x512xf32> to vector<512x64xf32>
    %dot_general3A_326 = arith.constant dense<0.000000e+00> : vector<512x512xf32>
    %dot_general3A_327 = tpu.matmul %slice3A_319, %slice3A_325, %dot_general3A_326 {dimension_numbers = #tpu.dot_dimension_numbers<[1], [1], [0], [0], [0, 0, 1, 0], [], []>, transpose_lhs_hint = false} : vector<512x64xf32>, vector<512x64xf32>, vector<512x512xf32> -> vector<512x512xf32>
    %gt3A_328 = arith.constant 5.000000e-01 : f32
    %gt3A_329 = vector.broadcast %gt3A_328 : f32 to vector<512x512xf32>
    %gt3A_330 = arith.cmpf ogt, %get3A_95, %gt3A_329 : vector<512x512xf32>
    %jit3A_331 = arith.constant 0xFF800000 : f32
    %broadcast_in_dim3A_332 = vector.broadcast %jit3A_331 : f32 to vector<512x512xf32>
    %select_n3A_333 = arith.select %gt3A_330, %dot_general3A_327, %broadcast_in_dim3A_332 : vector<512x512xi1>, vector<512x512xf32>
    %reduce_max3A_334 = arith.constant dense<0xFF800000> : vector<512xf32>
    %reduce_max3A_335 = vector.multi_reduction <maximumf>, %select_n3A_333, %reduce_max3A_334 [0] : vector<512x512xf32> to vector<512xf32>
    %broadcast_in_dim3A_336 = vector.shape_cast %reduce_max3A_335 : vector<512xf32> to vector<1x512xf32>
    %mul3A_337 = arith.mulf %dot_general3A_327, %get3A_98 : vector<512x512xf32>
    %reduce_sum3A_338 = arith.constant dense<0.000000e+00> : vector<512xf32>
    %reduce_sum3A_339 = vector.multi_reduction <add>, %mul3A_337, %reduce_sum3A_338 [0] : vector<512x512xf32> to vector<512xf32>
    %broadcast_in_dim3A_340 = vector.shape_cast %reduce_sum3A_339 : vector<512xf32> to vector<1x512xf32>
    %sub3A_341 = arith.subf %broadcast_in_dim3A_336, %broadcast_in_dim3A_340 : vector<1x512xf32>
    %get3A_342 = arith.constant 1 : index
    %get3A_343 = arith.constant 0 : index
    %get3A_344 = arith.constant 0 : index
    %get3A_345 = vector.load %arg14[%get3A_342, %get3A_343, %get3A_344] : memref<2x512x512xf32, #tpu.memory_space<vmem>>, vector<1x512x512xf32>
    %get3A_346 = vector.shape_cast %get3A_345 : vector<1x512x512xf32> to vector<512x512xf32>
    %slice3A_347 = vector.extract_strided_slice %get3A_346 {offsets = [0, 64], sizes = [512, 64], strides = [1, 1]} : vector<512x512xf32> to vector<512x64xf32>
    %get3A_348 = arith.constant 1 : index
    %get3A_349 = arith.constant 0 : index
    %get3A_350 = arith.constant 0 : index
    %get3A_351 = vector.load %arg13[%get3A_348, %get3A_349, %get3A_350] : memref<2x512x512xf32, #tpu.memory_space<vmem>>, vector<1x512x512xf32>
    %get3A_352 = vector.shape_cast %get3A_351 : vector<1x512x512xf32> to vector<512x512xf32>
    %slice3A_353 = vector.extract_strided_slice %get3A_352 {offsets = [0, 64], sizes = [512, 64], strides = [1, 1]} : vector<512x512xf32> to vector<512x64xf32>
    %dot_general3A_354 = arith.constant dense<0.000000e+00> : vector<512x512xf32>
    %dot_general3A_355 = tpu.matmul %slice3A_347, %slice3A_353, %dot_general3A_354 {dimension_numbers = #tpu.dot_dimension_numbers<[1], [1], [0], [0], [0, 0, 1, 0], [], []>, transpose_lhs_hint = false} : vector<512x64xf32>, vector<512x64xf32>, vector<512x512xf32> -> vector<512x512xf32>
    %gt3A_356 = arith.constant 5.000000e-01 : f32
    %gt3A_357 = vector.broadcast %gt3A_356 : f32 to vector<512x512xf32>
    %gt3A_358 = arith.cmpf ogt, %get3A_95, %gt3A_357 : vector<512x512xf32>
    %jit3A_359 = arith.constant 0xFF800000 : f32
    %broadcast_in_dim3A_360 = vector.broadcast %jit3A_359 : f32 to vector<512x512xf32>
    %select_n3A_361 = arith.select %gt3A_358, %dot_general3A_355, %broadcast_in_dim3A_360 : vector<512x512xi1>, vector<512x512xf32>
    %reduce_max3A_362 = arith.constant dense<0xFF800000> : vector<512xf32>
    %reduce_max3A_363 = vector.multi_reduction <maximumf>, %select_n3A_361, %reduce_max3A_362 [0] : vector<512x512xf32> to vector<512xf32>
    %broadcast_in_dim3A_364 = vector.shape_cast %reduce_max3A_363 : vector<512xf32> to vector<1x512xf32>
    %mul3A_365 = arith.mulf %dot_general3A_355, %get3A_98 : vector<512x512xf32>
    %reduce_sum3A_366 = arith.constant dense<0.000000e+00> : vector<512xf32>
    %reduce_sum3A_367 = vector.multi_reduction <add>, %mul3A_365, %reduce_sum3A_366 [0] : vector<512x512xf32> to vector<512xf32>
    %broadcast_in_dim3A_368 = vector.shape_cast %reduce_sum3A_367 : vector<512xf32> to vector<1x512xf32>
    %sub3A_369 = arith.subf %broadcast_in_dim3A_364, %broadcast_in_dim3A_368 : vector<1x512xf32>
    %get3A_370 = arith.constant 1 : index
    %get3A_371 = arith.constant 0 : index
    %get3A_372 = arith.constant 0 : index
    %get3A_373 = vector.load %arg14[%get3A_370, %get3A_371, %get3A_372] : memref<2x512x512xf32, #tpu.memory_space<vmem>>, vector<1x512x512xf32>
    %get3A_374 = vector.shape_cast %get3A_373 : vector<1x512x512xf32> to vector<512x512xf32>
    %slice3A_375 = vector.extract_strided_slice %get3A_374 {offsets = [0, 128], sizes = [512, 64], strides = [1, 1]} : vector<512x512xf32> to vector<512x64xf32>
    %get3A_376 = arith.constant 1 : index
    %get3A_377 = arith.constant 0 : index
    %get3A_378 = arith.constant 0 : index
    %get3A_379 = vector.load %arg13[%get3A_376, %get3A_377, %get3A_378] : memref<2x512x512xf32, #tpu.memory_space<vmem>>, vector<1x512x512xf32>
    %get3A_380 = vector.shape_cast %get3A_379 : vector<1x512x512xf32> to vector<512x512xf32>
    %slice3A_381 = vector.extract_strided_slice %get3A_380 {offsets = [0, 128], sizes = [512, 64], strides = [1, 1]} : vector<512x512xf32> to vector<512x64xf32>
    %dot_general3A_382 = arith.constant dense<0.000000e+00> : vector<512x512xf32>
    %dot_general3A_383 = tpu.matmul %slice3A_375, %slice3A_381, %dot_general3A_382 {dimension_numbers = #tpu.dot_dimension_numbers<[1], [1], [0], [0], [0, 0, 1, 0], [], []>, transpose_lhs_hint = false} : vector<512x64xf32>, vector<512x64xf32>, vector<512x512xf32> -> vector<512x512xf32>
    %gt3A_384 = arith.constant 5.000000e-01 : f32
    %gt3A_385 = vector.broadcast %gt3A_384 : f32 to vector<512x512xf32>
    %gt3A_386 = arith.cmpf ogt, %get3A_95, %gt3A_385 : vector<512x512xf32>
    %jit3A_387 = arith.constant 0xFF800000 : f32
    %broadcast_in_dim3A_388 = vector.broadcast %jit3A_387 : f32 to vector<512x512xf32>
    %select_n3A_389 = arith.select %gt3A_386, %dot_general3A_383, %broadcast_in_dim3A_388 : vector<512x512xi1>, vector<512x512xf32>
    %reduce_max3A_390 = arith.constant dense<0xFF800000> : vector<512xf32>
    %reduce_max3A_391 = vector.multi_reduction <maximumf>, %select_n3A_389, %reduce_max3A_390 [0] : vector<512x512xf32> to vector<512xf32>
    %broadcast_in_dim3A_392 = vector.shape_cast %reduce_max3A_391 : vector<512xf32> to vector<1x512xf32>
    %mul3A_393 = arith.mulf %dot_general3A_383, %get3A_98 : vector<512x512xf32>
    %reduce_sum3A_394 = arith.constant dense<0.000000e+00> : vector<512xf32>
    %reduce_sum3A_395 = vector.multi_reduction <add>, %mul3A_393, %reduce_sum3A_394 [0] : vector<512x512xf32> to vector<512xf32>
    %broadcast_in_dim3A_396 = vector.shape_cast %reduce_sum3A_395 : vector<512xf32> to vector<1x512xf32>
    %sub3A_397 = arith.subf %broadcast_in_dim3A_392, %broadcast_in_dim3A_396 : vector<1x512xf32>
    %get3A_398 = arith.constant 1 : index
    %get3A_399 = arith.constant 0 : index
    %get3A_400 = arith.constant 0 : index
    %get3A_401 = vector.load %arg14[%get3A_398, %get3A_399, %get3A_400] : memref<2x512x512xf32, #tpu.memory_space<vmem>>, vector<1x512x512xf32>
    %get3A_402 = vector.shape_cast %get3A_401 : vector<1x512x512xf32> to vector<512x512xf32>
    %slice3A_403 = vector.extract_strided_slice %get3A_402 {offsets = [0, 192], sizes = [512, 64], strides = [1, 1]} : vector<512x512xf32> to vector<512x64xf32>
    %get3A_404 = arith.constant 1 : index
    %get3A_405 = arith.constant 0 : index
    %get3A_406 = arith.constant 0 : index
    %get3A_407 = vector.load %arg13[%get3A_404, %get3A_405, %get3A_406] : memref<2x512x512xf32, #tpu.memory_space<vmem>>, vector<1x512x512xf32>
    %get3A_408 = vector.shape_cast %get3A_407 : vector<1x512x512xf32> to vector<512x512xf32>
    %slice3A_409 = vector.extract_strided_slice %get3A_408 {offsets = [0, 192], sizes = [512, 64], strides = [1, 1]} : vector<512x512xf32> to vector<512x64xf32>
    %dot_general3A_410 = arith.constant dense<0.000000e+00> : vector<512x512xf32>
    %dot_general3A_411 = tpu.matmul %slice3A_403, %slice3A_409, %dot_general3A_410 {dimension_numbers = #tpu.dot_dimension_numbers<[1], [1], [0], [0], [0, 0, 1, 0], [], []>, transpose_lhs_hint = false} : vector<512x64xf32>, vector<512x64xf32>, vector<512x512xf32> -> vector<512x512xf32>
    %gt3A_412 = arith.constant 5.000000e-01 : f32
    %gt3A_413 = vector.broadcast %gt3A_412 : f32 to vector<512x512xf32>
    %gt3A_414 = arith.cmpf ogt, %get3A_95, %gt3A_413 : vector<512x512xf32>
    %jit3A_415 = arith.constant 0xFF800000 : f32
    %broadcast_in_dim3A_416 = vector.broadcast %jit3A_415 : f32 to vector<512x512xf32>
    %select_n3A_417 = arith.select %gt3A_414, %dot_general3A_411, %broadcast_in_dim3A_416 : vector<512x512xi1>, vector<512x512xf32>
    %reduce_max3A_418 = arith.constant dense<0xFF800000> : vector<512xf32>
    %reduce_max3A_419 = vector.multi_reduction <maximumf>, %select_n3A_417, %reduce_max3A_418 [0] : vector<512x512xf32> to vector<512xf32>
    %broadcast_in_dim3A_420 = vector.shape_cast %reduce_max3A_419 : vector<512xf32> to vector<1x512xf32>
    %mul3A_421 = arith.mulf %dot_general3A_411, %get3A_98 : vector<512x512xf32>
    %reduce_sum3A_422 = arith.constant dense<0.000000e+00> : vector<512xf32>
    %reduce_sum3A_423 = vector.multi_reduction <add>, %mul3A_421, %reduce_sum3A_422 [0] : vector<512x512xf32> to vector<512xf32>
    %broadcast_in_dim3A_424 = vector.shape_cast %reduce_sum3A_423 : vector<512xf32> to vector<1x512xf32>
    %sub3A_425 = arith.subf %broadcast_in_dim3A_420, %broadcast_in_dim3A_424 : vector<1x512xf32>
    %get3A_426 = arith.constant 1 : index
    %get3A_427 = arith.constant 0 : index
    %get3A_428 = arith.constant 0 : index
    %get3A_429 = vector.load %arg14[%get3A_426, %get3A_427, %get3A_428] : memref<2x512x512xf32, #tpu.memory_space<vmem>>, vector<1x512x512xf32>
    %get3A_430 = vector.shape_cast %get3A_429 : vector<1x512x512xf32> to vector<512x512xf32>
    %slice3A_431 = vector.extract_strided_slice %get3A_430 {offsets = [0, 256], sizes = [512, 64], strides = [1, 1]} : vector<512x512xf32> to vector<512x64xf32>
    %get3A_432 = arith.constant 1 : index
    %get3A_433 = arith.constant 0 : index
    %get3A_434 = arith.constant 0 : index
    %get3A_435 = vector.load %arg13[%get3A_432, %get3A_433, %get3A_434] : memref<2x512x512xf32, #tpu.memory_space<vmem>>, vector<1x512x512xf32>
    %get3A_436 = vector.shape_cast %get3A_435 : vector<1x512x512xf32> to vector<512x512xf32>
    %slice3A_437 = vector.extract_strided_slice %get3A_436 {offsets = [0, 256], sizes = [512, 64], strides = [1, 1]} : vector<512x512xf32> to vector<512x64xf32>
    %dot_general3A_438 = arith.constant dense<0.000000e+00> : vector<512x512xf32>
    %dot_general3A_439 = tpu.matmul %slice3A_431, %slice3A_437, %dot_general3A_438 {dimension_numbers = #tpu.dot_dimension_numbers<[1], [1], [0], [0], [0, 0, 1, 0], [], []>, transpose_lhs_hint = false} : vector<512x64xf32>, vector<512x64xf32>, vector<512x512xf32> -> vector<512x512xf32>
    %gt3A_440 = arith.constant 5.000000e-01 : f32
    %gt3A_441 = vector.broadcast %gt3A_440 : f32 to vector<512x512xf32>
    %gt3A_442 = arith.cmpf ogt, %get3A_95, %gt3A_441 : vector<512x512xf32>
    %jit3A_443 = arith.constant 0xFF800000 : f32
    %broadcast_in_dim3A_444 = vector.broadcast %jit3A_443 : f32 to vector<512x512xf32>
    %select_n3A_445 = arith.select %gt3A_442, %dot_general3A_439, %broadcast_in_dim3A_444 : vector<512x512xi1>, vector<512x512xf32>
    %reduce_max3A_446 = arith.constant dense<0xFF800000> : vector<512xf32>
    %reduce_max3A_447 = vector.multi_reduction <maximumf>, %select_n3A_445, %reduce_max3A_446 [0] : vector<512x512xf32> to vector<512xf32>
    %broadcast_in_dim3A_448 = vector.shape_cast %reduce_max3A_447 : vector<512xf32> to vector<1x512xf32>
    %mul3A_449 = arith.mulf %dot_general3A_439, %get3A_98 : vector<512x512xf32>
    %reduce_sum3A_450 = arith.constant dense<0.000000e+00> : vector<512xf32>
    %reduce_sum3A_451 = vector.multi_reduction <add>, %mul3A_449, %reduce_sum3A_450 [0] : vector<512x512xf32> to vector<512xf32>
    %broadcast_in_dim3A_452 = vector.shape_cast %reduce_sum3A_451 : vector<512xf32> to vector<1x512xf32>
    %sub3A_453 = arith.subf %broadcast_in_dim3A_448, %broadcast_in_dim3A_452 : vector<1x512xf32>
    %get3A_454 = arith.constant 1 : index
    %get3A_455 = arith.constant 0 : index
    %get3A_456 = arith.constant 0 : index
    %get3A_457 = vector.load %arg14[%get3A_454, %get3A_455, %get3A_456] : memref<2x512x512xf32, #tpu.memory_space<vmem>>, vector<1x512x512xf32>
    %get3A_458 = vector.shape_cast %get3A_457 : vector<1x512x512xf32> to vector<512x512xf32>
    %slice3A_459 = vector.extract_strided_slice %get3A_458 {offsets = [0, 320], sizes = [512, 64], strides = [1, 1]} : vector<512x512xf32> to vector<512x64xf32>
    %get3A_460 = arith.constant 1 : index
    %get3A_461 = arith.constant 0 : index
    %get3A_462 = arith.constant 0 : index
    %get3A_463 = vector.load %arg13[%get3A_460, %get3A_461, %get3A_462] : memref<2x512x512xf32, #tpu.memory_space<vmem>>, vector<1x512x512xf32>
    %get3A_464 = vector.shape_cast %get3A_463 : vector<1x512x512xf32> to vector<512x512xf32>
    %slice3A_465 = vector.extract_strided_slice %get3A_464 {offsets = [0, 320], sizes = [512, 64], strides = [1, 1]} : vector<512x512xf32> to vector<512x64xf32>
    %dot_general3A_466 = arith.constant dense<0.000000e+00> : vector<512x512xf32>
    %dot_general3A_467 = tpu.matmul %slice3A_459, %slice3A_465, %dot_general3A_466 {dimension_numbers = #tpu.dot_dimension_numbers<[1], [1], [0], [0], [0, 0, 1, 0], [], []>, transpose_lhs_hint = false} : vector<512x64xf32>, vector<512x64xf32>, vector<512x512xf32> -> vector<512x512xf32>
    %gt3A_468 = arith.constant 5.000000e-01 : f32
    %gt3A_469 = vector.broadcast %gt3A_468 : f32 to vector<512x512xf32>
    %gt3A_470 = arith.cmpf ogt, %get3A_95, %gt3A_469 : vector<512x512xf32>
    %jit3A_471 = arith.constant 0xFF800000 : f32
    %broadcast_in_dim3A_472 = vector.broadcast %jit3A_471 : f32 to vector<512x512xf32>
    %select_n3A_473 = arith.select %gt3A_470, %dot_general3A_467, %broadcast_in_dim3A_472 : vector<512x512xi1>, vector<512x512xf32>
    %reduce_max3A_474 = arith.constant dense<0xFF800000> : vector<512xf32>
    %reduce_max3A_475 = vector.multi_reduction <maximumf>, %select_n3A_473, %reduce_max3A_474 [0] : vector<512x512xf32> to vector<512xf32>
    %broadcast_in_dim3A_476 = vector.shape_cast %reduce_max3A_475 : vector<512xf32> to vector<1x512xf32>
    %mul3A_477 = arith.mulf %dot_general3A_467, %get3A_98 : vector<512x512xf32>
    %reduce_sum3A_478 = arith.constant dense<0.000000e+00> : vector<512xf32>
    %reduce_sum3A_479 = vector.multi_reduction <add>, %mul3A_477, %reduce_sum3A_478 [0] : vector<512x512xf32> to vector<512xf32>
    %broadcast_in_dim3A_480 = vector.shape_cast %reduce_sum3A_479 : vector<512xf32> to vector<1x512xf32>
    %sub3A_481 = arith.subf %broadcast_in_dim3A_476, %broadcast_in_dim3A_480 : vector<1x512xf32>
    %get3A_482 = arith.constant 1 : index
    %get3A_483 = arith.constant 0 : index
    %get3A_484 = arith.constant 0 : index
    %get3A_485 = vector.load %arg14[%get3A_482, %get3A_483, %get3A_484] : memref<2x512x512xf32, #tpu.memory_space<vmem>>, vector<1x512x512xf32>
    %get3A_486 = vector.shape_cast %get3A_485 : vector<1x512x512xf32> to vector<512x512xf32>
    %slice3A_487 = vector.extract_strided_slice %get3A_486 {offsets = [0, 384], sizes = [512, 64], strides = [1, 1]} : vector<512x512xf32> to vector<512x64xf32>
    %get3A_488 = arith.constant 1 : index
    %get3A_489 = arith.constant 0 : index
    %get3A_490 = arith.constant 0 : index
    %get3A_491 = vector.load %arg13[%get3A_488, %get3A_489, %get3A_490] : memref<2x512x512xf32, #tpu.memory_space<vmem>>, vector<1x512x512xf32>
    %get3A_492 = vector.shape_cast %get3A_491 : vector<1x512x512xf32> to vector<512x512xf32>
    %slice3A_493 = vector.extract_strided_slice %get3A_492 {offsets = [0, 384], sizes = [512, 64], strides = [1, 1]} : vector<512x512xf32> to vector<512x64xf32>
    %dot_general3A_494 = arith.constant dense<0.000000e+00> : vector<512x512xf32>
    %dot_general3A_495 = tpu.matmul %slice3A_487, %slice3A_493, %dot_general3A_494 {dimension_numbers = #tpu.dot_dimension_numbers<[1], [1], [0], [0], [0, 0, 1, 0], [], []>, transpose_lhs_hint = false} : vector<512x64xf32>, vector<512x64xf32>, vector<512x512xf32> -> vector<512x512xf32>
    %gt3A_496 = arith.constant 5.000000e-01 : f32
    %gt3A_497 = vector.broadcast %gt3A_496 : f32 to vector<512x512xf32>
    %gt3A_498 = arith.cmpf ogt, %get3A_95, %gt3A_497 : vector<512x512xf32>
    %jit3A_499 = arith.constant 0xFF800000 : f32
    %broadcast_in_dim3A_500 = vector.broadcast %jit3A_499 : f32 to vector<512x512xf32>
    %select_n3A_501 = arith.select %gt3A_498, %dot_general3A_495, %broadcast_in_dim3A_500 : vector<512x512xi1>, vector<512x512xf32>
    %reduce_max3A_502 = arith.constant dense<0xFF800000> : vector<512xf32>
    %reduce_max3A_503 = vector.multi_reduction <maximumf>, %select_n3A_501, %reduce_max3A_502 [0] : vector<512x512xf32> to vector<512xf32>
    %broadcast_in_dim3A_504 = vector.shape_cast %reduce_max3A_503 : vector<512xf32> to vector<1x512xf32>
    %mul3A_505 = arith.mulf %dot_general3A_495, %get3A_98 : vector<512x512xf32>
    %reduce_sum3A_506 = arith.constant dense<0.000000e+00> : vector<512xf32>
    %reduce_sum3A_507 = vector.multi_reduction <add>, %mul3A_505, %reduce_sum3A_506 [0] : vector<512x512xf32> to vector<512xf32>
    %broadcast_in_dim3A_508 = vector.shape_cast %reduce_sum3A_507 : vector<512xf32> to vector<1x512xf32>
    %sub3A_509 = arith.subf %broadcast_in_dim3A_504, %broadcast_in_dim3A_508 : vector<1x512xf32>
    %get3A_510 = arith.constant 1 : index
    %get3A_511 = arith.constant 0 : index
    %get3A_512 = arith.constant 0 : index
    %get3A_513 = vector.load %arg14[%get3A_510, %get3A_511, %get3A_512] : memref<2x512x512xf32, #tpu.memory_space<vmem>>, vector<1x512x512xf32>
    %get3A_514 = vector.shape_cast %get3A_513 : vector<1x512x512xf32> to vector<512x512xf32>
    %slice3A_515 = vector.extract_strided_slice %get3A_514 {offsets = [0, 448], sizes = [512, 64], strides = [1, 1]} : vector<512x512xf32> to vector<512x64xf32>
    %get3A_516 = arith.constant 1 : index
    %get3A_517 = arith.constant 0 : index
    %get3A_518 = arith.constant 0 : index
    %get3A_519 = vector.load %arg13[%get3A_516, %get3A_517, %get3A_518] : memref<2x512x512xf32, #tpu.memory_space<vmem>>, vector<1x512x512xf32>
    %get3A_520 = vector.shape_cast %get3A_519 : vector<1x512x512xf32> to vector<512x512xf32>
    %slice3A_521 = vector.extract_strided_slice %get3A_520 {offsets = [0, 448], sizes = [512, 64], strides = [1, 1]} : vector<512x512xf32> to vector<512x64xf32>
    %dot_general3A_522 = arith.constant dense<0.000000e+00> : vector<512x512xf32>
    %dot_general3A_523 = tpu.matmul %slice3A_515, %slice3A_521, %dot_general3A_522 {dimension_numbers = #tpu.dot_dimension_numbers<[1], [1], [0], [0], [0, 0, 1, 0], [], []>, transpose_lhs_hint = false} : vector<512x64xf32>, vector<512x64xf32>, vector<512x512xf32> -> vector<512x512xf32>
    %gt3A_524 = arith.constant 5.000000e-01 : f32
    %gt3A_525 = vector.broadcast %gt3A_524 : f32 to vector<512x512xf32>
    %gt3A_526 = arith.cmpf ogt, %get3A_95, %gt3A_525 : vector<512x512xf32>
    %jit3A_527 = arith.constant 0xFF800000 : f32
    %broadcast_in_dim3A_528 = vector.broadcast %jit3A_527 : f32 to vector<512x512xf32>
    %select_n3A_529 = arith.select %gt3A_526, %dot_general3A_523, %broadcast_in_dim3A_528 : vector<512x512xi1>, vector<512x512xf32>
    %reduce_max3A_530 = arith.constant dense<0xFF800000> : vector<512xf32>
    %reduce_max3A_531 = vector.multi_reduction <maximumf>, %select_n3A_529, %reduce_max3A_530 [0] : vector<512x512xf32> to vector<512xf32>
    %broadcast_in_dim3A_532 = vector.shape_cast %reduce_max3A_531 : vector<512xf32> to vector<1x512xf32>
    %mul3A_533 = arith.mulf %dot_general3A_523, %get3A_98 : vector<512x512xf32>
    %reduce_sum3A_534 = arith.constant dense<0.000000e+00> : vector<512xf32>
    %reduce_sum3A_535 = vector.multi_reduction <add>, %mul3A_533, %reduce_sum3A_534 [0] : vector<512x512xf32> to vector<512xf32>
    %broadcast_in_dim3A_536 = vector.shape_cast %reduce_sum3A_535 : vector<512xf32> to vector<1x512xf32>
    %sub3A_537 = arith.subf %broadcast_in_dim3A_532, %broadcast_in_dim3A_536 : vector<1x512xf32>
    %concatenate3A = tpu.concatenate %sub3A, %sub3A_145, %sub3A_173, %sub3A_201, %sub3A_229, %sub3A_257, %sub3A_285, %sub3A_313, %sub3A_341, %sub3A_369, %sub3A_397, %sub3A_425, %sub3A_453, %sub3A_481, %sub3A_509, %sub3A_537 in 0 : vector<1x512xf32>, vector<1x512xf32>, vector<1x512xf32>, vector<1x512xf32>, vector<1x512xf32>, vector<1x512xf32>, vector<1x512xf32>, vector<1x512xf32>, vector<1x512xf32>, vector<1x512xf32>, vector<1x512xf32>, vector<1x512xf32>, vector<1x512xf32>, vector<1x512xf32>, vector<1x512xf32>, vector<1x512xf32> -> vector<16x512xf32>
    %iota3A = tpu.iota {dimensions = array<i32: 1>} : vector<16x512xi32>
    %reduce_max3A_538 = arith.constant dense<0xFF800000> : vector<16xf32>
    %reduce_max3A_539 = vector.multi_reduction <maximumf>, %concatenate3A, %reduce_max3A_538 [1] : vector<16x512xf32> to vector<16xf32>
    %broadcast_in_dim3A_540 = vector.shape_cast %reduce_max3A_539 : vector<16xf32> to vector<16x1xf32>
    %eq3A = vector.broadcast %broadcast_in_dim3A_540 : vector<16x1xf32> to vector<16x512xf32>
    %eq3A_541 = arith.cmpf oeq, %concatenate3A, %eq3A : vector<16x512xf32>
    %jit3A_542 = arith.constant 512 : i32
    %broadcast_in_dim3A_543 = vector.broadcast %jit3A_542 : i32 to vector<16x512xi32>
    %select_n3A_544 = arith.select %eq3A_541, %iota3A, %broadcast_in_dim3A_543 : vector<16x512xi1>, vector<16x512xi32>
    %reduce_min3A = arith.constant dense<2147483647> : vector<16xi32>
    %reduce_min3A_545 = vector.multi_reduction <minsi>, %select_n3A_544, %reduce_min3A [1] : vector<16x512xi32> to vector<16xi32>
    %broadcast_in_dim3A_546 = vector.shape_cast %reduce_min3A_545 : vector<16xi32> to vector<16x1xi32>
    %eq3A_547 = vector.broadcast %broadcast_in_dim3A_546 : vector<16x1xi32> to vector<16x512xi32>
    %eq3A_548 = arith.cmpi eq, %iota3A, %eq3A_547 : vector<16x512xi32>
    %convert_element_type3A = arith.extui %eq3A_548 : vector<16x512xi1> to vector<16x512xi32>
    %convert_element_type3A_549 = arith.sitofp %convert_element_type3A : vector<16x512xi32> to vector<16x512xf32>
    %swap3A_550 = arith.constant 0 : index
    %swap3A_551 = arith.constant 0 : index
    %swap3A_552 = arith.constant 0 : index
    %swap3A_553 = vector.load %arg16[%swap3A_550, %swap3A_551, %swap3A_552] : memref<31x16x512xf32, #tpu.memory_space<vmem>>, vector<1x16x512xf32>
    %swap3A_554 = vector.shape_cast %swap3A_553 : vector<1x16x512xf32> to vector<16x512xf32>
    %swap3A_555 = vector.shape_cast %convert_element_type3A_549 : vector<16x512xf32> to vector<1x16x512xf32>
    tpu.vector_store %arg16[%swap3A_550, %swap3A_551, %swap3A_552], %swap3A_555 {strides = array<i32>} : memref<31x16x512xf32, #tpu.memory_space<vmem>>, vector<1x16x512xf32>,
    %jit3A_556 = arith.constant 0xFF800000 : f32
    %broadcast_in_dim3A_557 = vector.broadcast %jit3A_556 : f32 to vector<16x512xf32>
    %select_n3A_558 = arith.select %eq3A_548, %broadcast_in_dim3A_557, %concatenate3A : vector<16x512xi1>, vector<16x512xf32>
    %reduce_max3A_559 = arith.constant dense<0xFF800000> : vector<16xf32>
    %reduce_max3A_560 = vector.multi_reduction <maximumf>, %select_n3A_558, %reduce_max3A_559 [1] : vector<16x512xf32> to vector<16xf32>
    %broadcast_in_dim3A_561 = vector.shape_cast %reduce_max3A_560 : vector<16xf32> to vector<16x1xf32>
    %eq3A_562 = vector.broadcast %broadcast_in_dim3A_561 : vector<16x1xf32> to vector<16x512xf32>
    %eq3A_563 = arith.cmpf oeq, %select_n3A_558, %eq3A_562 : vector<16x512xf32>
    %jit3A_564 = arith.constant 512 : i32
    %broadcast_in_dim3A_565 = vector.broadcast %jit3A_564 : i32 to vector<16x512xi32>
    %select_n3A_566 = arith.select %eq3A_563, %iota3A, %broadcast_in_dim3A_565 : vector<16x512xi1>, vector<16x512xi32>
    %reduce_min3A_567 = arith.constant dense<2147483647> : vector<16xi32>
    %reduce_min3A_568 = vector.multi_reduction <minsi>, %select_n3A_566, %reduce_min3A_567 [1] : vector<16x512xi32> to vector<16xi32>
    %broadcast_in_dim3A_569 = vector.shape_cast %reduce_min3A_568 : vector<16xi32> to vector<16x1xi32>
    %eq3A_570 = vector.broadcast %broadcast_in_dim3A_569 : vector<16x1xi32> to vector<16x512xi32>
    %eq3A_571 = arith.cmpi eq, %iota3A, %eq3A_570 : vector<16x512xi32>
    %convert_element_type3A_572 = arith.extui %eq3A_571 : vector<16x512xi1> to vector<16x512xi32>
    %convert_element_type3A_573 = arith.sitofp %convert_element_type3A_572 : vector<16x512xi32> to vector<16x512xf32>
    %swap3A_574 = arith.constant 1 : index
    %swap3A_575 = arith.constant 0 : index
    %swap3A_576 = arith.constant 0 : index
    %swap3A_577 = vector.load %arg16[%swap3A_574, %swap3A_575, %swap3A_576] : memref<31x16x512xf32, #tpu.memory_space<vmem>>, vector<1x16x512xf32>
    %swap3A_578 = vector.shape_cast %swap3A_577 : vector<1x16x512xf32> to vector<16x512xf32>
    %swap3A_579 = vector.shape_cast %convert_element_type3A_573 : vector<16x512xf32> to vector<1x16x512xf32>
    tpu.vector_store %arg16[%swap3A_574, %swap3A_575, %swap3A_576], %swap3A_579 {strides = array<i32>} : memref<31x16x512xf32, #tpu.memory_space<vmem>>, vector<1x16x512xf32>,
    %jit3A_580 = arith.constant 0xFF800000 : f32
    %broadcast_in_dim3A_581 = vector.broadcast %jit3A_580 : f32 to vector<16x512xf32>
    %select_n3A_582 = arith.select %eq3A_571, %broadcast_in_dim3A_581, %select_n3A_558 : vector<16x512xi1>, vector<16x512xf32>
    %reduce_max3A_583 = arith.constant dense<0xFF800000> : vector<16xf32>
    %reduce_max3A_584 = vector.multi_reduction <maximumf>, %select_n3A_582, %reduce_max3A_583 [1] : vector<16x512xf32> to vector<16xf32>
    %broadcast_in_dim3A_585 = vector.shape_cast %reduce_max3A_584 : vector<16xf32> to vector<16x1xf32>
    %eq3A_586 = vector.broadcast %broadcast_in_dim3A_585 : vector<16x1xf32> to vector<16x512xf32>
    %eq3A_587 = arith.cmpf oeq, %select_n3A_582, %eq3A_586 : vector<16x512xf32>
    %jit3A_588 = arith.constant 512 : i32
    %broadcast_in_dim3A_589 = vector.broadcast %jit3A_588 : i32 to vector<16x512xi32>
    %select_n3A_590 = arith.select %eq3A_587, %iota3A, %broadcast_in_dim3A_589 : vector<16x512xi1>, vector<16x512xi32>
    %reduce_min3A_591 = arith.constant dense<2147483647> : vector<16xi32>
    %reduce_min3A_592 = vector.multi_reduction <minsi>, %select_n3A_590, %reduce_min3A_591 [1] : vector<16x512xi32> to vector<16xi32>
    %broadcast_in_dim3A_593 = vector.shape_cast %reduce_min3A_592 : vector<16xi32> to vector<16x1xi32>
    %eq3A_594 = vector.broadcast %broadcast_in_dim3A_593 : vector<16x1xi32> to vector<16x512xi32>
    %eq3A_595 = arith.cmpi eq, %iota3A, %eq3A_594 : vector<16x512xi32>
    %convert_element_type3A_596 = arith.extui %eq3A_595 : vector<16x512xi1> to vector<16x512xi32>
    %convert_element_type3A_597 = arith.sitofp %convert_element_type3A_596 : vector<16x512xi32> to vector<16x512xf32>
    %swap3A_598 = arith.constant 2 : index
    %swap3A_599 = arith.constant 0 : index
    %swap3A_600 = arith.constant 0 : index
    %swap3A_601 = vector.load %arg16[%swap3A_598, %swap3A_599, %swap3A_600] : memref<31x16x512xf32, #tpu.memory_space<vmem>>, vector<1x16x512xf32>
    %swap3A_602 = vector.shape_cast %swap3A_601 : vector<1x16x512xf32> to vector<16x512xf32>
    %swap3A_603 = vector.shape_cast %convert_element_type3A_597 : vector<16x512xf32> to vector<1x16x512xf32>
    tpu.vector_store %arg16[%swap3A_598, %swap3A_599, %swap3A_600], %swap3A_603 {strides = array<i32>} : memref<31x16x512xf32, #tpu.memory_space<vmem>>, vector<1x16x512xf32>,
    %jit3A_604 = arith.constant 0xFF800000 : f32
    %broadcast_in_dim3A_605 = vector.broadcast %jit3A_604 : f32 to vector<16x512xf32>
    %select_n3A_606 = arith.select %eq3A_595, %broadcast_in_dim3A_605, %select_n3A_582 : vector<16x512xi1>, vector<16x512xf32>
    %reduce_max3A_607 = arith.constant dense<0xFF800000> : vector<16xf32>
    %reduce_max3A_608 = vector.multi_reduction <maximumf>, %select_n3A_606, %reduce_max3A_607 [1] : vector<16x512xf32> to vector<16xf32>
    %broadcast_in_dim3A_609 = vector.shape_cast %reduce_max3A_608 : vector<16xf32> to vector<16x1xf32>
    %eq3A_610 = vector.broadcast %broadcast_in_dim3A_609 : vector<16x1xf32> to vector<16x512xf32>
    %eq3A_611 = arith.cmpf oeq, %select_n3A_606, %eq3A_610 : vector<16x512xf32>
    %jit3A_612 = arith.constant 512 : i32
    %broadcast_in_dim3A_613 = vector.broadcast %jit3A_612 : i32 to vector<16x512xi32>
    %select_n3A_614 = arith.select %eq3A_611, %iota3A, %broadcast_in_dim3A_613 : vector<16x512xi1>, vector<16x512xi32>
    %reduce_min3A_615 = arith.constant dense<2147483647> : vector<16xi32>
    %reduce_min3A_616 = vector.multi_reduction <minsi>, %select_n3A_614, %reduce_min3A_615 [1] : vector<16x512xi32> to vector<16xi32>
    %broadcast_in_dim3A_617 = vector.shape_cast %reduce_min3A_616 : vector<16xi32> to vector<16x1xi32>
    %eq3A_618 = vector.broadcast %broadcast_in_dim3A_617 : vector<16x1xi32> to vector<16x512xi32>
    %eq3A_619 = arith.cmpi eq, %iota3A, %eq3A_618 : vector<16x512xi32>
    %convert_element_type3A_620 = arith.extui %eq3A_619 : vector<16x512xi1> to vector<16x512xi32>
    %convert_element_type3A_621 = arith.sitofp %convert_element_type3A_620 : vector<16x512xi32> to vector<16x512xf32>
    %swap3A_622 = arith.constant 3 : index
    %swap3A_623 = arith.constant 0 : index
    %swap3A_624 = arith.constant 0 : index
    %swap3A_625 = vector.load %arg16[%swap3A_622, %swap3A_623, %swap3A_624] : memref<31x16x512xf32, #tpu.memory_space<vmem>>, vector<1x16x512xf32>
    %swap3A_626 = vector.shape_cast %swap3A_625 : vector<1x16x512xf32> to vector<16x512xf32>
    %swap3A_627 = vector.shape_cast %convert_element_type3A_621 : vector<16x512xf32> to vector<1x16x512xf32>
    tpu.vector_store %arg16[%swap3A_622, %swap3A_623, %swap3A_624], %swap3A_627 {strides = array<i32>} : memref<31x16x512xf32, #tpu.memory_space<vmem>>, vector<1x16x512xf32>,
    %jit3A_628 = arith.constant 0xFF800000 : f32
    %broadcast_in_dim3A_629 = vector.broadcast %jit3A_628 : f32 to vector<16x512xf32>
    %select_n3A_630 = arith.select %eq3A_619, %broadcast_in_dim3A_629, %select_n3A_606 : vector<16x512xi1>, vector<16x512xf32>
    %reduce_max3A_631 = arith.constant dense<0xFF800000> : vector<16xf32>
    %reduce_max3A_632 = vector.multi_reduction <maximumf>, %select_n3A_630, %reduce_max3A_631 [1] : vector<16x512xf32> to vector<16xf32>
    %broadcast_in_dim3A_633 = vector.shape_cast %reduce_max3A_632 : vector<16xf32> to vector<16x1xf32>
    %eq3A_634 = vector.broadcast %broadcast_in_dim3A_633 : vector<16x1xf32> to vector<16x512xf32>
    %eq3A_635 = arith.cmpf oeq, %select_n3A_630, %eq3A_634 : vector<16x512xf32>
    %jit3A_636 = arith.constant 512 : i32
    %broadcast_in_dim3A_637 = vector.broadcast %jit3A_636 : i32 to vector<16x512xi32>
    %select_n3A_638 = arith.select %eq3A_635, %iota3A, %broadcast_in_dim3A_637 : vector<16x512xi1>, vector<16x512xi32>
    %reduce_min3A_639 = arith.constant dense<2147483647> : vector<16xi32>
    %reduce_min3A_640 = vector.multi_reduction <minsi>, %select_n3A_638, %reduce_min3A_639 [1] : vector<16x512xi32> to vector<16xi32>
    %broadcast_in_dim3A_641 = vector.shape_cast %reduce_min3A_640 : vector<16xi32> to vector<16x1xi32>
    %eq3A_642 = vector.broadcast %broadcast_in_dim3A_641 : vector<16x1xi32> to vector<16x512xi32>
    %eq3A_643 = arith.cmpi eq, %iota3A, %eq3A_642 : vector<16x512xi32>
    %convert_element_type3A_644 = arith.extui %eq3A_643 : vector<16x512xi1> to vector<16x512xi32>
    %convert_element_type3A_645 = arith.sitofp %convert_element_type3A_644 : vector<16x512xi32> to vector<16x512xf32>
    %swap3A_646 = arith.constant 4 : index
    %swap3A_647 = arith.constant 0 : index
    %swap3A_648 = arith.constant 0 : index
    %swap3A_649 = vector.load %arg16[%swap3A_646, %swap3A_647, %swap3A_648] : memref<31x16x512xf32, #tpu.memory_space<vmem>>, vector<1x16x512xf32>
    %swap3A_650 = vector.shape_cast %swap3A_649 : vector<1x16x512xf32> to vector<16x512xf32>
    %swap3A_651 = vector.shape_cast %convert_element_type3A_645 : vector<16x512xf32> to vector<1x16x512xf32>
    tpu.vector_store %arg16[%swap3A_646, %swap3A_647, %swap3A_648], %swap3A_651 {strides = array<i32>} : memref<31x16x512xf32, #tpu.memory_space<vmem>>, vector<1x16x512xf32>,
    %jit3A_652 = arith.constant 0xFF800000 : f32
    %broadcast_in_dim3A_653 = vector.broadcast %jit3A_652 : f32 to vector<16x512xf32>
    %select_n3A_654 = arith.select %eq3A_643, %broadcast_in_dim3A_653, %select_n3A_630 : vector<16x512xi1>, vector<16x512xf32>
    %reduce_max3A_655 = arith.constant dense<0xFF800000> : vector<16xf32>
    %reduce_max3A_656 = vector.multi_reduction <maximumf>, %select_n3A_654, %reduce_max3A_655 [1] : vector<16x512xf32> to vector<16xf32>
    %broadcast_in_dim3A_657 = vector.shape_cast %reduce_max3A_656 : vector<16xf32> to vector<16x1xf32>
    %eq3A_658 = vector.broadcast %broadcast_in_dim3A_657 : vector<16x1xf32> to vector<16x512xf32>
    %eq3A_659 = arith.cmpf oeq, %select_n3A_654, %eq3A_658 : vector<16x512xf32>
    %jit3A_660 = arith.constant 512 : i32
    %broadcast_in_dim3A_661 = vector.broadcast %jit3A_660 : i32 to vector<16x512xi32>
    %select_n3A_662 = arith.select %eq3A_659, %iota3A, %broadcast_in_dim3A_661 : vector<16x512xi1>, vector<16x512xi32>
    %reduce_min3A_663 = arith.constant dense<2147483647> : vector<16xi32>
    %reduce_min3A_664 = vector.multi_reduction <minsi>, %select_n3A_662, %reduce_min3A_663 [1] : vector<16x512xi32> to vector<16xi32>
    %broadcast_in_dim3A_665 = vector.shape_cast %reduce_min3A_664 : vector<16xi32> to vector<16x1xi32>
    %eq3A_666 = vector.broadcast %broadcast_in_dim3A_665 : vector<16x1xi32> to vector<16x512xi32>
    %eq3A_667 = arith.cmpi eq, %iota3A, %eq3A_666 : vector<16x512xi32>
    %convert_element_type3A_668 = arith.extui %eq3A_667 : vector<16x512xi1> to vector<16x512xi32>
    %convert_element_type3A_669 = arith.sitofp %convert_element_type3A_668 : vector<16x512xi32> to vector<16x512xf32>
    %swap3A_670 = arith.constant 5 : index
    %swap3A_671 = arith.constant 0 : index
    %swap3A_672 = arith.constant 0 : index
    %swap3A_673 = vector.load %arg16[%swap3A_670, %swap3A_671, %swap3A_672] : memref<31x16x512xf32, #tpu.memory_space<vmem>>, vector<1x16x512xf32>
    %swap3A_674 = vector.shape_cast %swap3A_673 : vector<1x16x512xf32> to vector<16x512xf32>
    %swap3A_675 = vector.shape_cast %convert_element_type3A_669 : vector<16x512xf32> to vector<1x16x512xf32>
    tpu.vector_store %arg16[%swap3A_670, %swap3A_671, %swap3A_672], %swap3A_675 {strides = array<i32>} : memref<31x16x512xf32, #tpu.memory_space<vmem>>, vector<1x16x512xf32>,
    %jit3A_676 = arith.constant 0xFF800000 : f32
    %broadcast_in_dim3A_677 = vector.broadcast %jit3A_676 : f32 to vector<16x512xf32>
    %select_n3A_678 = arith.select %eq3A_667, %broadcast_in_dim3A_677, %select_n3A_654 : vector<16x512xi1>, vector<16x512xf32>
    %reduce_max3A_679 = arith.constant dense<0xFF800000> : vector<16xf32>
    %reduce_max3A_680 = vector.multi_reduction <maximumf>, %select_n3A_678, %reduce_max3A_679 [1] : vector<16x512xf32> to vector<16xf32>
    %broadcast_in_dim3A_681 = vector.shape_cast %reduce_max3A_680 : vector<16xf32> to vector<16x1xf32>
    %eq3A_682 = vector.broadcast %broadcast_in_dim3A_681 : vector<16x1xf32> to vector<16x512xf32>
    %eq3A_683 = arith.cmpf oeq, %select_n3A_678, %eq3A_682 : vector<16x512xf32>
    %jit3A_684 = arith.constant 512 : i32
    %broadcast_in_dim3A_685 = vector.broadcast %jit3A_684 : i32 to vector<16x512xi32>
    %select_n3A_686 = arith.select %eq3A_683, %iota3A, %broadcast_in_dim3A_685 : vector<16x512xi1>, vector<16x512xi32>
    %reduce_min3A_687 = arith.constant dense<2147483647> : vector<16xi32>
    %reduce_min3A_688 = vector.multi_reduction <minsi>, %select_n3A_686, %reduce_min3A_687 [1] : vector<16x512xi32> to vector<16xi32>
    %broadcast_in_dim3A_689 = vector.shape_cast %reduce_min3A_688 : vector<16xi32> to vector<16x1xi32>
    %eq3A_690 = vector.broadcast %broadcast_in_dim3A_689 : vector<16x1xi32> to vector<16x512xi32>
    %eq3A_691 = arith.cmpi eq, %iota3A, %eq3A_690 : vector<16x512xi32>
    %convert_element_type3A_692 = arith.extui %eq3A_691 : vector<16x512xi1> to vector<16x512xi32>
    %convert_element_type3A_693 = arith.sitofp %convert_element_type3A_692 : vector<16x512xi32> to vector<16x512xf32>
    %swap3A_694 = arith.constant 6 : index
    %swap3A_695 = arith.constant 0 : index
    %swap3A_696 = arith.constant 0 : index
    %swap3A_697 = vector.load %arg16[%swap3A_694, %swap3A_695, %swap3A_696] : memref<31x16x512xf32, #tpu.memory_space<vmem>>, vector<1x16x512xf32>
    %swap3A_698 = vector.shape_cast %swap3A_697 : vector<1x16x512xf32> to vector<16x512xf32>
    %swap3A_699 = vector.shape_cast %convert_element_type3A_693 : vector<16x512xf32> to vector<1x16x512xf32>
    tpu.vector_store %arg16[%swap3A_694, %swap3A_695, %swap3A_696], %swap3A_699 {strides = array<i32>} : memref<31x16x512xf32, #tpu.memory_space<vmem>>, vector<1x16x512xf32>,
    %jit3A_700 = arith.constant 0xFF800000 : f32
    %broadcast_in_dim3A_701 = vector.broadcast %jit3A_700 : f32 to vector<16x512xf32>
    %select_n3A_702 = arith.select %eq3A_691, %broadcast_in_dim3A_701, %select_n3A_678 : vector<16x512xi1>, vector<16x512xf32>
    %reduce_max3A_703 = arith.constant dense<0xFF800000> : vector<16xf32>
    %reduce_max3A_704 = vector.multi_reduction <maximumf>, %select_n3A_702, %reduce_max3A_703 [1] : vector<16x512xf32> to vector<16xf32>
    %broadcast_in_dim3A_705 = vector.shape_cast %reduce_max3A_704 : vector<16xf32> to vector<16x1xf32>
    %eq3A_706 = vector.broadcast %broadcast_in_dim3A_705 : vector<16x1xf32> to vector<16x512xf32>
    %eq3A_707 = arith.cmpf oeq, %select_n3A_702, %eq3A_706 : vector<16x512xf32>
    %jit3A_708 = arith.constant 512 : i32
    %broadcast_in_dim3A_709 = vector.broadcast %jit3A_708 : i32 to vector<16x512xi32>
    %select_n3A_710 = arith.select %eq3A_707, %iota3A, %broadcast_in_dim3A_709 : vector<16x512xi1>, vector<16x512xi32>
    %reduce_min3A_711 = arith.constant dense<2147483647> : vector<16xi32>
    %reduce_min3A_712 = vector.multi_reduction <minsi>, %select_n3A_710, %reduce_min3A_711 [1] : vector<16x512xi32> to vector<16xi32>
    %broadcast_in_dim3A_713 = vector.shape_cast %reduce_min3A_712 : vector<16xi32> to vector<16x1xi32>
    %eq3A_714 = vector.broadcast %broadcast_in_dim3A_713 : vector<16x1xi32> to vector<16x512xi32>
    %eq3A_715 = arith.cmpi eq, %iota3A, %eq3A_714 : vector<16x512xi32>
    %convert_element_type3A_716 = arith.extui %eq3A_715 : vector<16x512xi1> to vector<16x512xi32>
    %convert_element_type3A_717 = arith.sitofp %convert_element_type3A_716 : vector<16x512xi32> to vector<16x512xf32>
    %swap3A_718 = arith.constant 7 : index
    %swap3A_719 = arith.constant 0 : index
    %swap3A_720 = arith.constant 0 : index
    %swap3A_721 = vector.load %arg16[%swap3A_718, %swap3A_719, %swap3A_720] : memref<31x16x512xf32, #tpu.memory_space<vmem>>, vector<1x16x512xf32>
    %swap3A_722 = vector.shape_cast %swap3A_721 : vector<1x16x512xf32> to vector<16x512xf32>
    %swap3A_723 = vector.shape_cast %convert_element_type3A_717 : vector<16x512xf32> to vector<1x16x512xf32>
    tpu.vector_store %arg16[%swap3A_718, %swap3A_719, %swap3A_720], %swap3A_723 {strides = array<i32>} : memref<31x16x512xf32, #tpu.memory_space<vmem>>, vector<1x16x512xf32>,
    %jit3A_724 = arith.constant 0xFF800000 : f32
    %broadcast_in_dim3A_725 = vector.broadcast %jit3A_724 : f32 to vector<16x512xf32>
    %select_n3A_726 = arith.select %eq3A_715, %broadcast_in_dim3A_725, %select_n3A_702 : vector<16x512xi1>, vector<16x512xf32>
    %reduce_max3A_727 = arith.constant dense<0xFF800000> : vector<16xf32>
    %reduce_max3A_728 = vector.multi_reduction <maximumf>, %select_n3A_726, %reduce_max3A_727 [1] : vector<16x512xf32> to vector<16xf32>
    %broadcast_in_dim3A_729 = vector.shape_cast %reduce_max3A_728 : vector<16xf32> to vector<16x1xf32>
    %eq3A_730 = vector.broadcast %broadcast_in_dim3A_729 : vector<16x1xf32> to vector<16x512xf32>
    %eq3A_731 = arith.cmpf oeq, %select_n3A_726, %eq3A_730 : vector<16x512xf32>
    %jit3A_732 = arith.constant 512 : i32
    %broadcast_in_dim3A_733 = vector.broadcast %jit3A_732 : i32 to vector<16x512xi32>
    %select_n3A_734 = arith.select %eq3A_731, %iota3A, %broadcast_in_dim3A_733 : vector<16x512xi1>, vector<16x512xi32>
    %reduce_min3A_735 = arith.constant dense<2147483647> : vector<16xi32>
    %reduce_min3A_736 = vector.multi_reduction <minsi>, %select_n3A_734, %reduce_min3A_735 [1] : vector<16x512xi32> to vector<16xi32>
    %broadcast_in_dim3A_737 = vector.shape_cast %reduce_min3A_736 : vector<16xi32> to vector<16x1xi32>
    %eq3A_738 = vector.broadcast %broadcast_in_dim3A_737 : vector<16x1xi32> to vector<16x512xi32>
    %eq3A_739 = arith.cmpi eq, %iota3A, %eq3A_738 : vector<16x512xi32>
    %convert_element_type3A_740 = arith.extui %eq3A_739 : vector<16x512xi1> to vector<16x512xi32>
    %convert_element_type3A_741 = arith.sitofp %convert_element_type3A_740 : vector<16x512xi32> to vector<16x512xf32>
    %swap3A_742 = arith.constant 8 : index
    %swap3A_743 = arith.constant 0 : index
    %swap3A_744 = arith.constant 0 : index
    %swap3A_745 = vector.load %arg16[%swap3A_742, %swap3A_743, %swap3A_744] : memref<31x16x512xf32, #tpu.memory_space<vmem>>, vector<1x16x512xf32>
    %swap3A_746 = vector.shape_cast %swap3A_745 : vector<1x16x512xf32> to vector<16x512xf32>
    %swap3A_747 = vector.shape_cast %convert_element_type3A_741 : vector<16x512xf32> to vector<1x16x512xf32>
    tpu.vector_store %arg16[%swap3A_742, %swap3A_743, %swap3A_744], %swap3A_747 {strides = array<i32>} : memref<31x16x512xf32, #tpu.memory_space<vmem>>, vector<1x16x512xf32>,
    %jit3A_748 = arith.constant 0xFF800000 : f32
    %broadcast_in_dim3A_749 = vector.broadcast %jit3A_748 : f32 to vector<16x512xf32>
    %select_n3A_750 = arith.select %eq3A_739, %broadcast_in_dim3A_749, %select_n3A_726 : vector<16x512xi1>, vector<16x512xf32>
    %reduce_max3A_751 = arith.constant dense<0xFF800000> : vector<16xf32>
    %reduce_max3A_752 = vector.multi_reduction <maximumf>, %select_n3A_750, %reduce_max3A_751 [1] : vector<16x512xf32> to vector<16xf32>
    %broadcast_in_dim3A_753 = vector.shape_cast %reduce_max3A_752 : vector<16xf32> to vector<16x1xf32>
    %eq3A_754 = vector.broadcast %broadcast_in_dim3A_753 : vector<16x1xf32> to vector<16x512xf32>
    %eq3A_755 = arith.cmpf oeq, %select_n3A_750, %eq3A_754 : vector<16x512xf32>
    %jit3A_756 = arith.constant 512 : i32
    %broadcast_in_dim3A_757 = vector.broadcast %jit3A_756 : i32 to vector<16x512xi32>
    %select_n3A_758 = arith.select %eq3A_755, %iota3A, %broadcast_in_dim3A_757 : vector<16x512xi1>, vector<16x512xi32>
    %reduce_min3A_759 = arith.constant dense<2147483647> : vector<16xi32>
    %reduce_min3A_760 = vector.multi_reduction <minsi>, %select_n3A_758, %reduce_min3A_759 [1] : vector<16x512xi32> to vector<16xi32>
    %broadcast_in_dim3A_761 = vector.shape_cast %reduce_min3A_760 : vector<16xi32> to vector<16x1xi32>
    %eq3A_762 = vector.broadcast %broadcast_in_dim3A_761 : vector<16x1xi32> to vector<16x512xi32>
    %eq3A_763 = arith.cmpi eq, %iota3A, %eq3A_762 : vector<16x512xi32>
    %convert_element_type3A_764 = arith.extui %eq3A_763 : vector<16x512xi1> to vector<16x512xi32>
    %convert_element_type3A_765 = arith.sitofp %convert_element_type3A_764 : vector<16x512xi32> to vector<16x512xf32>
    %swap3A_766 = arith.constant 9 : index
    %swap3A_767 = arith.constant 0 : index
    %swap3A_768 = arith.constant 0 : index
    %swap3A_769 = vector.load %arg16[%swap3A_766, %swap3A_767, %swap3A_768] : memref<31x16x512xf32, #tpu.memory_space<vmem>>, vector<1x16x512xf32>
    %swap3A_770 = vector.shape_cast %swap3A_769 : vector<1x16x512xf32> to vector<16x512xf32>
    %swap3A_771 = vector.shape_cast %convert_element_type3A_765 : vector<16x512xf32> to vector<1x16x512xf32>
    tpu.vector_store %arg16[%swap3A_766, %swap3A_767, %swap3A_768], %swap3A_771 {strides = array<i32>} : memref<31x16x512xf32, #tpu.memory_space<vmem>>, vector<1x16x512xf32>,
    %jit3A_772 = arith.constant 0xFF800000 : f32
    %broadcast_in_dim3A_773 = vector.broadcast %jit3A_772 : f32 to vector<16x512xf32>
    %select_n3A_774 = arith.select %eq3A_763, %broadcast_in_dim3A_773, %select_n3A_750 : vector<16x512xi1>, vector<16x512xf32>
    %reduce_max3A_775 = arith.constant dense<0xFF800000> : vector<16xf32>
    %reduce_max3A_776 = vector.multi_reduction <maximumf>, %select_n3A_774, %reduce_max3A_775 [1] : vector<16x512xf32> to vector<16xf32>
    %broadcast_in_dim3A_777 = vector.shape_cast %reduce_max3A_776 : vector<16xf32> to vector<16x1xf32>
    %eq3A_778 = vector.broadcast %broadcast_in_dim3A_777 : vector<16x1xf32> to vector<16x512xf32>
    %eq3A_779 = arith.cmpf oeq, %select_n3A_774, %eq3A_778 : vector<16x512xf32>
    %jit3A_780 = arith.constant 512 : i32
    %broadcast_in_dim3A_781 = vector.broadcast %jit3A_780 : i32 to vector<16x512xi32>
    %select_n3A_782 = arith.select %eq3A_779, %iota3A, %broadcast_in_dim3A_781 : vector<16x512xi1>, vector<16x512xi32>
    %reduce_min3A_783 = arith.constant dense<2147483647> : vector<16xi32>
    %reduce_min3A_784 = vector.multi_reduction <minsi>, %select_n3A_782, %reduce_min3A_783 [1] : vector<16x512xi32> to vector<16xi32>
    %broadcast_in_dim3A_785 = vector.shape_cast %reduce_min3A_784 : vector<16xi32> to vector<16x1xi32>
    %eq3A_786 = vector.broadcast %broadcast_in_dim3A_785 : vector<16x1xi32> to vector<16x512xi32>
    %eq3A_787 = arith.cmpi eq, %iota3A, %eq3A_786 : vector<16x512xi32>
    %convert_element_type3A_788 = arith.extui %eq3A_787 : vector<16x512xi1> to vector<16x512xi32>
    %convert_element_type3A_789 = arith.sitofp %convert_element_type3A_788 : vector<16x512xi32> to vector<16x512xf32>
    %swap3A_790 = arith.constant 10 : index
    %swap3A_791 = arith.constant 0 : index
    %swap3A_792 = arith.constant 0 : index
    %swap3A_793 = vector.load %arg16[%swap3A_790, %swap3A_791, %swap3A_792] : memref<31x16x512xf32, #tpu.memory_space<vmem>>, vector<1x16x512xf32>
    %swap3A_794 = vector.shape_cast %swap3A_793 : vector<1x16x512xf32> to vector<16x512xf32>
    %swap3A_795 = vector.shape_cast %convert_element_type3A_789 : vector<16x512xf32> to vector<1x16x512xf32>
    tpu.vector_store %arg16[%swap3A_790, %swap3A_791, %swap3A_792], %swap3A_795 {strides = array<i32>} : memref<31x16x512xf32, #tpu.memory_space<vmem>>, vector<1x16x512xf32>,
    %jit3A_796 = arith.constant 0xFF800000 : f32
    %broadcast_in_dim3A_797 = vector.broadcast %jit3A_796 : f32 to vector<16x512xf32>
    %select_n3A_798 = arith.select %eq3A_787, %broadcast_in_dim3A_797, %select_n3A_774 : vector<16x512xi1>, vector<16x512xf32>
    %reduce_max3A_799 = arith.constant dense<0xFF800000> : vector<16xf32>
    %reduce_max3A_800 = vector.multi_reduction <maximumf>, %select_n3A_798, %reduce_max3A_799 [1] : vector<16x512xf32> to vector<16xf32>
    %broadcast_in_dim3A_801 = vector.shape_cast %reduce_max3A_800 : vector<16xf32> to vector<16x1xf32>
    %eq3A_802 = vector.broadcast %broadcast_in_dim3A_801 : vector<16x1xf32> to vector<16x512xf32>
    %eq3A_803 = arith.cmpf oeq, %select_n3A_798, %eq3A_802 : vector<16x512xf32>
    %jit3A_804 = arith.constant 512 : i32
    %broadcast_in_dim3A_805 = vector.broadcast %jit3A_804 : i32 to vector<16x512xi32>
    %select_n3A_806 = arith.select %eq3A_803, %iota3A, %broadcast_in_dim3A_805 : vector<16x512xi1>, vector<16x512xi32>
    %reduce_min3A_807 = arith.constant dense<2147483647> : vector<16xi32>
    %reduce_min3A_808 = vector.multi_reduction <minsi>, %select_n3A_806, %reduce_min3A_807 [1] : vector<16x512xi32> to vector<16xi32>
    %broadcast_in_dim3A_809 = vector.shape_cast %reduce_min3A_808 : vector<16xi32> to vector<16x1xi32>
    %eq3A_810 = vector.broadcast %broadcast_in_dim3A_809 : vector<16x1xi32> to vector<16x512xi32>
    %eq3A_811 = arith.cmpi eq, %iota3A, %eq3A_810 : vector<16x512xi32>
    %convert_element_type3A_812 = arith.extui %eq3A_811 : vector<16x512xi1> to vector<16x512xi32>
    %convert_element_type3A_813 = arith.sitofp %convert_element_type3A_812 : vector<16x512xi32> to vector<16x512xf32>
    %swap3A_814 = arith.constant 11 : index
    %swap3A_815 = arith.constant 0 : index
    %swap3A_816 = arith.constant 0 : index
    %swap3A_817 = vector.load %arg16[%swap3A_814, %swap3A_815, %swap3A_816] : memref<31x16x512xf32, #tpu.memory_space<vmem>>, vector<1x16x512xf32>
    %swap3A_818 = vector.shape_cast %swap3A_817 : vector<1x16x512xf32> to vector<16x512xf32>
    %swap3A_819 = vector.shape_cast %convert_element_type3A_813 : vector<16x512xf32> to vector<1x16x512xf32>
    tpu.vector_store %arg16[%swap3A_814, %swap3A_815, %swap3A_816], %swap3A_819 {strides = array<i32>} : memref<31x16x512xf32, #tpu.memory_space<vmem>>, vector<1x16x512xf32>,
    %jit3A_820 = arith.constant 0xFF800000 : f32
    %broadcast_in_dim3A_821 = vector.broadcast %jit3A_820 : f32 to vector<16x512xf32>
    %select_n3A_822 = arith.select %eq3A_811, %broadcast_in_dim3A_821, %select_n3A_798 : vector<16x512xi1>, vector<16x512xf32>
    %reduce_max3A_823 = arith.constant dense<0xFF800000> : vector<16xf32>
    %reduce_max3A_824 = vector.multi_reduction <maximumf>, %select_n3A_822, %reduce_max3A_823 [1] : vector<16x512xf32> to vector<16xf32>
    %broadcast_in_dim3A_825 = vector.shape_cast %reduce_max3A_824 : vector<16xf32> to vector<16x1xf32>
    %eq3A_826 = vector.broadcast %broadcast_in_dim3A_825 : vector<16x1xf32> to vector<16x512xf32>
    %eq3A_827 = arith.cmpf oeq, %select_n3A_822, %eq3A_826 : vector<16x512xf32>
    %jit3A_828 = arith.constant 512 : i32
    %broadcast_in_dim3A_829 = vector.broadcast %jit3A_828 : i32 to vector<16x512xi32>
    %select_n3A_830 = arith.select %eq3A_827, %iota3A, %broadcast_in_dim3A_829 : vector<16x512xi1>, vector<16x512xi32>
    %reduce_min3A_831 = arith.constant dense<2147483647> : vector<16xi32>
    %reduce_min3A_832 = vector.multi_reduction <minsi>, %select_n3A_830, %reduce_min3A_831 [1] : vector<16x512xi32> to vector<16xi32>
    %broadcast_in_dim3A_833 = vector.shape_cast %reduce_min3A_832 : vector<16xi32> to vector<16x1xi32>
    %eq3A_834 = vector.broadcast %broadcast_in_dim3A_833 : vector<16x1xi32> to vector<16x512xi32>
    %eq3A_835 = arith.cmpi eq, %iota3A, %eq3A_834 : vector<16x512xi32>
    %convert_element_type3A_836 = arith.extui %eq3A_835 : vector<16x512xi1> to vector<16x512xi32>
    %convert_element_type3A_837 = arith.sitofp %convert_element_type3A_836 : vector<16x512xi32> to vector<16x512xf32>
    %swap3A_838 = arith.constant 12 : index
    %swap3A_839 = arith.constant 0 : index
    %swap3A_840 = arith.constant 0 : index
    %swap3A_841 = vector.load %arg16[%swap3A_838, %swap3A_839, %swap3A_840] : memref<31x16x512xf32, #tpu.memory_space<vmem>>, vector<1x16x512xf32>
    %swap3A_842 = vector.shape_cast %swap3A_841 : vector<1x16x512xf32> to vector<16x512xf32>
    %swap3A_843 = vector.shape_cast %convert_element_type3A_837 : vector<16x512xf32> to vector<1x16x512xf32>
    tpu.vector_store %arg16[%swap3A_838, %swap3A_839, %swap3A_840], %swap3A_843 {strides = array<i32>} : memref<31x16x512xf32, #tpu.memory_space<vmem>>, vector<1x16x512xf32>,
    %jit3A_844 = arith.constant 0xFF800000 : f32
    %broadcast_in_dim3A_845 = vector.broadcast %jit3A_844 : f32 to vector<16x512xf32>
    %select_n3A_846 = arith.select %eq3A_835, %broadcast_in_dim3A_845, %select_n3A_822 : vector<16x512xi1>, vector<16x512xf32>
    %reduce_max3A_847 = arith.constant dense<0xFF800000> : vector<16xf32>
    %reduce_max3A_848 = vector.multi_reduction <maximumf>, %select_n3A_846, %reduce_max3A_847 [1] : vector<16x512xf32> to vector<16xf32>
    %broadcast_in_dim3A_849 = vector.shape_cast %reduce_max3A_848 : vector<16xf32> to vector<16x1xf32>
    %eq3A_850 = vector.broadcast %broadcast_in_dim3A_849 : vector<16x1xf32> to vector<16x512xf32>
    %eq3A_851 = arith.cmpf oeq, %select_n3A_846, %eq3A_850 : vector<16x512xf32>
    %jit3A_852 = arith.constant 512 : i32
    %broadcast_in_dim3A_853 = vector.broadcast %jit3A_852 : i32 to vector<16x512xi32>
    %select_n3A_854 = arith.select %eq3A_851, %iota3A, %broadcast_in_dim3A_853 : vector<16x512xi1>, vector<16x512xi32>
    %reduce_min3A_855 = arith.constant dense<2147483647> : vector<16xi32>
    %reduce_min3A_856 = vector.multi_reduction <minsi>, %select_n3A_854, %reduce_min3A_855 [1] : vector<16x512xi32> to vector<16xi32>
    %broadcast_in_dim3A_857 = vector.shape_cast %reduce_min3A_856 : vector<16xi32> to vector<16x1xi32>
    %eq3A_858 = vector.broadcast %broadcast_in_dim3A_857 : vector<16x1xi32> to vector<16x512xi32>
    %eq3A_859 = arith.cmpi eq, %iota3A, %eq3A_858 : vector<16x512xi32>
    %convert_element_type3A_860 = arith.extui %eq3A_859 : vector<16x512xi1> to vector<16x512xi32>
    %convert_element_type3A_861 = arith.sitofp %convert_element_type3A_860 : vector<16x512xi32> to vector<16x512xf32>
    %swap3A_862 = arith.constant 13 : index
    %swap3A_863 = arith.constant 0 : index
    %swap3A_864 = arith.constant 0 : index
    %swap3A_865 = vector.load %arg16[%swap3A_862, %swap3A_863, %swap3A_864] : memref<31x16x512xf32, #tpu.memory_space<vmem>>, vector<1x16x512xf32>
    %swap3A_866 = vector.shape_cast %swap3A_865 : vector<1x16x512xf32> to vector<16x512xf32>
    %swap3A_867 = vector.shape_cast %convert_element_type3A_861 : vector<16x512xf32> to vector<1x16x512xf32>
    tpu.vector_store %arg16[%swap3A_862, %swap3A_863, %swap3A_864], %swap3A_867 {strides = array<i32>} : memref<31x16x512xf32, #tpu.memory_space<vmem>>, vector<1x16x512xf32>,
    %jit3A_868 = arith.constant 0xFF800000 : f32
    %broadcast_in_dim3A_869 = vector.broadcast %jit3A_868 : f32 to vector<16x512xf32>
    %select_n3A_870 = arith.select %eq3A_859, %broadcast_in_dim3A_869, %select_n3A_846 : vector<16x512xi1>, vector<16x512xf32>
    %reduce_max3A_871 = arith.constant dense<0xFF800000> : vector<16xf32>
    %reduce_max3A_872 = vector.multi_reduction <maximumf>, %select_n3A_870, %reduce_max3A_871 [1] : vector<16x512xf32> to vector<16xf32>
    %broadcast_in_dim3A_873 = vector.shape_cast %reduce_max3A_872 : vector<16xf32> to vector<16x1xf32>
    %eq3A_874 = vector.broadcast %broadcast_in_dim3A_873 : vector<16x1xf32> to vector<16x512xf32>
    %eq3A_875 = arith.cmpf oeq, %select_n3A_870, %eq3A_874 : vector<16x512xf32>
    %jit3A_876 = arith.constant 512 : i32
    %broadcast_in_dim3A_877 = vector.broadcast %jit3A_876 : i32 to vector<16x512xi32>
    %select_n3A_878 = arith.select %eq3A_875, %iota3A, %broadcast_in_dim3A_877 : vector<16x512xi1>, vector<16x512xi32>
    %reduce_min3A_879 = arith.constant dense<2147483647> : vector<16xi32>
    %reduce_min3A_880 = vector.multi_reduction <minsi>, %select_n3A_878, %reduce_min3A_879 [1] : vector<16x512xi32> to vector<16xi32>
    %broadcast_in_dim3A_881 = vector.shape_cast %reduce_min3A_880 : vector<16xi32> to vector<16x1xi32>
    %eq3A_882 = vector.broadcast %broadcast_in_dim3A_881 : vector<16x1xi32> to vector<16x512xi32>
    %eq3A_883 = arith.cmpi eq, %iota3A, %eq3A_882 : vector<16x512xi32>
    %convert_element_type3A_884 = arith.extui %eq3A_883 : vector<16x512xi1> to vector<16x512xi32>
    %convert_element_type3A_885 = arith.sitofp %convert_element_type3A_884 : vector<16x512xi32> to vector<16x512xf32>
    %swap3A_886 = arith.constant 14 : index
    %swap3A_887 = arith.constant 0 : index
    %swap3A_888 = arith.constant 0 : index
    %swap3A_889 = vector.load %arg16[%swap3A_886, %swap3A_887, %swap3A_888] : memref<31x16x512xf32, #tpu.memory_space<vmem>>, vector<1x16x512xf32>
    %swap3A_890 = vector.shape_cast %swap3A_889 : vector<1x16x512xf32> to vector<16x512xf32>
    %swap3A_891 = vector.shape_cast %convert_element_type3A_885 : vector<16x512xf32> to vector<1x16x512xf32>
    tpu.vector_store %arg16[%swap3A_886, %swap3A_887, %swap3A_888], %swap3A_891 {strides = array<i32>} : memref<31x16x512xf32, #tpu.memory_space<vmem>>, vector<1x16x512xf32>,
    %jit3A_892 = arith.constant 0xFF800000 : f32
    %broadcast_in_dim3A_893 = vector.broadcast %jit3A_892 : f32 to vector<16x512xf32>
    %select_n3A_894 = arith.select %eq3A_883, %broadcast_in_dim3A_893, %select_n3A_870 : vector<16x512xi1>, vector<16x512xf32>
    %reduce_max3A_895 = arith.constant dense<0xFF800000> : vector<16xf32>
    %reduce_max3A_896 = vector.multi_reduction <maximumf>, %select_n3A_894, %reduce_max3A_895 [1] : vector<16x512xf32> to vector<16xf32>
    %broadcast_in_dim3A_897 = vector.shape_cast %reduce_max3A_896 : vector<16xf32> to vector<16x1xf32>
    %eq3A_898 = vector.broadcast %broadcast_in_dim3A_897 : vector<16x1xf32> to vector<16x512xf32>
    %eq3A_899 = arith.cmpf oeq, %select_n3A_894, %eq3A_898 : vector<16x512xf32>
    %jit3A_900 = arith.constant 512 : i32
    %broadcast_in_dim3A_901 = vector.broadcast %jit3A_900 : i32 to vector<16x512xi32>
    %select_n3A_902 = arith.select %eq3A_899, %iota3A, %broadcast_in_dim3A_901 : vector<16x512xi1>, vector<16x512xi32>
    %reduce_min3A_903 = arith.constant dense<2147483647> : vector<16xi32>
    %reduce_min3A_904 = vector.multi_reduction <minsi>, %select_n3A_902, %reduce_min3A_903 [1] : vector<16x512xi32> to vector<16xi32>
    %broadcast_in_dim3A_905 = vector.shape_cast %reduce_min3A_904 : vector<16xi32> to vector<16x1xi32>
    %eq3A_906 = vector.broadcast %broadcast_in_dim3A_905 : vector<16x1xi32> to vector<16x512xi32>
    %eq3A_907 = arith.cmpi eq, %iota3A, %eq3A_906 : vector<16x512xi32>
    %convert_element_type3A_908 = arith.extui %eq3A_907 : vector<16x512xi1> to vector<16x512xi32>
    %convert_element_type3A_909 = arith.sitofp %convert_element_type3A_908 : vector<16x512xi32> to vector<16x512xf32>
    %swap3A_910 = arith.constant 15 : index
    %swap3A_911 = arith.constant 0 : index
    %swap3A_912 = arith.constant 0 : index
    %swap3A_913 = vector.load %arg16[%swap3A_910, %swap3A_911, %swap3A_912] : memref<31x16x512xf32, #tpu.memory_space<vmem>>, vector<1x16x512xf32>
    %swap3A_914 = vector.shape_cast %swap3A_913 : vector<1x16x512xf32> to vector<16x512xf32>
    %swap3A_915 = vector.shape_cast %convert_element_type3A_909 : vector<16x512xf32> to vector<1x16x512xf32>
    tpu.vector_store %arg16[%swap3A_910, %swap3A_911, %swap3A_912], %swap3A_915 {strides = array<i32>} : memref<31x16x512xf32, #tpu.memory_space<vmem>>, vector<1x16x512xf32>,
    %jit3A_916 = arith.constant 0xFF800000 : f32
    %broadcast_in_dim3A_917 = vector.broadcast %jit3A_916 : f32 to vector<16x512xf32>
    %select_n3A_918 = arith.select %eq3A_907, %broadcast_in_dim3A_917, %select_n3A_894 : vector<16x512xi1>, vector<16x512xf32>
    %reduce_max3A_919 = arith.constant dense<0xFF800000> : vector<16xf32>
    %reduce_max3A_920 = vector.multi_reduction <maximumf>, %select_n3A_918, %reduce_max3A_919 [1] : vector<16x512xf32> to vector<16xf32>
    %broadcast_in_dim3A_921 = vector.shape_cast %reduce_max3A_920 : vector<16xf32> to vector<16x1xf32>
    %eq3A_922 = vector.broadcast %broadcast_in_dim3A_921 : vector<16x1xf32> to vector<16x512xf32>
    %eq3A_923 = arith.cmpf oeq, %select_n3A_918, %eq3A_922 : vector<16x512xf32>
    %jit3A_924 = arith.constant 512 : i32
    %broadcast_in_dim3A_925 = vector.broadcast %jit3A_924 : i32 to vector<16x512xi32>
    %select_n3A_926 = arith.select %eq3A_923, %iota3A, %broadcast_in_dim3A_925 : vector<16x512xi1>, vector<16x512xi32>
    %reduce_min3A_927 = arith.constant dense<2147483647> : vector<16xi32>
    %reduce_min3A_928 = vector.multi_reduction <minsi>, %select_n3A_926, %reduce_min3A_927 [1] : vector<16x512xi32> to vector<16xi32>
    %broadcast_in_dim3A_929 = vector.shape_cast %reduce_min3A_928 : vector<16xi32> to vector<16x1xi32>
    %eq3A_930 = vector.broadcast %broadcast_in_dim3A_929 : vector<16x1xi32> to vector<16x512xi32>
    %eq3A_931 = arith.cmpi eq, %iota3A, %eq3A_930 : vector<16x512xi32>
    %convert_element_type3A_932 = arith.extui %eq3A_931 : vector<16x512xi1> to vector<16x512xi32>
    %convert_element_type3A_933 = arith.sitofp %convert_element_type3A_932 : vector<16x512xi32> to vector<16x512xf32>
    %swap3A_934 = arith.constant 16 : index
    %swap3A_935 = arith.constant 0 : index
    %swap3A_936 = arith.constant 0 : index
    %swap3A_937 = vector.load %arg16[%swap3A_934, %swap3A_935, %swap3A_936] : memref<31x16x512xf32, #tpu.memory_space<vmem>>, vector<1x16x512xf32>
    %swap3A_938 = vector.shape_cast %swap3A_937 : vector<1x16x512xf32> to vector<16x512xf32>
    %swap3A_939 = vector.shape_cast %convert_element_type3A_933 : vector<16x512xf32> to vector<1x16x512xf32>
    tpu.vector_store %arg16[%swap3A_934, %swap3A_935, %swap3A_936], %swap3A_939 {strides = array<i32>} : memref<31x16x512xf32, #tpu.memory_space<vmem>>, vector<1x16x512xf32>,
    %jit3A_940 = arith.constant 0xFF800000 : f32
    %broadcast_in_dim3A_941 = vector.broadcast %jit3A_940 : f32 to vector<16x512xf32>
    %select_n3A_942 = arith.select %eq3A_931, %broadcast_in_dim3A_941, %select_n3A_918 : vector<16x512xi1>, vector<16x512xf32>
    %reduce_max3A_943 = arith.constant dense<0xFF800000> : vector<16xf32>
    %reduce_max3A_944 = vector.multi_reduction <maximumf>, %select_n3A_942, %reduce_max3A_943 [1] : vector<16x512xf32> to vector<16xf32>
    %broadcast_in_dim3A_945 = vector.shape_cast %reduce_max3A_944 : vector<16xf32> to vector<16x1xf32>
    %eq3A_946 = vector.broadcast %broadcast_in_dim3A_945 : vector<16x1xf32> to vector<16x512xf32>
    %eq3A_947 = arith.cmpf oeq, %select_n3A_942, %eq3A_946 : vector<16x512xf32>
    %jit3A_948 = arith.constant 512 : i32
    %broadcast_in_dim3A_949 = vector.broadcast %jit3A_948 : i32 to vector<16x512xi32>
    %select_n3A_950 = arith.select %eq3A_947, %iota3A, %broadcast_in_dim3A_949 : vector<16x512xi1>, vector<16x512xi32>
    %reduce_min3A_951 = arith.constant dense<2147483647> : vector<16xi32>
    %reduce_min3A_952 = vector.multi_reduction <minsi>, %select_n3A_950, %reduce_min3A_951 [1] : vector<16x512xi32> to vector<16xi32>
    %broadcast_in_dim3A_953 = vector.shape_cast %reduce_min3A_952 : vector<16xi32> to vector<16x1xi32>
    %eq3A_954 = vector.broadcast %broadcast_in_dim3A_953 : vector<16x1xi32> to vector<16x512xi32>
    %eq3A_955 = arith.cmpi eq, %iota3A, %eq3A_954 : vector<16x512xi32>
    %convert_element_type3A_956 = arith.extui %eq3A_955 : vector<16x512xi1> to vector<16x512xi32>
    %convert_element_type3A_957 = arith.sitofp %convert_element_type3A_956 : vector<16x512xi32> to vector<16x512xf32>
    %swap3A_958 = arith.constant 17 : index
    %swap3A_959 = arith.constant 0 : index
    %swap3A_960 = arith.constant 0 : index
    %swap3A_961 = vector.load %arg16[%swap3A_958, %swap3A_959, %swap3A_960] : memref<31x16x512xf32, #tpu.memory_space<vmem>>, vector<1x16x512xf32>
    %swap3A_962 = vector.shape_cast %swap3A_961 : vector<1x16x512xf32> to vector<16x512xf32>
    %swap3A_963 = vector.shape_cast %convert_element_type3A_957 : vector<16x512xf32> to vector<1x16x512xf32>
    tpu.vector_store %arg16[%swap3A_958, %swap3A_959, %swap3A_960], %swap3A_963 {strides = array<i32>} : memref<31x16x512xf32, #tpu.memory_space<vmem>>, vector<1x16x512xf32>,
    %jit3A_964 = arith.constant 0xFF800000 : f32
    %broadcast_in_dim3A_965 = vector.broadcast %jit3A_964 : f32 to vector<16x512xf32>
    %select_n3A_966 = arith.select %eq3A_955, %broadcast_in_dim3A_965, %select_n3A_942 : vector<16x512xi1>, vector<16x512xf32>
    %reduce_max3A_967 = arith.constant dense<0xFF800000> : vector<16xf32>
    %reduce_max3A_968 = vector.multi_reduction <maximumf>, %select_n3A_966, %reduce_max3A_967 [1] : vector<16x512xf32> to vector<16xf32>
    %broadcast_in_dim3A_969 = vector.shape_cast %reduce_max3A_968 : vector<16xf32> to vector<16x1xf32>
    %eq3A_970 = vector.broadcast %broadcast_in_dim3A_969 : vector<16x1xf32> to vector<16x512xf32>
    %eq3A_971 = arith.cmpf oeq, %select_n3A_966, %eq3A_970 : vector<16x512xf32>
    %jit3A_972 = arith.constant 512 : i32
    %broadcast_in_dim3A_973 = vector.broadcast %jit3A_972 : i32 to vector<16x512xi32>
    %select_n3A_974 = arith.select %eq3A_971, %iota3A, %broadcast_in_dim3A_973 : vector<16x512xi1>, vector<16x512xi32>
    %reduce_min3A_975 = arith.constant dense<2147483647> : vector<16xi32>
    %reduce_min3A_976 = vector.multi_reduction <minsi>, %select_n3A_974, %reduce_min3A_975 [1] : vector<16x512xi32> to vector<16xi32>
    %broadcast_in_dim3A_977 = vector.shape_cast %reduce_min3A_976 : vector<16xi32> to vector<16x1xi32>
    %eq3A_978 = vector.broadcast %broadcast_in_dim3A_977 : vector<16x1xi32> to vector<16x512xi32>
    %eq3A_979 = arith.cmpi eq, %iota3A, %eq3A_978 : vector<16x512xi32>
    %convert_element_type3A_980 = arith.extui %eq3A_979 : vector<16x512xi1> to vector<16x512xi32>
    %convert_element_type3A_981 = arith.sitofp %convert_element_type3A_980 : vector<16x512xi32> to vector<16x512xf32>
    %swap3A_982 = arith.constant 18 : index
    %swap3A_983 = arith.constant 0 : index
    %swap3A_984 = arith.constant 0 : index
    %swap3A_985 = vector.load %arg16[%swap3A_982, %swap3A_983, %swap3A_984] : memref<31x16x512xf32, #tpu.memory_space<vmem>>, vector<1x16x512xf32>
    %swap3A_986 = vector.shape_cast %swap3A_985 : vector<1x16x512xf32> to vector<16x512xf32>
    %swap3A_987 = vector.shape_cast %convert_element_type3A_981 : vector<16x512xf32> to vector<1x16x512xf32>
    tpu.vector_store %arg16[%swap3A_982, %swap3A_983, %swap3A_984], %swap3A_987 {strides = array<i32>} : memref<31x16x512xf32, #tpu.memory_space<vmem>>, vector<1x16x512xf32>,
    %jit3A_988 = arith.constant 0xFF800000 : f32
    %broadcast_in_dim3A_989 = vector.broadcast %jit3A_988 : f32 to vector<16x512xf32>
    %select_n3A_990 = arith.select %eq3A_979, %broadcast_in_dim3A_989, %select_n3A_966 : vector<16x512xi1>, vector<16x512xf32>
    %reduce_max3A_991 = arith.constant dense<0xFF800000> : vector<16xf32>
    %reduce_max3A_992 = vector.multi_reduction <maximumf>, %select_n3A_990, %reduce_max3A_991 [1] : vector<16x512xf32> to vector<16xf32>
    %broadcast_in_dim3A_993 = vector.shape_cast %reduce_max3A_992 : vector<16xf32> to vector<16x1xf32>
    %eq3A_994 = vector.broadcast %broadcast_in_dim3A_993 : vector<16x1xf32> to vector<16x512xf32>
    %eq3A_995 = arith.cmpf oeq, %select_n3A_990, %eq3A_994 : vector<16x512xf32>
    %jit3A_996 = arith.constant 512 : i32
    %broadcast_in_dim3A_997 = vector.broadcast %jit3A_996 : i32 to vector<16x512xi32>
    %select_n3A_998 = arith.select %eq3A_995, %iota3A, %broadcast_in_dim3A_997 : vector<16x512xi1>, vector<16x512xi32>
    %reduce_min3A_999 = arith.constant dense<2147483647> : vector<16xi32>
    %reduce_min3A_1000 = vector.multi_reduction <minsi>, %select_n3A_998, %reduce_min3A_999 [1] : vector<16x512xi32> to vector<16xi32>
    %broadcast_in_dim3A_1001 = vector.shape_cast %reduce_min3A_1000 : vector<16xi32> to vector<16x1xi32>
    %eq3A_1002 = vector.broadcast %broadcast_in_dim3A_1001 : vector<16x1xi32> to vector<16x512xi32>
    %eq3A_1003 = arith.cmpi eq, %iota3A, %eq3A_1002 : vector<16x512xi32>
    %convert_element_type3A_1004 = arith.extui %eq3A_1003 : vector<16x512xi1> to vector<16x512xi32>
    %convert_element_type3A_1005 = arith.sitofp %convert_element_type3A_1004 : vector<16x512xi32> to vector<16x512xf32>
    %swap3A_1006 = arith.constant 19 : index
    %swap3A_1007 = arith.constant 0 : index
    %swap3A_1008 = arith.constant 0 : index
    %swap3A_1009 = vector.load %arg16[%swap3A_1006, %swap3A_1007, %swap3A_1008] : memref<31x16x512xf32, #tpu.memory_space<vmem>>, vector<1x16x512xf32>
    %swap3A_1010 = vector.shape_cast %swap3A_1009 : vector<1x16x512xf32> to vector<16x512xf32>
    %swap3A_1011 = vector.shape_cast %convert_element_type3A_1005 : vector<16x512xf32> to vector<1x16x512xf32>
    tpu.vector_store %arg16[%swap3A_1006, %swap3A_1007, %swap3A_1008], %swap3A_1011 {strides = array<i32>} : memref<31x16x512xf32, #tpu.memory_space<vmem>>, vector<1x16x512xf32>,
    %jit3A_1012 = arith.constant 0xFF800000 : f32
    %broadcast_in_dim3A_1013 = vector.broadcast %jit3A_1012 : f32 to vector<16x512xf32>
    %select_n3A_1014 = arith.select %eq3A_1003, %broadcast_in_dim3A_1013, %select_n3A_990 : vector<16x512xi1>, vector<16x512xf32>
    %reduce_max3A_1015 = arith.constant dense<0xFF800000> : vector<16xf32>
    %reduce_max3A_1016 = vector.multi_reduction <maximumf>, %select_n3A_1014, %reduce_max3A_1015 [1] : vector<16x512xf32> to vector<16xf32>
    %broadcast_in_dim3A_1017 = vector.shape_cast %reduce_max3A_1016 : vector<16xf32> to vector<16x1xf32>
    %eq3A_1018 = vector.broadcast %broadcast_in_dim3A_1017 : vector<16x1xf32> to vector<16x512xf32>
    %eq3A_1019 = arith.cmpf oeq, %select_n3A_1014, %eq3A_1018 : vector<16x512xf32>
    %jit3A_1020 = arith.constant 512 : i32
    %broadcast_in_dim3A_1021 = vector.broadcast %jit3A_1020 : i32 to vector<16x512xi32>
    %select_n3A_1022 = arith.select %eq3A_1019, %iota3A, %broadcast_in_dim3A_1021 : vector<16x512xi1>, vector<16x512xi32>
    %reduce_min3A_1023 = arith.constant dense<2147483647> : vector<16xi32>
    %reduce_min3A_1024 = vector.multi_reduction <minsi>, %select_n3A_1022, %reduce_min3A_1023 [1] : vector<16x512xi32> to vector<16xi32>
    %broadcast_in_dim3A_1025 = vector.shape_cast %reduce_min3A_1024 : vector<16xi32> to vector<16x1xi32>
    %eq3A_1026 = vector.broadcast %broadcast_in_dim3A_1025 : vector<16x1xi32> to vector<16x512xi32>
    %eq3A_1027 = arith.cmpi eq, %iota3A, %eq3A_1026 : vector<16x512xi32>
    %convert_element_type3A_1028 = arith.extui %eq3A_1027 : vector<16x512xi1> to vector<16x512xi32>
    %convert_element_type3A_1029 = arith.sitofp %convert_element_type3A_1028 : vector<16x512xi32> to vector<16x512xf32>
    %swap3A_1030 = arith.constant 20 : index
    %swap3A_1031 = arith.constant 0 : index
    %swap3A_1032 = arith.constant 0 : index
    %swap3A_1033 = vector.load %arg16[%swap3A_1030, %swap3A_1031, %swap3A_1032] : memref<31x16x512xf32, #tpu.memory_space<vmem>>, vector<1x16x512xf32>
    %swap3A_1034 = vector.shape_cast %swap3A_1033 : vector<1x16x512xf32> to vector<16x512xf32>
    %swap3A_1035 = vector.shape_cast %convert_element_type3A_1029 : vector<16x512xf32> to vector<1x16x512xf32>
    tpu.vector_store %arg16[%swap3A_1030, %swap3A_1031, %swap3A_1032], %swap3A_1035 {strides = array<i32>} : memref<31x16x512xf32, #tpu.memory_space<vmem>>, vector<1x16x512xf32>,
    %jit3A_1036 = arith.constant 0xFF800000 : f32
    %broadcast_in_dim3A_1037 = vector.broadcast %jit3A_1036 : f32 to vector<16x512xf32>
    %select_n3A_1038 = arith.select %eq3A_1027, %broadcast_in_dim3A_1037, %select_n3A_1014 : vector<16x512xi1>, vector<16x512xf32>
    %reduce_max3A_1039 = arith.constant dense<0xFF800000> : vector<16xf32>
    %reduce_max3A_1040 = vector.multi_reduction <maximumf>, %select_n3A_1038, %reduce_max3A_1039 [1] : vector<16x512xf32> to vector<16xf32>
    %broadcast_in_dim3A_1041 = vector.shape_cast %reduce_max3A_1040 : vector<16xf32> to vector<16x1xf32>
    %eq3A_1042 = vector.broadcast %broadcast_in_dim3A_1041 : vector<16x1xf32> to vector<16x512xf32>
    %eq3A_1043 = arith.cmpf oeq, %select_n3A_1038, %eq3A_1042 : vector<16x512xf32>
    %jit3A_1044 = arith.constant 512 : i32
    %broadcast_in_dim3A_1045 = vector.broadcast %jit3A_1044 : i32 to vector<16x512xi32>
    %select_n3A_1046 = arith.select %eq3A_1043, %iota3A, %broadcast_in_dim3A_1045 : vector<16x512xi1>, vector<16x512xi32>
    %reduce_min3A_1047 = arith.constant dense<2147483647> : vector<16xi32>
    %reduce_min3A_1048 = vector.multi_reduction <minsi>, %select_n3A_1046, %reduce_min3A_1047 [1] : vector<16x512xi32> to vector<16xi32>
    %broadcast_in_dim3A_1049 = vector.shape_cast %reduce_min3A_1048 : vector<16xi32> to vector<16x1xi32>
    %eq3A_1050 = vector.broadcast %broadcast_in_dim3A_1049 : vector<16x1xi32> to vector<16x512xi32>
    %eq3A_1051 = arith.cmpi eq, %iota3A, %eq3A_1050 : vector<16x512xi32>
    %convert_element_type3A_1052 = arith.extui %eq3A_1051 : vector<16x512xi1> to vector<16x512xi32>
    %convert_element_type3A_1053 = arith.sitofp %convert_element_type3A_1052 : vector<16x512xi32> to vector<16x512xf32>
    %swap3A_1054 = arith.constant 21 : index
    %swap3A_1055 = arith.constant 0 : index
    %swap3A_1056 = arith.constant 0 : index
    %swap3A_1057 = vector.load %arg16[%swap3A_1054, %swap3A_1055, %swap3A_1056] : memref<31x16x512xf32, #tpu.memory_space<vmem>>, vector<1x16x512xf32>
    %swap3A_1058 = vector.shape_cast %swap3A_1057 : vector<1x16x512xf32> to vector<16x512xf32>
    %swap3A_1059 = vector.shape_cast %convert_element_type3A_1053 : vector<16x512xf32> to vector<1x16x512xf32>
    tpu.vector_store %arg16[%swap3A_1054, %swap3A_1055, %swap3A_1056], %swap3A_1059 {strides = array<i32>} : memref<31x16x512xf32, #tpu.memory_space<vmem>>, vector<1x16x512xf32>,
    %jit3A_1060 = arith.constant 0xFF800000 : f32
    %broadcast_in_dim3A_1061 = vector.broadcast %jit3A_1060 : f32 to vector<16x512xf32>
    %select_n3A_1062 = arith.select %eq3A_1051, %broadcast_in_dim3A_1061, %select_n3A_1038 : vector<16x512xi1>, vector<16x512xf32>
    %reduce_max3A_1063 = arith.constant dense<0xFF800000> : vector<16xf32>
    %reduce_max3A_1064 = vector.multi_reduction <maximumf>, %select_n3A_1062, %reduce_max3A_1063 [1] : vector<16x512xf32> to vector<16xf32>
    %broadcast_in_dim3A_1065 = vector.shape_cast %reduce_max3A_1064 : vector<16xf32> to vector<16x1xf32>
    %eq3A_1066 = vector.broadcast %broadcast_in_dim3A_1065 : vector<16x1xf32> to vector<16x512xf32>
    %eq3A_1067 = arith.cmpf oeq, %select_n3A_1062, %eq3A_1066 : vector<16x512xf32>
    %jit3A_1068 = arith.constant 512 : i32
    %broadcast_in_dim3A_1069 = vector.broadcast %jit3A_1068 : i32 to vector<16x512xi32>
    %select_n3A_1070 = arith.select %eq3A_1067, %iota3A, %broadcast_in_dim3A_1069 : vector<16x512xi1>, vector<16x512xi32>
    %reduce_min3A_1071 = arith.constant dense<2147483647> : vector<16xi32>
    %reduce_min3A_1072 = vector.multi_reduction <minsi>, %select_n3A_1070, %reduce_min3A_1071 [1] : vector<16x512xi32> to vector<16xi32>
    %broadcast_in_dim3A_1073 = vector.shape_cast %reduce_min3A_1072 : vector<16xi32> to vector<16x1xi32>
    %eq3A_1074 = vector.broadcast %broadcast_in_dim3A_1073 : vector<16x1xi32> to vector<16x512xi32>
    %eq3A_1075 = arith.cmpi eq, %iota3A, %eq3A_1074 : vector<16x512xi32>
    %convert_element_type3A_1076 = arith.extui %eq3A_1075 : vector<16x512xi1> to vector<16x512xi32>
    %convert_element_type3A_1077 = arith.sitofp %convert_element_type3A_1076 : vector<16x512xi32> to vector<16x512xf32>
    %swap3A_1078 = arith.constant 22 : index
    %swap3A_1079 = arith.constant 0 : index
    %swap3A_1080 = arith.constant 0 : index
    %swap3A_1081 = vector.load %arg16[%swap3A_1078, %swap3A_1079, %swap3A_1080] : memref<31x16x512xf32, #tpu.memory_space<vmem>>, vector<1x16x512xf32>
    %swap3A_1082 = vector.shape_cast %swap3A_1081 : vector<1x16x512xf32> to vector<16x512xf32>
    %swap3A_1083 = vector.shape_cast %convert_element_type3A_1077 : vector<16x512xf32> to vector<1x16x512xf32>
    tpu.vector_store %arg16[%swap3A_1078, %swap3A_1079, %swap3A_1080], %swap3A_1083 {strides = array<i32>} : memref<31x16x512xf32, #tpu.memory_space<vmem>>, vector<1x16x512xf32>,
    %jit3A_1084 = arith.constant 0xFF800000 : f32
    %broadcast_in_dim3A_1085 = vector.broadcast %jit3A_1084 : f32 to vector<16x512xf32>
    %select_n3A_1086 = arith.select %eq3A_1075, %broadcast_in_dim3A_1085, %select_n3A_1062 : vector<16x512xi1>, vector<16x512xf32>
    %reduce_max3A_1087 = arith.constant dense<0xFF800000> : vector<16xf32>
    %reduce_max3A_1088 = vector.multi_reduction <maximumf>, %select_n3A_1086, %reduce_max3A_1087 [1] : vector<16x512xf32> to vector<16xf32>
    %broadcast_in_dim3A_1089 = vector.shape_cast %reduce_max3A_1088 : vector<16xf32> to vector<16x1xf32>
    %eq3A_1090 = vector.broadcast %broadcast_in_dim3A_1089 : vector<16x1xf32> to vector<16x512xf32>
    %eq3A_1091 = arith.cmpf oeq, %select_n3A_1086, %eq3A_1090 : vector<16x512xf32>
    %jit3A_1092 = arith.constant 512 : i32
    %broadcast_in_dim3A_1093 = vector.broadcast %jit3A_1092 : i32 to vector<16x512xi32>
    %select_n3A_1094 = arith.select %eq3A_1091, %iota3A, %broadcast_in_dim3A_1093 : vector<16x512xi1>, vector<16x512xi32>
    %reduce_min3A_1095 = arith.constant dense<2147483647> : vector<16xi32>
    %reduce_min3A_1096 = vector.multi_reduction <minsi>, %select_n3A_1094, %reduce_min3A_1095 [1] : vector<16x512xi32> to vector<16xi32>
    %broadcast_in_dim3A_1097 = vector.shape_cast %reduce_min3A_1096 : vector<16xi32> to vector<16x1xi32>
    %eq3A_1098 = vector.broadcast %broadcast_in_dim3A_1097 : vector<16x1xi32> to vector<16x512xi32>
    %eq3A_1099 = arith.cmpi eq, %iota3A, %eq3A_1098 : vector<16x512xi32>
    %convert_element_type3A_1100 = arith.extui %eq3A_1099 : vector<16x512xi1> to vector<16x512xi32>
    %convert_element_type3A_1101 = arith.sitofp %convert_element_type3A_1100 : vector<16x512xi32> to vector<16x512xf32>
    %swap3A_1102 = arith.constant 23 : index
    %swap3A_1103 = arith.constant 0 : index
    %swap3A_1104 = arith.constant 0 : index
    %swap3A_1105 = vector.load %arg16[%swap3A_1102, %swap3A_1103, %swap3A_1104] : memref<31x16x512xf32, #tpu.memory_space<vmem>>, vector<1x16x512xf32>
    %swap3A_1106 = vector.shape_cast %swap3A_1105 : vector<1x16x512xf32> to vector<16x512xf32>
    %swap3A_1107 = vector.shape_cast %convert_element_type3A_1101 : vector<16x512xf32> to vector<1x16x512xf32>
    tpu.vector_store %arg16[%swap3A_1102, %swap3A_1103, %swap3A_1104], %swap3A_1107 {strides = array<i32>} : memref<31x16x512xf32, #tpu.memory_space<vmem>>, vector<1x16x512xf32>,
    %jit3A_1108 = arith.constant 0xFF800000 : f32
    %broadcast_in_dim3A_1109 = vector.broadcast %jit3A_1108 : f32 to vector<16x512xf32>
    %select_n3A_1110 = arith.select %eq3A_1099, %broadcast_in_dim3A_1109, %select_n3A_1086 : vector<16x512xi1>, vector<16x512xf32>
    %reduce_max3A_1111 = arith.constant dense<0xFF800000> : vector<16xf32>
    %reduce_max3A_1112 = vector.multi_reduction <maximumf>, %select_n3A_1110, %reduce_max3A_1111 [1] : vector<16x512xf32> to vector<16xf32>
    %broadcast_in_dim3A_1113 = vector.shape_cast %reduce_max3A_1112 : vector<16xf32> to vector<16x1xf32>
    %eq3A_1114 = vector.broadcast %broadcast_in_dim3A_1113 : vector<16x1xf32> to vector<16x512xf32>
    %eq3A_1115 = arith.cmpf oeq, %select_n3A_1110, %eq3A_1114 : vector<16x512xf32>
    %jit3A_1116 = arith.constant 512 : i32
    %broadcast_in_dim3A_1117 = vector.broadcast %jit3A_1116 : i32 to vector<16x512xi32>
    %select_n3A_1118 = arith.select %eq3A_1115, %iota3A, %broadcast_in_dim3A_1117 : vector<16x512xi1>, vector<16x512xi32>
    %reduce_min3A_1119 = arith.constant dense<2147483647> : vector<16xi32>
    %reduce_min3A_1120 = vector.multi_reduction <minsi>, %select_n3A_1118, %reduce_min3A_1119 [1] : vector<16x512xi32> to vector<16xi32>
    %broadcast_in_dim3A_1121 = vector.shape_cast %reduce_min3A_1120 : vector<16xi32> to vector<16x1xi32>
    %eq3A_1122 = vector.broadcast %broadcast_in_dim3A_1121 : vector<16x1xi32> to vector<16x512xi32>
    %eq3A_1123 = arith.cmpi eq, %iota3A, %eq3A_1122 : vector<16x512xi32>
    %convert_element_type3A_1124 = arith.extui %eq3A_1123 : vector<16x512xi1> to vector<16x512xi32>
    %convert_element_type3A_1125 = arith.sitofp %convert_element_type3A_1124 : vector<16x512xi32> to vector<16x512xf32>
    %swap3A_1126 = arith.constant 24 : index
    %swap3A_1127 = arith.constant 0 : index
    %swap3A_1128 = arith.constant 0 : index
    %swap3A_1129 = vector.load %arg16[%swap3A_1126, %swap3A_1127, %swap3A_1128] : memref<31x16x512xf32, #tpu.memory_space<vmem>>, vector<1x16x512xf32>
    %swap3A_1130 = vector.shape_cast %swap3A_1129 : vector<1x16x512xf32> to vector<16x512xf32>
    %swap3A_1131 = vector.shape_cast %convert_element_type3A_1125 : vector<16x512xf32> to vector<1x16x512xf32>
    tpu.vector_store %arg16[%swap3A_1126, %swap3A_1127, %swap3A_1128], %swap3A_1131 {strides = array<i32>} : memref<31x16x512xf32, #tpu.memory_space<vmem>>, vector<1x16x512xf32>,
    %jit3A_1132 = arith.constant 0xFF800000 : f32
    %broadcast_in_dim3A_1133 = vector.broadcast %jit3A_1132 : f32 to vector<16x512xf32>
    %select_n3A_1134 = arith.select %eq3A_1123, %broadcast_in_dim3A_1133, %select_n3A_1110 : vector<16x512xi1>, vector<16x512xf32>
    %reduce_max3A_1135 = arith.constant dense<0xFF800000> : vector<16xf32>
    %reduce_max3A_1136 = vector.multi_reduction <maximumf>, %select_n3A_1134, %reduce_max3A_1135 [1] : vector<16x512xf32> to vector<16xf32>
    %broadcast_in_dim3A_1137 = vector.shape_cast %reduce_max3A_1136 : vector<16xf32> to vector<16x1xf32>
    %eq3A_1138 = vector.broadcast %broadcast_in_dim3A_1137 : vector<16x1xf32> to vector<16x512xf32>
    %eq3A_1139 = arith.cmpf oeq, %select_n3A_1134, %eq3A_1138 : vector<16x512xf32>
    %jit3A_1140 = arith.constant 512 : i32
    %broadcast_in_dim3A_1141 = vector.broadcast %jit3A_1140 : i32 to vector<16x512xi32>
    %select_n3A_1142 = arith.select %eq3A_1139, %iota3A, %broadcast_in_dim3A_1141 : vector<16x512xi1>, vector<16x512xi32>
    %reduce_min3A_1143 = arith.constant dense<2147483647> : vector<16xi32>
    %reduce_min3A_1144 = vector.multi_reduction <minsi>, %select_n3A_1142, %reduce_min3A_1143 [1] : vector<16x512xi32> to vector<16xi32>
    %broadcast_in_dim3A_1145 = vector.shape_cast %reduce_min3A_1144 : vector<16xi32> to vector<16x1xi32>
    %eq3A_1146 = vector.broadcast %broadcast_in_dim3A_1145 : vector<16x1xi32> to vector<16x512xi32>
    %eq3A_1147 = arith.cmpi eq, %iota3A, %eq3A_1146 : vector<16x512xi32>
    %convert_element_type3A_1148 = arith.extui %eq3A_1147 : vector<16x512xi1> to vector<16x512xi32>
    %convert_element_type3A_1149 = arith.sitofp %convert_element_type3A_1148 : vector<16x512xi32> to vector<16x512xf32>
    %swap3A_1150 = arith.constant 25 : index
    %swap3A_1151 = arith.constant 0 : index
    %swap3A_1152 = arith.constant 0 : index
    %swap3A_1153 = vector.load %arg16[%swap3A_1150, %swap3A_1151, %swap3A_1152] : memref<31x16x512xf32, #tpu.memory_space<vmem>>, vector<1x16x512xf32>
    %swap3A_1154 = vector.shape_cast %swap3A_1153 : vector<1x16x512xf32> to vector<16x512xf32>
    %swap3A_1155 = vector.shape_cast %convert_element_type3A_1149 : vector<16x512xf32> to vector<1x16x512xf32>
    tpu.vector_store %arg16[%swap3A_1150, %swap3A_1151, %swap3A_1152], %swap3A_1155 {strides = array<i32>} : memref<31x16x512xf32, #tpu.memory_space<vmem>>, vector<1x16x512xf32>,
    %jit3A_1156 = arith.constant 0xFF800000 : f32
    %broadcast_in_dim3A_1157 = vector.broadcast %jit3A_1156 : f32 to vector<16x512xf32>
    %select_n3A_1158 = arith.select %eq3A_1147, %broadcast_in_dim3A_1157, %select_n3A_1134 : vector<16x512xi1>, vector<16x512xf32>
    %reduce_max3A_1159 = arith.constant dense<0xFF800000> : vector<16xf32>
    %reduce_max3A_1160 = vector.multi_reduction <maximumf>, %select_n3A_1158, %reduce_max3A_1159 [1] : vector<16x512xf32> to vector<16xf32>
    %broadcast_in_dim3A_1161 = vector.shape_cast %reduce_max3A_1160 : vector<16xf32> to vector<16x1xf32>
    %eq3A_1162 = vector.broadcast %broadcast_in_dim3A_1161 : vector<16x1xf32> to vector<16x512xf32>
    %eq3A_1163 = arith.cmpf oeq, %select_n3A_1158, %eq3A_1162 : vector<16x512xf32>
    %jit3A_1164 = arith.constant 512 : i32
    %broadcast_in_dim3A_1165 = vector.broadcast %jit3A_1164 : i32 to vector<16x512xi32>
    %select_n3A_1166 = arith.select %eq3A_1163, %iota3A, %broadcast_in_dim3A_1165 : vector<16x512xi1>, vector<16x512xi32>
    %reduce_min3A_1167 = arith.constant dense<2147483647> : vector<16xi32>
    %reduce_min3A_1168 = vector.multi_reduction <minsi>, %select_n3A_1166, %reduce_min3A_1167 [1] : vector<16x512xi32> to vector<16xi32>
    %broadcast_in_dim3A_1169 = vector.shape_cast %reduce_min3A_1168 : vector<16xi32> to vector<16x1xi32>
    %eq3A_1170 = vector.broadcast %broadcast_in_dim3A_1169 : vector<16x1xi32> to vector<16x512xi32>
    %eq3A_1171 = arith.cmpi eq, %iota3A, %eq3A_1170 : vector<16x512xi32>
    %convert_element_type3A_1172 = arith.extui %eq3A_1171 : vector<16x512xi1> to vector<16x512xi32>
    %convert_element_type3A_1173 = arith.sitofp %convert_element_type3A_1172 : vector<16x512xi32> to vector<16x512xf32>
    %swap3A_1174 = arith.constant 26 : index
    %swap3A_1175 = arith.constant 0 : index
    %swap3A_1176 = arith.constant 0 : index
    %swap3A_1177 = vector.load %arg16[%swap3A_1174, %swap3A_1175, %swap3A_1176] : memref<31x16x512xf32, #tpu.memory_space<vmem>>, vector<1x16x512xf32>
    %swap3A_1178 = vector.shape_cast %swap3A_1177 : vector<1x16x512xf32> to vector<16x512xf32>
    %swap3A_1179 = vector.shape_cast %convert_element_type3A_1173 : vector<16x512xf32> to vector<1x16x512xf32>
    tpu.vector_store %arg16[%swap3A_1174, %swap3A_1175, %swap3A_1176], %swap3A_1179 {strides = array<i32>} : memref<31x16x512xf32, #tpu.memory_space<vmem>>, vector<1x16x512xf32>,
    %jit3A_1180 = arith.constant 0xFF800000 : f32
    %broadcast_in_dim3A_1181 = vector.broadcast %jit3A_1180 : f32 to vector<16x512xf32>
    %select_n3A_1182 = arith.select %eq3A_1171, %broadcast_in_dim3A_1181, %select_n3A_1158 : vector<16x512xi1>, vector<16x512xf32>
    %reduce_max3A_1183 = arith.constant dense<0xFF800000> : vector<16xf32>
    %reduce_max3A_1184 = vector.multi_reduction <maximumf>, %select_n3A_1182, %reduce_max3A_1183 [1] : vector<16x512xf32> to vector<16xf32>
    %broadcast_in_dim3A_1185 = vector.shape_cast %reduce_max3A_1184 : vector<16xf32> to vector<16x1xf32>
    %eq3A_1186 = vector.broadcast %broadcast_in_dim3A_1185 : vector<16x1xf32> to vector<16x512xf32>
    %eq3A_1187 = arith.cmpf oeq, %select_n3A_1182, %eq3A_1186 : vector<16x512xf32>
    %jit3A_1188 = arith.constant 512 : i32
    %broadcast_in_dim3A_1189 = vector.broadcast %jit3A_1188 : i32 to vector<16x512xi32>
    %select_n3A_1190 = arith.select %eq3A_1187, %iota3A, %broadcast_in_dim3A_1189 : vector<16x512xi1>, vector<16x512xi32>
    %reduce_min3A_1191 = arith.constant dense<2147483647> : vector<16xi32>
    %reduce_min3A_1192 = vector.multi_reduction <minsi>, %select_n3A_1190, %reduce_min3A_1191 [1] : vector<16x512xi32> to vector<16xi32>
    %broadcast_in_dim3A_1193 = vector.shape_cast %reduce_min3A_1192 : vector<16xi32> to vector<16x1xi32>
    %eq3A_1194 = vector.broadcast %broadcast_in_dim3A_1193 : vector<16x1xi32> to vector<16x512xi32>
    %eq3A_1195 = arith.cmpi eq, %iota3A, %eq3A_1194 : vector<16x512xi32>
    %convert_element_type3A_1196 = arith.extui %eq3A_1195 : vector<16x512xi1> to vector<16x512xi32>
    %convert_element_type3A_1197 = arith.sitofp %convert_element_type3A_1196 : vector<16x512xi32> to vector<16x512xf32>
    %swap3A_1198 = arith.constant 27 : index
    %swap3A_1199 = arith.constant 0 : index
    %swap3A_1200 = arith.constant 0 : index
    %swap3A_1201 = vector.load %arg16[%swap3A_1198, %swap3A_1199, %swap3A_1200] : memref<31x16x512xf32, #tpu.memory_space<vmem>>, vector<1x16x512xf32>
    %swap3A_1202 = vector.shape_cast %swap3A_1201 : vector<1x16x512xf32> to vector<16x512xf32>
    %swap3A_1203 = vector.shape_cast %convert_element_type3A_1197 : vector<16x512xf32> to vector<1x16x512xf32>
    tpu.vector_store %arg16[%swap3A_1198, %swap3A_1199, %swap3A_1200], %swap3A_1203 {strides = array<i32>} : memref<31x16x512xf32, #tpu.memory_space<vmem>>, vector<1x16x512xf32>,
    %jit3A_1204 = arith.constant 0xFF800000 : f32
    %broadcast_in_dim3A_1205 = vector.broadcast %jit3A_1204 : f32 to vector<16x512xf32>
    %select_n3A_1206 = arith.select %eq3A_1195, %broadcast_in_dim3A_1205, %select_n3A_1182 : vector<16x512xi1>, vector<16x512xf32>
    %reduce_max3A_1207 = arith.constant dense<0xFF800000> : vector<16xf32>
    %reduce_max3A_1208 = vector.multi_reduction <maximumf>, %select_n3A_1206, %reduce_max3A_1207 [1] : vector<16x512xf32> to vector<16xf32>
    %broadcast_in_dim3A_1209 = vector.shape_cast %reduce_max3A_1208 : vector<16xf32> to vector<16x1xf32>
    %eq3A_1210 = vector.broadcast %broadcast_in_dim3A_1209 : vector<16x1xf32> to vector<16x512xf32>
    %eq3A_1211 = arith.cmpf oeq, %select_n3A_1206, %eq3A_1210 : vector<16x512xf32>
    %jit3A_1212 = arith.constant 512 : i32
    %broadcast_in_dim3A_1213 = vector.broadcast %jit3A_1212 : i32 to vector<16x512xi32>
    %select_n3A_1214 = arith.select %eq3A_1211, %iota3A, %broadcast_in_dim3A_1213 : vector<16x512xi1>, vector<16x512xi32>
    %reduce_min3A_1215 = arith.constant dense<2147483647> : vector<16xi32>
    %reduce_min3A_1216 = vector.multi_reduction <minsi>, %select_n3A_1214, %reduce_min3A_1215 [1] : vector<16x512xi32> to vector<16xi32>
    %broadcast_in_dim3A_1217 = vector.shape_cast %reduce_min3A_1216 : vector<16xi32> to vector<16x1xi32>
    %eq3A_1218 = vector.broadcast %broadcast_in_dim3A_1217 : vector<16x1xi32> to vector<16x512xi32>
    %eq3A_1219 = arith.cmpi eq, %iota3A, %eq3A_1218 : vector<16x512xi32>
    %convert_element_type3A_1220 = arith.extui %eq3A_1219 : vector<16x512xi1> to vector<16x512xi32>
    %convert_element_type3A_1221 = arith.sitofp %convert_element_type3A_1220 : vector<16x512xi32> to vector<16x512xf32>
    %swap3A_1222 = arith.constant 28 : index
    %swap3A_1223 = arith.constant 0 : index
    %swap3A_1224 = arith.constant 0 : index
    %swap3A_1225 = vector.load %arg16[%swap3A_1222, %swap3A_1223, %swap3A_1224] : memref<31x16x512xf32, #tpu.memory_space<vmem>>, vector<1x16x512xf32>
    %swap3A_1226 = vector.shape_cast %swap3A_1225 : vector<1x16x512xf32> to vector<16x512xf32>
    %swap3A_1227 = vector.shape_cast %convert_element_type3A_1221 : vector<16x512xf32> to vector<1x16x512xf32>
    tpu.vector_store %arg16[%swap3A_1222, %swap3A_1223, %swap3A_1224], %swap3A_1227 {strides = array<i32>} : memref<31x16x512xf32, #tpu.memory_space<vmem>>, vector<1x16x512xf32>,
    %jit3A_1228 = arith.constant 0xFF800000 : f32
    %broadcast_in_dim3A_1229 = vector.broadcast %jit3A_1228 : f32 to vector<16x512xf32>
    %select_n3A_1230 = arith.select %eq3A_1219, %broadcast_in_dim3A_1229, %select_n3A_1206 : vector<16x512xi1>, vector<16x512xf32>
    %reduce_max3A_1231 = arith.constant dense<0xFF800000> : vector<16xf32>
    %reduce_max3A_1232 = vector.multi_reduction <maximumf>, %select_n3A_1230, %reduce_max3A_1231 [1] : vector<16x512xf32> to vector<16xf32>
    %broadcast_in_dim3A_1233 = vector.shape_cast %reduce_max3A_1232 : vector<16xf32> to vector<16x1xf32>
    %eq3A_1234 = vector.broadcast %broadcast_in_dim3A_1233 : vector<16x1xf32> to vector<16x512xf32>
    %eq3A_1235 = arith.cmpf oeq, %select_n3A_1230, %eq3A_1234 : vector<16x512xf32>
    %jit3A_1236 = arith.constant 512 : i32
    %broadcast_in_dim3A_1237 = vector.broadcast %jit3A_1236 : i32 to vector<16x512xi32>
    %select_n3A_1238 = arith.select %eq3A_1235, %iota3A, %broadcast_in_dim3A_1237 : vector<16x512xi1>, vector<16x512xi32>
    %reduce_min3A_1239 = arith.constant dense<2147483647> : vector<16xi32>
    %reduce_min3A_1240 = vector.multi_reduction <minsi>, %select_n3A_1238, %reduce_min3A_1239 [1] : vector<16x512xi32> to vector<16xi32>
    %broadcast_in_dim3A_1241 = vector.shape_cast %reduce_min3A_1240 : vector<16xi32> to vector<16x1xi32>
    %eq3A_1242 = vector.broadcast %broadcast_in_dim3A_1241 : vector<16x1xi32> to vector<16x512xi32>
    %eq3A_1243 = arith.cmpi eq, %iota3A, %eq3A_1242 : vector<16x512xi32>
    %convert_element_type3A_1244 = arith.extui %eq3A_1243 : vector<16x512xi1> to vector<16x512xi32>
    %convert_element_type3A_1245 = arith.sitofp %convert_element_type3A_1244 : vector<16x512xi32> to vector<16x512xf32>
    %swap3A_1246 = arith.constant 29 : index
    %swap3A_1247 = arith.constant 0 : index
    %swap3A_1248 = arith.constant 0 : index
    %swap3A_1249 = vector.load %arg16[%swap3A_1246, %swap3A_1247, %swap3A_1248] : memref<31x16x512xf32, #tpu.memory_space<vmem>>, vector<1x16x512xf32>
    %swap3A_1250 = vector.shape_cast %swap3A_1249 : vector<1x16x512xf32> to vector<16x512xf32>
    %swap3A_1251 = vector.shape_cast %convert_element_type3A_1245 : vector<16x512xf32> to vector<1x16x512xf32>
    tpu.vector_store %arg16[%swap3A_1246, %swap3A_1247, %swap3A_1248], %swap3A_1251 {strides = array<i32>} : memref<31x16x512xf32, #tpu.memory_space<vmem>>, vector<1x16x512xf32>,
    %jit3A_1252 = arith.constant 0xFF800000 : f32
    %broadcast_in_dim3A_1253 = vector.broadcast %jit3A_1252 : f32 to vector<16x512xf32>
    %select_n3A_1254 = arith.select %eq3A_1243, %broadcast_in_dim3A_1253, %select_n3A_1230 : vector<16x512xi1>, vector<16x512xf32>
    %reduce_max3A_1255 = arith.constant dense<0xFF800000> : vector<16xf32>
    %reduce_max3A_1256 = vector.multi_reduction <maximumf>, %select_n3A_1254, %reduce_max3A_1255 [1] : vector<16x512xf32> to vector<16xf32>
    %broadcast_in_dim3A_1257 = vector.shape_cast %reduce_max3A_1256 : vector<16xf32> to vector<16x1xf32>
    %eq3A_1258 = vector.broadcast %broadcast_in_dim3A_1257 : vector<16x1xf32> to vector<16x512xf32>
    %eq3A_1259 = arith.cmpf oeq, %select_n3A_1254, %eq3A_1258 : vector<16x512xf32>
    %jit3A_1260 = arith.constant 512 : i32
    %broadcast_in_dim3A_1261 = vector.broadcast %jit3A_1260 : i32 to vector<16x512xi32>
    %select_n3A_1262 = arith.select %eq3A_1259, %iota3A, %broadcast_in_dim3A_1261 : vector<16x512xi1>, vector<16x512xi32>
    %reduce_min3A_1263 = arith.constant dense<2147483647> : vector<16xi32>
    %reduce_min3A_1264 = vector.multi_reduction <minsi>, %select_n3A_1262, %reduce_min3A_1263 [1] : vector<16x512xi32> to vector<16xi32>
    %broadcast_in_dim3A_1265 = vector.shape_cast %reduce_min3A_1264 : vector<16xi32> to vector<16x1xi32>
    %eq3A_1266 = vector.broadcast %broadcast_in_dim3A_1265 : vector<16x1xi32> to vector<16x512xi32>
    %eq3A_1267 = arith.cmpi eq, %iota3A, %eq3A_1266 : vector<16x512xi32>
    %convert_element_type3A_1268 = arith.extui %eq3A_1267 : vector<16x512xi1> to vector<16x512xi32>
    %convert_element_type3A_1269 = arith.sitofp %convert_element_type3A_1268 : vector<16x512xi32> to vector<16x512xf32>
    %swap3A_1270 = arith.constant 30 : index
    %swap3A_1271 = arith.constant 0 : index
    %swap3A_1272 = arith.constant 0 : index
    %swap3A_1273 = vector.load %arg16[%swap3A_1270, %swap3A_1271, %swap3A_1272] : memref<31x16x512xf32, #tpu.memory_space<vmem>>, vector<1x16x512xf32>
    %swap3A_1274 = vector.shape_cast %swap3A_1273 : vector<1x16x512xf32> to vector<16x512xf32>
    %swap3A_1275 = vector.shape_cast %convert_element_type3A_1269 : vector<16x512xf32> to vector<1x16x512xf32>
    tpu.vector_store %arg16[%swap3A_1270, %swap3A_1271, %swap3A_1272], %swap3A_1275 {strides = array<i32>} : memref<31x16x512xf32, #tpu.memory_space<vmem>>, vector<1x16x512xf32>,
    %broadcast_in_dim3A_1276 = arith.constant 1.000000e+00 : f32
    %broadcast_in_dim3A_1277 = vector.broadcast %broadcast_in_dim3A_1276 : f32 to vector<31x1xf32>
    %get3A_1278 = arith.constant 0 : index
    %get3A_1279 = arith.constant 0 : index
    %get3A_1280 = vector.load %arg11[%get3A_1278, %get3A_1279] : memref<512x512xf32, #tpu.memory_space<vmem>>, vector<512x512xf32>
    %get3A_1281 = arith.constant 0 : index
    %get3A_1282 = arith.constant 0 : index
    %get3A_1283 = arith.constant 0 : index
    %get3A_1284 = vector.load %arg15[%get3A_1281, %get3A_1282, %get3A_1283] : memref<2x512x512xf32, #tpu.memory_space<vmem>>, vector<1x512x512xf32>
    %get3A_1285 = vector.shape_cast %get3A_1284 : vector<1x512x512xf32> to vector<512x512xf32>
    %dot_general3A_1286 = arith.constant dense<0.000000e+00> : vector<512x512xf32>
    %dot_general3A_1287 = tpu.matmul %get3A_1280, %get3A_1285, %dot_general3A_1286 {dimension_numbers = #tpu.dot_dimension_numbers<[1], [0], [0], [1], [0, 0, 1, 1], [], []>, transpose_lhs_hint = false} : vector<512x512xf32>, vector<512x512xf32>, vector<512x512xf32> -> vector<512x512xf32>
    %get3A_1288 = arith.constant 0 : index
    %get3A_1289 = arith.constant 0 : index
    %get3A_1290 = arith.constant 0 : index
    %get3A_1291 = vector.load %arg16[%get3A_1288, %get3A_1289, %get3A_1290] : memref<31x16x512xf32, #tpu.memory_space<vmem>>, vector<31x1x512xf32>
    %get3A_1292 = vector.shape_cast %get3A_1291 : vector<31x1x512xf32> to vector<31x512xf32>
    %get3A_1293 = arith.constant 0 : index
    %get3A_1294 = arith.constant 0 : index
    %get3A_1295 = arith.constant 0 : index
    %get3A_1296 = vector.load %arg13[%get3A_1293, %get3A_1294, %get3A_1295] : memref<2x512x512xf32, #tpu.memory_space<vmem>>, vector<1x512x512xf32>
    %get3A_1297 = vector.shape_cast %get3A_1296 : vector<1x512x512xf32> to vector<512x512xf32>
    %slice3A_1298 = vector.extract_strided_slice %get3A_1297 {offsets = [0, 0], sizes = [512, 64], strides = [1, 1]} : vector<512x512xf32> to vector<512x64xf32>
    %dot_general3A_1299 = arith.constant dense<0.000000e+00> : vector<31x64xf32>
    %dot_general3A_1300 = tpu.matmul %get3A_1292, %slice3A_1298, %dot_general3A_1299 {dimension_numbers = #tpu.dot_dimension_numbers<[1], [0], [0], [1], [0, 0, 1, 1], [], []>, transpose_lhs_hint = false} : vector<31x512xf32>, vector<512x64xf32>, vector<31x64xf32> -> vector<31x64xf32>
    %get3A_1301 = arith.constant 0 : index
    %get3A_1302 = arith.constant 0 : index
    %get3A_1303 = arith.constant 0 : index
    %get3A_1304 = vector.load %arg14[%get3A_1301, %get3A_1302, %get3A_1303] : memref<2x512x512xf32, #tpu.memory_space<vmem>>, vector<1x512x512xf32>
    %get3A_1305 = vector.shape_cast %get3A_1304 : vector<1x512x512xf32> to vector<512x512xf32>
    %slice3A_1306 = vector.extract_strided_slice %get3A_1305 {offsets = [0, 0], sizes = [512, 64], strides = [1, 1]} : vector<512x512xf32> to vector<512x64xf32>
    %dot_general3A_1307 = arith.constant dense<0.000000e+00> : vector<31x512xf32>
    %dot_general3A_1308 = tpu.matmul %dot_general3A_1300, %slice3A_1306, %dot_general3A_1307 {dimension_numbers = #tpu.dot_dimension_numbers<[1], [1], [0], [0], [0, 0, 1, 0], [], []>, transpose_lhs_hint = false} : vector<31x64xf32>, vector<512x64xf32>, vector<31x512xf32> -> vector<31x512xf32>
    %mul3A_1309 = arith.constant 1.250000e-01 : f32
    %mul3A_1310 = vector.broadcast %mul3A_1309 : f32 to vector<31x512xf32>
    %mul3A_1311 = arith.mulf %dot_general3A_1308, %mul3A_1310 : vector<31x512xf32>
    %reduce_max3A_1312 = arith.constant dense<0xFF800000> : vector<31xf32>
    %reduce_max3A_1313 = vector.multi_reduction <maximumf>, %mul3A_1311, %reduce_max3A_1312 [1] : vector<31x512xf32> to vector<31xf32>
    %broadcast_in_dim3A_1314 = vector.shape_cast %reduce_max3A_1313 : vector<31xf32> to vector<31x1xf32>
    %sub3A_1315 = vector.broadcast %broadcast_in_dim3A_1314 : vector<31x1xf32> to vector<31x512xf32>
    %sub3A_1316 = arith.subf %mul3A_1311, %sub3A_1315 : vector<31x512xf32>
    %exp3A = math.exp %sub3A_1316 : vector<31x512xf32>
    %reduce_sum3A_1317 = arith.constant dense<0.000000e+00> : vector<31xf32>
    %reduce_sum3A_1318 = vector.multi_reduction <add>, %exp3A, %reduce_sum3A_1317 [1] : vector<31x512xf32> to vector<31xf32>
    %broadcast_in_dim3A_1319 = vector.shape_cast %reduce_sum3A_1318 : vector<31xf32> to vector<31x1xf32>
    %div3A = vector.broadcast %broadcast_in_dim3A_1319 : vector<31x1xf32> to vector<31x512xf32>
    %div3A_1320 = arith.divf %exp3A, %div3A : vector<31x512xf32>
    %get3A_1321 = arith.constant 0 : index
    %get3A_1322 = arith.constant 0 : index
    %get3A_1323 = arith.constant 0 : index
    %get3A_1324 = vector.load %arg15[%get3A_1321, %get3A_1322, %get3A_1323] : memref<2x512x512xf32, #tpu.memory_space<vmem>>, vector<1x512x512xf32>
    %get3A_1325 = vector.shape_cast %get3A_1324 : vector<1x512x512xf32> to vector<512x512xf32>
    %slice3A_1326 = vector.extract_strided_slice %get3A_1325 {offsets = [0, 0], sizes = [512, 64], strides = [1, 1]} : vector<512x512xf32> to vector<512x64xf32>
    %dot_general3A_1327 = arith.constant dense<0.000000e+00> : vector<31x64xf32>
    %dot_general3A_1328 = tpu.matmul %div3A_1320, %slice3A_1326, %dot_general3A_1327 {dimension_numbers = #tpu.dot_dimension_numbers<[1], [0], [0], [1], [0, 0, 1, 1], [], []>, transpose_lhs_hint = false} : vector<31x512xf32>, vector<512x64xf32>, vector<31x64xf32> -> vector<31x64xf32>
    %dot_general3A_1329 = arith.constant dense<0.000000e+00> : vector<512x64xf32>
    %dot_general3A_1330 = tpu.matmul %get3A_1292, %dot_general3A_1328, %dot_general3A_1329 {dimension_numbers = #tpu.dot_dimension_numbers<[0], [0], [1], [1], [0, 1, 1, 1], [], []>, transpose_lhs_hint = false} : vector<31x512xf32>, vector<31x64xf32>, vector<512x64xf32> -> vector<512x64xf32>
    %dot_general3A_1331 = arith.constant dense<0.000000e+00> : vector<512x1xf32>
    %dot_general3A_1332 = tpu.matmul %get3A_1292, %broadcast_in_dim3A_1277, %dot_general3A_1331 {dimension_numbers = #tpu.dot_dimension_numbers<[0], [0], [1], [1], [0, 1, 1, 1], [], []>, transpose_lhs_hint = false} : vector<31x512xf32>, vector<31x1xf32>, vector<512x1xf32> -> vector<512x1xf32>
    %slice3A_1333 = vector.extract_strided_slice %dot_general3A_1287 {offsets = [0, 0], sizes = [512, 64], strides = [1, 1]} : vector<512x512xf32> to vector<512x64xf32>
    %sub3A_1334 = arith.constant 1.000000e+00 : f32
    %sub3A_1335 = vector.broadcast %sub3A_1334 : f32 to vector<512x1xf32>
    %sub3A_1336 = arith.subf %sub3A_1335, %dot_general3A_1332 : vector<512x1xf32>
    %mul3A_1337 = vector.broadcast %sub3A_1336 : vector<512x1xf32> to vector<512x64xf32>
    %mul3A_1338 = arith.mulf %slice3A_1333, %mul3A_1337 : vector<512x64xf32>
    %add3A = arith.addf %mul3A_1338, %dot_general3A_1330 : vector<512x64xf32>
    %get3A_1339 = arith.constant 0 : index
    %get3A_1340 = arith.constant 1 : index
    %get3A_1341 = arith.constant 0 : index
    %get3A_1342 = vector.load %arg16[%get3A_1339, %get3A_1340, %get3A_1341] : memref<31x16x512xf32, #tpu.memory_space<vmem>>, vector<31x1x512xf32>
    %get3A_1343 = vector.shape_cast %get3A_1342 : vector<31x1x512xf32> to vector<31x512xf32>
    %get3A_1344 = arith.constant 0 : index
    %get3A_1345 = arith.constant 0 : index
    %get3A_1346 = arith.constant 0 : index
    %get3A_1347 = vector.load %arg13[%get3A_1344, %get3A_1345, %get3A_1346] : memref<2x512x512xf32, #tpu.memory_space<vmem>>, vector<1x512x512xf32>
    %get3A_1348 = vector.shape_cast %get3A_1347 : vector<1x512x512xf32> to vector<512x512xf32>
    %slice3A_1349 = vector.extract_strided_slice %get3A_1348 {offsets = [0, 64], sizes = [512, 64], strides = [1, 1]} : vector<512x512xf32> to vector<512x64xf32>
    %dot_general3A_1350 = arith.constant dense<0.000000e+00> : vector<31x64xf32>
    %dot_general3A_1351 = tpu.matmul %get3A_1343, %slice3A_1349, %dot_general3A_1350 {dimension_numbers = #tpu.dot_dimension_numbers<[1], [0], [0], [1], [0, 0, 1, 1], [], []>, transpose_lhs_hint = false} : vector<31x512xf32>, vector<512x64xf32>, vector<31x64xf32> -> vector<31x64xf32>
    %get3A_1352 = arith.constant 0 : index
    %get3A_1353 = arith.constant 0 : index
    %get3A_1354 = arith.constant 0 : index
    %get3A_1355 = vector.load %arg14[%get3A_1352, %get3A_1353, %get3A_1354] : memref<2x512x512xf32, #tpu.memory_space<vmem>>, vector<1x512x512xf32>
    %get3A_1356 = vector.shape_cast %get3A_1355 : vector<1x512x512xf32> to vector<512x512xf32>
    %slice3A_1357 = vector.extract_strided_slice %get3A_1356 {offsets = [0, 64], sizes = [512, 64], strides = [1, 1]} : vector<512x512xf32> to vector<512x64xf32>
    %dot_general3A_1358 = arith.constant dense<0.000000e+00> : vector<31x512xf32>
    %dot_general3A_1359 = tpu.matmul %dot_general3A_1351, %slice3A_1357, %dot_general3A_1358 {dimension_numbers = #tpu.dot_dimension_numbers<[1], [1], [0], [0], [0, 0, 1, 0], [], []>, transpose_lhs_hint = false} : vector<31x64xf32>, vector<512x64xf32>, vector<31x512xf32> -> vector<31x512xf32>
    %mul3A_1360 = arith.constant 1.250000e-01 : f32
    %mul3A_1361 = vector.broadcast %mul3A_1360 : f32 to vector<31x512xf32>
    %mul3A_1362 = arith.mulf %dot_general3A_1359, %mul3A_1361 : vector<31x512xf32>
    %reduce_max3A_1363 = arith.constant dense<0xFF800000> : vector<31xf32>
    %reduce_max3A_1364 = vector.multi_reduction <maximumf>, %mul3A_1362, %reduce_max3A_1363 [1] : vector<31x512xf32> to vector<31xf32>
    %broadcast_in_dim3A_1365 = vector.shape_cast %reduce_max3A_1364 : vector<31xf32> to vector<31x1xf32>
    %sub3A_1366 = vector.broadcast %broadcast_in_dim3A_1365 : vector<31x1xf32> to vector<31x512xf32>
    %sub3A_1367 = arith.subf %mul3A_1362, %sub3A_1366 : vector<31x512xf32>
    %exp3A_1368 = math.exp %sub3A_1367 : vector<31x512xf32>
    %reduce_sum3A_1369 = arith.constant dense<0.000000e+00> : vector<31xf32>
    %reduce_sum3A_1370 = vector.multi_reduction <add>, %exp3A_1368, %reduce_sum3A_1369 [1] : vector<31x512xf32> to vector<31xf32>
    %broadcast_in_dim3A_1371 = vector.shape_cast %reduce_sum3A_1370 : vector<31xf32> to vector<31x1xf32>
    %div3A_1372 = vector.broadcast %broadcast_in_dim3A_1371 : vector<31x1xf32> to vector<31x512xf32>
    %div3A_1373 = arith.divf %exp3A_1368, %div3A_1372 : vector<31x512xf32>
    %get3A_1374 = arith.constant 0 : index
    %get3A_1375 = arith.constant 0 : index
    %get3A_1376 = arith.constant 0 : index
    %get3A_1377 = vector.load %arg15[%get3A_1374, %get3A_1375, %get3A_1376] : memref<2x512x512xf32, #tpu.memory_space<vmem>>, vector<1x512x512xf32>
    %get3A_1378 = vector.shape_cast %get3A_1377 : vector<1x512x512xf32> to vector<512x512xf32>
    %slice3A_1379 = vector.extract_strided_slice %get3A_1378 {offsets = [0, 64], sizes = [512, 64], strides = [1, 1]} : vector<512x512xf32> to vector<512x64xf32>
    %dot_general3A_1380 = arith.constant dense<0.000000e+00> : vector<31x64xf32>
    %dot_general3A_1381 = tpu.matmul %div3A_1373, %slice3A_1379, %dot_general3A_1380 {dimension_numbers = #tpu.dot_dimension_numbers<[1], [0], [0], [1], [0, 0, 1, 1], [], []>, transpose_lhs_hint = false} : vector<31x512xf32>, vector<512x64xf32>, vector<31x64xf32> -> vector<31x64xf32>
    %dot_general3A_1382 = arith.constant dense<0.000000e+00> : vector<512x64xf32>
    %dot_general3A_1383 = tpu.matmul %get3A_1343, %dot_general3A_1381, %dot_general3A_1382 {dimension_numbers = #tpu.dot_dimension_numbers<[0], [0], [1], [1], [0, 1, 1, 1], [], []>, transpose_lhs_hint = false} : vector<31x512xf32>, vector<31x64xf32>, vector<512x64xf32> -> vector<512x64xf32>
    %dot_general3A_1384 = arith.constant dense<0.000000e+00> : vector<512x1xf32>
    %dot_general3A_1385 = tpu.matmul %get3A_1343, %broadcast_in_dim3A_1277, %dot_general3A_1384 {dimension_numbers = #tpu.dot_dimension_numbers<[0], [0], [1], [1], [0, 1, 1, 1], [], []>, transpose_lhs_hint = false} : vector<31x512xf32>, vector<31x1xf32>, vector<512x1xf32> -> vector<512x1xf32>
    %slice3A_1386 = vector.extract_strided_slice %dot_general3A_1287 {offsets = [0, 64], sizes = [512, 64], strides = [1, 1]} : vector<512x512xf32> to vector<512x64xf32>
    %sub3A_1387 = arith.constant 1.000000e+00 : f32
    %sub3A_1388 = vector.broadcast %sub3A_1387 : f32 to vector<512x1xf32>
    %sub3A_1389 = arith.subf %sub3A_1388, %dot_general3A_1385 : vector<512x1xf32>
    %mul3A_1390 = vector.broadcast %sub3A_1389 : vector<512x1xf32> to vector<512x64xf32>
    %mul3A_1391 = arith.mulf %slice3A_1386, %mul3A_1390 : vector<512x64xf32>
    %add3A_1392 = arith.addf %mul3A_1391, %dot_general3A_1383 : vector<512x64xf32>
    %get3A_1393 = arith.constant 0 : index
    %get3A_1394 = arith.constant 2 : index
    %get3A_1395 = arith.constant 0 : index
    %get3A_1396 = vector.load %arg16[%get3A_1393, %get3A_1394, %get3A_1395] : memref<31x16x512xf32, #tpu.memory_space<vmem>>, vector<31x1x512xf32>
    %get3A_1397 = vector.shape_cast %get3A_1396 : vector<31x1x512xf32> to vector<31x512xf32>
    %get3A_1398 = arith.constant 0 : index
    %get3A_1399 = arith.constant 0 : index
    %get3A_1400 = arith.constant 0 : index
    %get3A_1401 = vector.load %arg13[%get3A_1398, %get3A_1399, %get3A_1400] : memref<2x512x512xf32, #tpu.memory_space<vmem>>, vector<1x512x512xf32>
    %get3A_1402 = vector.shape_cast %get3A_1401 : vector<1x512x512xf32> to vector<512x512xf32>
    %slice3A_1403 = vector.extract_strided_slice %get3A_1402 {offsets = [0, 128], sizes = [512, 64], strides = [1, 1]} : vector<512x512xf32> to vector<512x64xf32>
    %dot_general3A_1404 = arith.constant dense<0.000000e+00> : vector<31x64xf32>
    %dot_general3A_1405 = tpu.matmul %get3A_1397, %slice3A_1403, %dot_general3A_1404 {dimension_numbers = #tpu.dot_dimension_numbers<[1], [0], [0], [1], [0, 0, 1, 1], [], []>, transpose_lhs_hint = false} : vector<31x512xf32>, vector<512x64xf32>, vector<31x64xf32> -> vector<31x64xf32>
    %get3A_1406 = arith.constant 0 : index
    %get3A_1407 = arith.constant 0 : index
    %get3A_1408 = arith.constant 0 : index
    %get3A_1409 = vector.load %arg14[%get3A_1406, %get3A_1407, %get3A_1408] : memref<2x512x512xf32, #tpu.memory_space<vmem>>, vector<1x512x512xf32>
    %get3A_1410 = vector.shape_cast %get3A_1409 : vector<1x512x512xf32> to vector<512x512xf32>
    %slice3A_1411 = vector.extract_strided_slice %get3A_1410 {offsets = [0, 128], sizes = [512, 64], strides = [1, 1]} : vector<512x512xf32> to vector<512x64xf32>
    %dot_general3A_1412 = arith.constant dense<0.000000e+00> : vector<31x512xf32>
    %dot_general3A_1413 = tpu.matmul %dot_general3A_1405, %slice3A_1411, %dot_general3A_1412 {dimension_numbers = #tpu.dot_dimension_numbers<[1], [1], [0], [0], [0, 0, 1, 0], [], []>, transpose_lhs_hint = false} : vector<31x64xf32>, vector<512x64xf32>, vector<31x512xf32> -> vector<31x512xf32>
    %mul3A_1414 = arith.constant 1.250000e-01 : f32
    %mul3A_1415 = vector.broadcast %mul3A_1414 : f32 to vector<31x512xf32>
    %mul3A_1416 = arith.mulf %dot_general3A_1413, %mul3A_1415 : vector<31x512xf32>
    %reduce_max3A_1417 = arith.constant dense<0xFF800000> : vector<31xf32>
    %reduce_max3A_1418 = vector.multi_reduction <maximumf>, %mul3A_1416, %reduce_max3A_1417 [1] : vector<31x512xf32> to vector<31xf32>
    %broadcast_in_dim3A_1419 = vector.shape_cast %reduce_max3A_1418 : vector<31xf32> to vector<31x1xf32>
    %sub3A_1420 = vector.broadcast %broadcast_in_dim3A_1419 : vector<31x1xf32> to vector<31x512xf32>
    %sub3A_1421 = arith.subf %mul3A_1416, %sub3A_1420 : vector<31x512xf32>
    %exp3A_1422 = math.exp %sub3A_1421 : vector<31x512xf32>
    %reduce_sum3A_1423 = arith.constant dense<0.000000e+00> : vector<31xf32>
    %reduce_sum3A_1424 = vector.multi_reduction <add>, %exp3A_1422, %reduce_sum3A_1423 [1] : vector<31x512xf32> to vector<31xf32>
    %broadcast_in_dim3A_1425 = vector.shape_cast %reduce_sum3A_1424 : vector<31xf32> to vector<31x1xf32>
    %div3A_1426 = vector.broadcast %broadcast_in_dim3A_1425 : vector<31x1xf32> to vector<31x512xf32>
    %div3A_1427 = arith.divf %exp3A_1422, %div3A_1426 : vector<31x512xf32>
    %get3A_1428 = arith.constant 0 : index
    %get3A_1429 = arith.constant 0 : index
    %get3A_1430 = arith.constant 0 : index
    %get3A_1431 = vector.load %arg15[%get3A_1428, %get3A_1429, %get3A_1430] : memref<2x512x512xf32, #tpu.memory_space<vmem>>, vector<1x512x512xf32>
    %get3A_1432 = vector.shape_cast %get3A_1431 : vector<1x512x512xf32> to vector<512x512xf32>
    %slice3A_1433 = vector.extract_strided_slice %get3A_1432 {offsets = [0, 128], sizes = [512, 64], strides = [1, 1]} : vector<512x512xf32> to vector<512x64xf32>
    %dot_general3A_1434 = arith.constant dense<0.000000e+00> : vector<31x64xf32>
    %dot_general3A_1435 = tpu.matmul %div3A_1427, %slice3A_1433, %dot_general3A_1434 {dimension_numbers = #tpu.dot_dimension_numbers<[1], [0], [0], [1], [0, 0, 1, 1], [], []>, transpose_lhs_hint = false} : vector<31x512xf32>, vector<512x64xf32>, vector<31x64xf32> -> vector<31x64xf32>
    %dot_general3A_1436 = arith.constant dense<0.000000e+00> : vector<512x64xf32>
    %dot_general3A_1437 = tpu.matmul %get3A_1397, %dot_general3A_1435, %dot_general3A_1436 {dimension_numbers = #tpu.dot_dimension_numbers<[0], [0], [1], [1], [0, 1, 1, 1], [], []>, transpose_lhs_hint = false} : vector<31x512xf32>, vector<31x64xf32>, vector<512x64xf32> -> vector<512x64xf32>
    %dot_general3A_1438 = arith.constant dense<0.000000e+00> : vector<512x1xf32>
    %dot_general3A_1439 = tpu.matmul %get3A_1397, %broadcast_in_dim3A_1277, %dot_general3A_1438 {dimension_numbers = #tpu.dot_dimension_numbers<[0], [0], [1], [1], [0, 1, 1, 1], [], []>, transpose_lhs_hint = false} : vector<31x512xf32>, vector<31x1xf32>, vector<512x1xf32> -> vector<512x1xf32>
    %slice3A_1440 = vector.extract_strided_slice %dot_general3A_1287 {offsets = [0, 128], sizes = [512, 64], strides = [1, 1]} : vector<512x512xf32> to vector<512x64xf32>
    %sub3A_1441 = arith.constant 1.000000e+00 : f32
    %sub3A_1442 = vector.broadcast %sub3A_1441 : f32 to vector<512x1xf32>
    %sub3A_1443 = arith.subf %sub3A_1442, %dot_general3A_1439 : vector<512x1xf32>
    %mul3A_1444 = vector.broadcast %sub3A_1443 : vector<512x1xf32> to vector<512x64xf32>
    %mul3A_1445 = arith.mulf %slice3A_1440, %mul3A_1444 : vector<512x64xf32>
    %add3A_1446 = arith.addf %mul3A_1445, %dot_general3A_1437 : vector<512x64xf32>
    %get3A_1447 = arith.constant 0 : index
    %get3A_1448 = arith.constant 3 : index
    %get3A_1449 = arith.constant 0 : index
    %get3A_1450 = vector.load %arg16[%get3A_1447, %get3A_1448, %get3A_1449] : memref<31x16x512xf32, #tpu.memory_space<vmem>>, vector<31x1x512xf32>
    %get3A_1451 = vector.shape_cast %get3A_1450 : vector<31x1x512xf32> to vector<31x512xf32>
    %get3A_1452 = arith.constant 0 : index
    %get3A_1453 = arith.constant 0 : index
    %get3A_1454 = arith.constant 0 : index
    %get3A_1455 = vector.load %arg13[%get3A_1452, %get3A_1453, %get3A_1454] : memref<2x512x512xf32, #tpu.memory_space<vmem>>, vector<1x512x512xf32>
    %get3A_1456 = vector.shape_cast %get3A_1455 : vector<1x512x512xf32> to vector<512x512xf32>
    %slice3A_1457 = vector.extract_strided_slice %get3A_1456 {offsets = [0, 192], sizes = [512, 64], strides = [1, 1]} : vector<512x512xf32> to vector<512x64xf32>
    %dot_general3A_1458 = arith.constant dense<0.000000e+00> : vector<31x64xf32>
    %dot_general3A_1459 = tpu.matmul %get3A_1451, %slice3A_1457, %dot_general3A_1458 {dimension_numbers = #tpu.dot_dimension_numbers<[1], [0], [0], [1], [0, 0, 1, 1], [], []>, transpose_lhs_hint = false} : vector<31x512xf32>, vector<512x64xf32>, vector<31x64xf32> -> vector<31x64xf32>
    %get3A_1460 = arith.constant 0 : index
    %get3A_1461 = arith.constant 0 : index
    %get3A_1462 = arith.constant 0 : index
    %get3A_1463 = vector.load %arg14[%get3A_1460, %get3A_1461, %get3A_1462] : memref<2x512x512xf32, #tpu.memory_space<vmem>>, vector<1x512x512xf32>
    %get3A_1464 = vector.shape_cast %get3A_1463 : vector<1x512x512xf32> to vector<512x512xf32>
    %slice3A_1465 = vector.extract_strided_slice %get3A_1464 {offsets = [0, 192], sizes = [512, 64], strides = [1, 1]} : vector<512x512xf32> to vector<512x64xf32>
    %dot_general3A_1466 = arith.constant dense<0.000000e+00> : vector<31x512xf32>
    %dot_general3A_1467 = tpu.matmul %dot_general3A_1459, %slice3A_1465, %dot_general3A_1466 {dimension_numbers = #tpu.dot_dimension_numbers<[1], [1], [0], [0], [0, 0, 1, 0], [], []>, transpose_lhs_hint = false} : vector<31x64xf32>, vector<512x64xf32>, vector<31x512xf32> -> vector<31x512xf32>
    %mul3A_1468 = arith.constant 1.250000e-01 : f32
    %mul3A_1469 = vector.broadcast %mul3A_1468 : f32 to vector<31x512xf32>
    %mul3A_1470 = arith.mulf %dot_general3A_1467, %mul3A_1469 : vector<31x512xf32>
    %reduce_max3A_1471 = arith.constant dense<0xFF800000> : vector<31xf32>
    %reduce_max3A_1472 = vector.multi_reduction <maximumf>, %mul3A_1470, %reduce_max3A_1471 [1] : vector<31x512xf32> to vector<31xf32>
    %broadcast_in_dim3A_1473 = vector.shape_cast %reduce_max3A_1472 : vector<31xf32> to vector<31x1xf32>
    %sub3A_1474 = vector.broadcast %broadcast_in_dim3A_1473 : vector<31x1xf32> to vector<31x512xf32>
    %sub3A_1475 = arith.subf %mul3A_1470, %sub3A_1474 : vector<31x512xf32>
    %exp3A_1476 = math.exp %sub3A_1475 : vector<31x512xf32>
    %reduce_sum3A_1477 = arith.constant dense<0.000000e+00> : vector<31xf32>
    %reduce_sum3A_1478 = vector.multi_reduction <add>, %exp3A_1476, %reduce_sum3A_1477 [1] : vector<31x512xf32> to vector<31xf32>
    %broadcast_in_dim3A_1479 = vector.shape_cast %reduce_sum3A_1478 : vector<31xf32> to vector<31x1xf32>
    %div3A_1480 = vector.broadcast %broadcast_in_dim3A_1479 : vector<31x1xf32> to vector<31x512xf32>
    %div3A_1481 = arith.divf %exp3A_1476, %div3A_1480 : vector<31x512xf32>
    %get3A_1482 = arith.constant 0 : index
    %get3A_1483 = arith.constant 0 : index
    %get3A_1484 = arith.constant 0 : index
    %get3A_1485 = vector.load %arg15[%get3A_1482, %get3A_1483, %get3A_1484] : memref<2x512x512xf32, #tpu.memory_space<vmem>>, vector<1x512x512xf32>
    %get3A_1486 = vector.shape_cast %get3A_1485 : vector<1x512x512xf32> to vector<512x512xf32>
    %slice3A_1487 = vector.extract_strided_slice %get3A_1486 {offsets = [0, 192], sizes = [512, 64], strides = [1, 1]} : vector<512x512xf32> to vector<512x64xf32>
    %dot_general3A_1488 = arith.constant dense<0.000000e+00> : vector<31x64xf32>
    %dot_general3A_1489 = tpu.matmul %div3A_1481, %slice3A_1487, %dot_general3A_1488 {dimension_numbers = #tpu.dot_dimension_numbers<[1], [0], [0], [1], [0, 0, 1, 1], [], []>, transpose_lhs_hint = false} : vector<31x512xf32>, vector<512x64xf32>, vector<31x64xf32> -> vector<31x64xf32>
    %dot_general3A_1490 = arith.constant dense<0.000000e+00> : vector<512x64xf32>
    %dot_general3A_1491 = tpu.matmul %get3A_1451, %dot_general3A_1489, %dot_general3A_1490 {dimension_numbers = #tpu.dot_dimension_numbers<[0], [0], [1], [1], [0, 1, 1, 1], [], []>, transpose_lhs_hint = false} : vector<31x512xf32>, vector<31x64xf32>, vector<512x64xf32> -> vector<512x64xf32>
    %dot_general3A_1492 = arith.constant dense<0.000000e+00> : vector<512x1xf32>
    %dot_general3A_1493 = tpu.matmul %get3A_1451, %broadcast_in_dim3A_1277, %dot_general3A_1492 {dimension_numbers = #tpu.dot_dimension_numbers<[0], [0], [1], [1], [0, 1, 1, 1], [], []>, transpose_lhs_hint = false} : vector<31x512xf32>, vector<31x1xf32>, vector<512x1xf32> -> vector<512x1xf32>
    %slice3A_1494 = vector.extract_strided_slice %dot_general3A_1287 {offsets = [0, 192], sizes = [512, 64], strides = [1, 1]} : vector<512x512xf32> to vector<512x64xf32>
    %sub3A_1495 = arith.constant 1.000000e+00 : f32
    %sub3A_1496 = vector.broadcast %sub3A_1495 : f32 to vector<512x1xf32>
    %sub3A_1497 = arith.subf %sub3A_1496, %dot_general3A_1493 : vector<512x1xf32>
    %mul3A_1498 = vector.broadcast %sub3A_1497 : vector<512x1xf32> to vector<512x64xf32>
    %mul3A_1499 = arith.mulf %slice3A_1494, %mul3A_1498 : vector<512x64xf32>
    %add3A_1500 = arith.addf %mul3A_1499, %dot_general3A_1491 : vector<512x64xf32>
    %get3A_1501 = arith.constant 0 : index
    %get3A_1502 = arith.constant 4 : index
    %get3A_1503 = arith.constant 0 : index
    %get3A_1504 = vector.load %arg16[%get3A_1501, %get3A_1502, %get3A_1503] : memref<31x16x512xf32, #tpu.memory_space<vmem>>, vector<31x1x512xf32>
    %get3A_1505 = vector.shape_cast %get3A_1504 : vector<31x1x512xf32> to vector<31x512xf32>
    %get3A_1506 = arith.constant 0 : index
    %get3A_1507 = arith.constant 0 : index
    %get3A_1508 = arith.constant 0 : index
    %get3A_1509 = vector.load %arg13[%get3A_1506, %get3A_1507, %get3A_1508] : memref<2x512x512xf32, #tpu.memory_space<vmem>>, vector<1x512x512xf32>
    %get3A_1510 = vector.shape_cast %get3A_1509 : vector<1x512x512xf32> to vector<512x512xf32>
    %slice3A_1511 = vector.extract_strided_slice %get3A_1510 {offsets = [0, 256], sizes = [512, 64], strides = [1, 1]} : vector<512x512xf32> to vector<512x64xf32>
    %dot_general3A_1512 = arith.constant dense<0.000000e+00> : vector<31x64xf32>
    %dot_general3A_1513 = tpu.matmul %get3A_1505, %slice3A_1511, %dot_general3A_1512 {dimension_numbers = #tpu.dot_dimension_numbers<[1], [0], [0], [1], [0, 0, 1, 1], [], []>, transpose_lhs_hint = false} : vector<31x512xf32>, vector<512x64xf32>, vector<31x64xf32> -> vector<31x64xf32>
    %get3A_1514 = arith.constant 0 : index
    %get3A_1515 = arith.constant 0 : index
    %get3A_1516 = arith.constant 0 : index
    %get3A_1517 = vector.load %arg14[%get3A_1514, %get3A_1515, %get3A_1516] : memref<2x512x512xf32, #tpu.memory_space<vmem>>, vector<1x512x512xf32>
    %get3A_1518 = vector.shape_cast %get3A_1517 : vector<1x512x512xf32> to vector<512x512xf32>
    %slice3A_1519 = vector.extract_strided_slice %get3A_1518 {offsets = [0, 256], sizes = [512, 64], strides = [1, 1]} : vector<512x512xf32> to vector<512x64xf32>
    %dot_general3A_1520 = arith.constant dense<0.000000e+00> : vector<31x512xf32>
    %dot_general3A_1521 = tpu.matmul %dot_general3A_1513, %slice3A_1519, %dot_general3A_1520 {dimension_numbers = #tpu.dot_dimension_numbers<[1], [1], [0], [0], [0, 0, 1, 0], [], []>, transpose_lhs_hint = false} : vector<31x64xf32>, vector<512x64xf32>, vector<31x512xf32> -> vector<31x512xf32>
    %mul3A_1522 = arith.constant 1.250000e-01 : f32
    %mul3A_1523 = vector.broadcast %mul3A_1522 : f32 to vector<31x512xf32>
    %mul3A_1524 = arith.mulf %dot_general3A_1521, %mul3A_1523 : vector<31x512xf32>
    %reduce_max3A_1525 = arith.constant dense<0xFF800000> : vector<31xf32>
    %reduce_max3A_1526 = vector.multi_reduction <maximumf>, %mul3A_1524, %reduce_max3A_1525 [1] : vector<31x512xf32> to vector<31xf32>
    %broadcast_in_dim3A_1527 = vector.shape_cast %reduce_max3A_1526 : vector<31xf32> to vector<31x1xf32>
    %sub3A_1528 = vector.broadcast %broadcast_in_dim3A_1527 : vector<31x1xf32> to vector<31x512xf32>
    %sub3A_1529 = arith.subf %mul3A_1524, %sub3A_1528 : vector<31x512xf32>
    %exp3A_1530 = math.exp %sub3A_1529 : vector<31x512xf32>
    %reduce_sum3A_1531 = arith.constant dense<0.000000e+00> : vector<31xf32>
    %reduce_sum3A_1532 = vector.multi_reduction <add>, %exp3A_1530, %reduce_sum3A_1531 [1] : vector<31x512xf32> to vector<31xf32>
    %broadcast_in_dim3A_1533 = vector.shape_cast %reduce_sum3A_1532 : vector<31xf32> to vector<31x1xf32>
    %div3A_1534 = vector.broadcast %broadcast_in_dim3A_1533 : vector<31x1xf32> to vector<31x512xf32>
    %div3A_1535 = arith.divf %exp3A_1530, %div3A_1534 : vector<31x512xf32>
    %get3A_1536 = arith.constant 0 : index
    %get3A_1537 = arith.constant 0 : index
    %get3A_1538 = arith.constant 0 : index
    %get3A_1539 = vector.load %arg15[%get3A_1536, %get3A_1537, %get3A_1538] : memref<2x512x512xf32, #tpu.memory_space<vmem>>, vector<1x512x512xf32>
    %get3A_1540 = vector.shape_cast %get3A_1539 : vector<1x512x512xf32> to vector<512x512xf32>
    %slice3A_1541 = vector.extract_strided_slice %get3A_1540 {offsets = [0, 256], sizes = [512, 64], strides = [1, 1]} : vector<512x512xf32> to vector<512x64xf32>
    %dot_general3A_1542 = arith.constant dense<0.000000e+00> : vector<31x64xf32>
    %dot_general3A_1543 = tpu.matmul %div3A_1535, %slice3A_1541, %dot_general3A_1542 {dimension_numbers = #tpu.dot_dimension_numbers<[1], [0], [0], [1], [0, 0, 1, 1], [], []>, transpose_lhs_hint = false} : vector<31x512xf32>, vector<512x64xf32>, vector<31x64xf32> -> vector<31x64xf32>
    %dot_general3A_1544 = arith.constant dense<0.000000e+00> : vector<512x64xf32>
    %dot_general3A_1545 = tpu.matmul %get3A_1505, %dot_general3A_1543, %dot_general3A_1544 {dimension_numbers = #tpu.dot_dimension_numbers<[0], [0], [1], [1], [0, 1, 1, 1], [], []>, transpose_lhs_hint = false} : vector<31x512xf32>, vector<31x64xf32>, vector<512x64xf32> -> vector<512x64xf32>
    %dot_general3A_1546 = arith.constant dense<0.000000e+00> : vector<512x1xf32>
    %dot_general3A_1547 = tpu.matmul %get3A_1505, %broadcast_in_dim3A_1277, %dot_general3A_1546 {dimension_numbers = #tpu.dot_dimension_numbers<[0], [0], [1], [1], [0, 1, 1, 1], [], []>, transpose_lhs_hint = false} : vector<31x512xf32>, vector<31x1xf32>, vector<512x1xf32> -> vector<512x1xf32>
    %slice3A_1548 = vector.extract_strided_slice %dot_general3A_1287 {offsets = [0, 256], sizes = [512, 64], strides = [1, 1]} : vector<512x512xf32> to vector<512x64xf32>
    %sub3A_1549 = arith.constant 1.000000e+00 : f32
    %sub3A_1550 = vector.broadcast %sub3A_1549 : f32 to vector<512x1xf32>
    %sub3A_1551 = arith.subf %sub3A_1550, %dot_general3A_1547 : vector<512x1xf32>
    %mul3A_1552 = vector.broadcast %sub3A_1551 : vector<512x1xf32> to vector<512x64xf32>
    %mul3A_1553 = arith.mulf %slice3A_1548, %mul3A_1552 : vector<512x64xf32>
    %add3A_1554 = arith.addf %mul3A_1553, %dot_general3A_1545 : vector<512x64xf32>
    %get3A_1555 = arith.constant 0 : index
    %get3A_1556 = arith.constant 5 : index
    %get3A_1557 = arith.constant 0 : index
    %get3A_1558 = vector.load %arg16[%get3A_1555, %get3A_1556, %get3A_1557] : memref<31x16x512xf32, #tpu.memory_space<vmem>>, vector<31x1x512xf32>
    %get3A_1559 = vector.shape_cast %get3A_1558 : vector<31x1x512xf32> to vector<31x512xf32>
    %get3A_1560 = arith.constant 0 : index
    %get3A_1561 = arith.constant 0 : index
    %get3A_1562 = arith.constant 0 : index
    %get3A_1563 = vector.load %arg13[%get3A_1560, %get3A_1561, %get3A_1562] : memref<2x512x512xf32, #tpu.memory_space<vmem>>, vector<1x512x512xf32>
    %get3A_1564 = vector.shape_cast %get3A_1563 : vector<1x512x512xf32> to vector<512x512xf32>
    %slice3A_1565 = vector.extract_strided_slice %get3A_1564 {offsets = [0, 320], sizes = [512, 64], strides = [1, 1]} : vector<512x512xf32> to vector<512x64xf32>
    %dot_general3A_1566 = arith.constant dense<0.000000e+00> : vector<31x64xf32>
    %dot_general3A_1567 = tpu.matmul %get3A_1559, %slice3A_1565, %dot_general3A_1566 {dimension_numbers = #tpu.dot_dimension_numbers<[1], [0], [0], [1], [0, 0, 1, 1], [], []>, transpose_lhs_hint = false} : vector<31x512xf32>, vector<512x64xf32>, vector<31x64xf32> -> vector<31x64xf32>
    %get3A_1568 = arith.constant 0 : index
    %get3A_1569 = arith.constant 0 : index
    %get3A_1570 = arith.constant 0 : index
    %get3A_1571 = vector.load %arg14[%get3A_1568, %get3A_1569, %get3A_1570] : memref<2x512x512xf32, #tpu.memory_space<vmem>>, vector<1x512x512xf32>
    %get3A_1572 = vector.shape_cast %get3A_1571 : vector<1x512x512xf32> to vector<512x512xf32>
    %slice3A_1573 = vector.extract_strided_slice %get3A_1572 {offsets = [0, 320], sizes = [512, 64], strides = [1, 1]} : vector<512x512xf32> to vector<512x64xf32>
    %dot_general3A_1574 = arith.constant dense<0.000000e+00> : vector<31x512xf32>
    %dot_general3A_1575 = tpu.matmul %dot_general3A_1567, %slice3A_1573, %dot_general3A_1574 {dimension_numbers = #tpu.dot_dimension_numbers<[1], [1], [0], [0], [0, 0, 1, 0], [], []>, transpose_lhs_hint = false} : vector<31x64xf32>, vector<512x64xf32>, vector<31x512xf32> -> vector<31x512xf32>
    %mul3A_1576 = arith.constant 1.250000e-01 : f32
    %mul3A_1577 = vector.broadcast %mul3A_1576 : f32 to vector<31x512xf32>
    %mul3A_1578 = arith.mulf %dot_general3A_1575, %mul3A_1577 : vector<31x512xf32>
    %reduce_max3A_1579 = arith.constant dense<0xFF800000> : vector<31xf32>
    %reduce_max3A_1580 = vector.multi_reduction <maximumf>, %mul3A_1578, %reduce_max3A_1579 [1] : vector<31x512xf32> to vector<31xf32>
    %broadcast_in_dim3A_1581 = vector.shape_cast %reduce_max3A_1580 : vector<31xf32> to vector<31x1xf32>
    %sub3A_1582 = vector.broadcast %broadcast_in_dim3A_1581 : vector<31x1xf32> to vector<31x512xf32>
    %sub3A_1583 = arith.subf %mul3A_1578, %sub3A_1582 : vector<31x512xf32>
    %exp3A_1584 = math.exp %sub3A_1583 : vector<31x512xf32>
    %reduce_sum3A_1585 = arith.constant dense<0.000000e+00> : vector<31xf32>
    %reduce_sum3A_1586 = vector.multi_reduction <add>, %exp3A_1584, %reduce_sum3A_1585 [1] : vector<31x512xf32> to vector<31xf32>
    %broadcast_in_dim3A_1587 = vector.shape_cast %reduce_sum3A_1586 : vector<31xf32> to vector<31x1xf32>
    %div3A_1588 = vector.broadcast %broadcast_in_dim3A_1587 : vector<31x1xf32> to vector<31x512xf32>
    %div3A_1589 = arith.divf %exp3A_1584, %div3A_1588 : vector<31x512xf32>
    %get3A_1590 = arith.constant 0 : index
    %get3A_1591 = arith.constant 0 : index
    %get3A_1592 = arith.constant 0 : index
    %get3A_1593 = vector.load %arg15[%get3A_1590, %get3A_1591, %get3A_1592] : memref<2x512x512xf32, #tpu.memory_space<vmem>>, vector<1x512x512xf32>
    %get3A_1594 = vector.shape_cast %get3A_1593 : vector<1x512x512xf32> to vector<512x512xf32>
    %slice3A_1595 = vector.extract_strided_slice %get3A_1594 {offsets = [0, 320], sizes = [512, 64], strides = [1, 1]} : vector<512x512xf32> to vector<512x64xf32>
    %dot_general3A_1596 = arith.constant dense<0.000000e+00> : vector<31x64xf32>
    %dot_general3A_1597 = tpu.matmul %div3A_1589, %slice3A_1595, %dot_general3A_1596 {dimension_numbers = #tpu.dot_dimension_numbers<[1], [0], [0], [1], [0, 0, 1, 1], [], []>, transpose_lhs_hint = false} : vector<31x512xf32>, vector<512x64xf32>, vector<31x64xf32> -> vector<31x64xf32>
    %dot_general3A_1598 = arith.constant dense<0.000000e+00> : vector<512x64xf32>
    %dot_general3A_1599 = tpu.matmul %get3A_1559, %dot_general3A_1597, %dot_general3A_1598 {dimension_numbers = #tpu.dot_dimension_numbers<[0], [0], [1], [1], [0, 1, 1, 1], [], []>, transpose_lhs_hint = false} : vector<31x512xf32>, vector<31x64xf32>, vector<512x64xf32> -> vector<512x64xf32>
    %dot_general3A_1600 = arith.constant dense<0.000000e+00> : vector<512x1xf32>
    %dot_general3A_1601 = tpu.matmul %get3A_1559, %broadcast_in_dim3A_1277, %dot_general3A_1600 {dimension_numbers = #tpu.dot_dimension_numbers<[0], [0], [1], [1], [0, 1, 1, 1], [], []>, transpose_lhs_hint = false} : vector<31x512xf32>, vector<31x1xf32>, vector<512x1xf32> -> vector<512x1xf32>
    %slice3A_1602 = vector.extract_strided_slice %dot_general3A_1287 {offsets = [0, 320], sizes = [512, 64], strides = [1, 1]} : vector<512x512xf32> to vector<512x64xf32>
    %sub3A_1603 = arith.constant 1.000000e+00 : f32
    %sub3A_1604 = vector.broadcast %sub3A_1603 : f32 to vector<512x1xf32>
    %sub3A_1605 = arith.subf %sub3A_1604, %dot_general3A_1601 : vector<512x1xf32>
    %mul3A_1606 = vector.broadcast %sub3A_1605 : vector<512x1xf32> to vector<512x64xf32>
    %mul3A_1607 = arith.mulf %slice3A_1602, %mul3A_1606 : vector<512x64xf32>
    %add3A_1608 = arith.addf %mul3A_1607, %dot_general3A_1599 : vector<512x64xf32>
    %get3A_1609 = arith.constant 0 : index
    %get3A_1610 = arith.constant 6 : index
    %get3A_1611 = arith.constant 0 : index
    %get3A_1612 = vector.load %arg16[%get3A_1609, %get3A_1610, %get3A_1611] : memref<31x16x512xf32, #tpu.memory_space<vmem>>, vector<31x1x512xf32>
    %get3A_1613 = vector.shape_cast %get3A_1612 : vector<31x1x512xf32> to vector<31x512xf32>
    %get3A_1614 = arith.constant 0 : index
    %get3A_1615 = arith.constant 0 : index
    %get3A_1616 = arith.constant 0 : index
    %get3A_1617 = vector.load %arg13[%get3A_1614, %get3A_1615, %get3A_1616] : memref<2x512x512xf32, #tpu.memory_space<vmem>>, vector<1x512x512xf32>
    %get3A_1618 = vector.shape_cast %get3A_1617 : vector<1x512x512xf32> to vector<512x512xf32>
    %slice3A_1619 = vector.extract_strided_slice %get3A_1618 {offsets = [0, 384], sizes = [512, 64], strides = [1, 1]} : vector<512x512xf32> to vector<512x64xf32>
    %dot_general3A_1620 = arith.constant dense<0.000000e+00> : vector<31x64xf32>
    %dot_general3A_1621 = tpu.matmul %get3A_1613, %slice3A_1619, %dot_general3A_1620 {dimension_numbers = #tpu.dot_dimension_numbers<[1], [0], [0], [1], [0, 0, 1, 1], [], []>, transpose_lhs_hint = false} : vector<31x512xf32>, vector<512x64xf32>, vector<31x64xf32> -> vector<31x64xf32>
    %get3A_1622 = arith.constant 0 : index
    %get3A_1623 = arith.constant 0 : index
    %get3A_1624 = arith.constant 0 : index
    %get3A_1625 = vector.load %arg14[%get3A_1622, %get3A_1623, %get3A_1624] : memref<2x512x512xf32, #tpu.memory_space<vmem>>, vector<1x512x512xf32>
    %get3A_1626 = vector.shape_cast %get3A_1625 : vector<1x512x512xf32> to vector<512x512xf32>
    %slice3A_1627 = vector.extract_strided_slice %get3A_1626 {offsets = [0, 384], sizes = [512, 64], strides = [1, 1]} : vector<512x512xf32> to vector<512x64xf32>
    %dot_general3A_1628 = arith.constant dense<0.000000e+00> : vector<31x512xf32>
    %dot_general3A_1629 = tpu.matmul %dot_general3A_1621, %slice3A_1627, %dot_general3A_1628 {dimension_numbers = #tpu.dot_dimension_numbers<[1], [1], [0], [0], [0, 0, 1, 0], [], []>, transpose_lhs_hint = false} : vector<31x64xf32>, vector<512x64xf32>, vector<31x512xf32> -> vector<31x512xf32>
    %mul3A_1630 = arith.constant 1.250000e-01 : f32
    %mul3A_1631 = vector.broadcast %mul3A_1630 : f32 to vector<31x512xf32>
    %mul3A_1632 = arith.mulf %dot_general3A_1629, %mul3A_1631 : vector<31x512xf32>
    %reduce_max3A_1633 = arith.constant dense<0xFF800000> : vector<31xf32>
    %reduce_max3A_1634 = vector.multi_reduction <maximumf>, %mul3A_1632, %reduce_max3A_1633 [1] : vector<31x512xf32> to vector<31xf32>
    %broadcast_in_dim3A_1635 = vector.shape_cast %reduce_max3A_1634 : vector<31xf32> to vector<31x1xf32>
    %sub3A_1636 = vector.broadcast %broadcast_in_dim3A_1635 : vector<31x1xf32> to vector<31x512xf32>
    %sub3A_1637 = arith.subf %mul3A_1632, %sub3A_1636 : vector<31x512xf32>
    %exp3A_1638 = math.exp %sub3A_1637 : vector<31x512xf32>
    %reduce_sum3A_1639 = arith.constant dense<0.000000e+00> : vector<31xf32>
    %reduce_sum3A_1640 = vector.multi_reduction <add>, %exp3A_1638, %reduce_sum3A_1639 [1] : vector<31x512xf32> to vector<31xf32>
    %broadcast_in_dim3A_1641 = vector.shape_cast %reduce_sum3A_1640 : vector<31xf32> to vector<31x1xf32>
    %div3A_1642 = vector.broadcast %broadcast_in_dim3A_1641 : vector<31x1xf32> to vector<31x512xf32>
    %div3A_1643 = arith.divf %exp3A_1638, %div3A_1642 : vector<31x512xf32>
    %get3A_1644 = arith.constant 0 : index
    %get3A_1645 = arith.constant 0 : index
    %get3A_1646 = arith.constant 0 : index
    %get3A_1647 = vector.load %arg15[%get3A_1644, %get3A_1645, %get3A_1646] : memref<2x512x512xf32, #tpu.memory_space<vmem>>, vector<1x512x512xf32>
    %get3A_1648 = vector.shape_cast %get3A_1647 : vector<1x512x512xf32> to vector<512x512xf32>
    %slice3A_1649 = vector.extract_strided_slice %get3A_1648 {offsets = [0, 384], sizes = [512, 64], strides = [1, 1]} : vector<512x512xf32> to vector<512x64xf32>
    %dot_general3A_1650 = arith.constant dense<0.000000e+00> : vector<31x64xf32>
    %dot_general3A_1651 = tpu.matmul %div3A_1643, %slice3A_1649, %dot_general3A_1650 {dimension_numbers = #tpu.dot_dimension_numbers<[1], [0], [0], [1], [0, 0, 1, 1], [], []>, transpose_lhs_hint = false} : vector<31x512xf32>, vector<512x64xf32>, vector<31x64xf32> -> vector<31x64xf32>
    %dot_general3A_1652 = arith.constant dense<0.000000e+00> : vector<512x64xf32>
    %dot_general3A_1653 = tpu.matmul %get3A_1613, %dot_general3A_1651, %dot_general3A_1652 {dimension_numbers = #tpu.dot_dimension_numbers<[0], [0], [1], [1], [0, 1, 1, 1], [], []>, transpose_lhs_hint = false} : vector<31x512xf32>, vector<31x64xf32>, vector<512x64xf32> -> vector<512x64xf32>
    %dot_general3A_1654 = arith.constant dense<0.000000e+00> : vector<512x1xf32>
    %dot_general3A_1655 = tpu.matmul %get3A_1613, %broadcast_in_dim3A_1277, %dot_general3A_1654 {dimension_numbers = #tpu.dot_dimension_numbers<[0], [0], [1], [1], [0, 1, 1, 1], [], []>, transpose_lhs_hint = false} : vector<31x512xf32>, vector<31x1xf32>, vector<512x1xf32> -> vector<512x1xf32>
    %slice3A_1656 = vector.extract_strided_slice %dot_general3A_1287 {offsets = [0, 384], sizes = [512, 64], strides = [1, 1]} : vector<512x512xf32> to vector<512x64xf32>
    %sub3A_1657 = arith.constant 1.000000e+00 : f32
    %sub3A_1658 = vector.broadcast %sub3A_1657 : f32 to vector<512x1xf32>
    %sub3A_1659 = arith.subf %sub3A_1658, %dot_general3A_1655 : vector<512x1xf32>
    %mul3A_1660 = vector.broadcast %sub3A_1659 : vector<512x1xf32> to vector<512x64xf32>
    %mul3A_1661 = arith.mulf %slice3A_1656, %mul3A_1660 : vector<512x64xf32>
    %add3A_1662 = arith.addf %mul3A_1661, %dot_general3A_1653 : vector<512x64xf32>
    %get3A_1663 = arith.constant 0 : index
    %get3A_1664 = arith.constant 7 : index
    %get3A_1665 = arith.constant 0 : index
    %get3A_1666 = vector.load %arg16[%get3A_1663, %get3A_1664, %get3A_1665] : memref<31x16x512xf32, #tpu.memory_space<vmem>>, vector<31x1x512xf32>
    %get3A_1667 = vector.shape_cast %get3A_1666 : vector<31x1x512xf32> to vector<31x512xf32>
    %get3A_1668 = arith.constant 0 : index
    %get3A_1669 = arith.constant 0 : index
    %get3A_1670 = arith.constant 0 : index
    %get3A_1671 = vector.load %arg13[%get3A_1668, %get3A_1669, %get3A_1670] : memref<2x512x512xf32, #tpu.memory_space<vmem>>, vector<1x512x512xf32>
    %get3A_1672 = vector.shape_cast %get3A_1671 : vector<1x512x512xf32> to vector<512x512xf32>
    %slice3A_1673 = vector.extract_strided_slice %get3A_1672 {offsets = [0, 448], sizes = [512, 64], strides = [1, 1]} : vector<512x512xf32> to vector<512x64xf32>
    %dot_general3A_1674 = arith.constant dense<0.000000e+00> : vector<31x64xf32>
    %dot_general3A_1675 = tpu.matmul %get3A_1667, %slice3A_1673, %dot_general3A_1674 {dimension_numbers = #tpu.dot_dimension_numbers<[1], [0], [0], [1], [0, 0, 1, 1], [], []>, transpose_lhs_hint = false} : vector<31x512xf32>, vector<512x64xf32>, vector<31x64xf32> -> vector<31x64xf32>
    %get3A_1676 = arith.constant 0 : index
    %get3A_1677 = arith.constant 0 : index
    %get3A_1678 = arith.constant 0 : index
    %get3A_1679 = vector.load %arg14[%get3A_1676, %get3A_1677, %get3A_1678] : memref<2x512x512xf32, #tpu.memory_space<vmem>>, vector<1x512x512xf32>
    %get3A_1680 = vector.shape_cast %get3A_1679 : vector<1x512x512xf32> to vector<512x512xf32>
    %slice3A_1681 = vector.extract_strided_slice %get3A_1680 {offsets = [0, 448], sizes = [512, 64], strides = [1, 1]} : vector<512x512xf32> to vector<512x64xf32>
    %dot_general3A_1682 = arith.constant dense<0.000000e+00> : vector<31x512xf32>
    %dot_general3A_1683 = tpu.matmul %dot_general3A_1675, %slice3A_1681, %dot_general3A_1682 {dimension_numbers = #tpu.dot_dimension_numbers<[1], [1], [0], [0], [0, 0, 1, 0], [], []>, transpose_lhs_hint = false} : vector<31x64xf32>, vector<512x64xf32>, vector<31x512xf32> -> vector<31x512xf32>
    %mul3A_1684 = arith.constant 1.250000e-01 : f32
    %mul3A_1685 = vector.broadcast %mul3A_1684 : f32 to vector<31x512xf32>
    %mul3A_1686 = arith.mulf %dot_general3A_1683, %mul3A_1685 : vector<31x512xf32>
    %reduce_max3A_1687 = arith.constant dense<0xFF800000> : vector<31xf32>
    %reduce_max3A_1688 = vector.multi_reduction <maximumf>, %mul3A_1686, %reduce_max3A_1687 [1] : vector<31x512xf32> to vector<31xf32>
    %broadcast_in_dim3A_1689 = vector.shape_cast %reduce_max3A_1688 : vector<31xf32> to vector<31x1xf32>
    %sub3A_1690 = vector.broadcast %broadcast_in_dim3A_1689 : vector<31x1xf32> to vector<31x512xf32>
    %sub3A_1691 = arith.subf %mul3A_1686, %sub3A_1690 : vector<31x512xf32>
    %exp3A_1692 = math.exp %sub3A_1691 : vector<31x512xf32>
    %reduce_sum3A_1693 = arith.constant dense<0.000000e+00> : vector<31xf32>
    %reduce_sum3A_1694 = vector.multi_reduction <add>, %exp3A_1692, %reduce_sum3A_1693 [1] : vector<31x512xf32> to vector<31xf32>
    %broadcast_in_dim3A_1695 = vector.shape_cast %reduce_sum3A_1694 : vector<31xf32> to vector<31x1xf32>
    %div3A_1696 = vector.broadcast %broadcast_in_dim3A_1695 : vector<31x1xf32> to vector<31x512xf32>
    %div3A_1697 = arith.divf %exp3A_1692, %div3A_1696 : vector<31x512xf32>
    %get3A_1698 = arith.constant 0 : index
    %get3A_1699 = arith.constant 0 : index
    %get3A_1700 = arith.constant 0 : index
    %get3A_1701 = vector.load %arg15[%get3A_1698, %get3A_1699, %get3A_1700] : memref<2x512x512xf32, #tpu.memory_space<vmem>>, vector<1x512x512xf32>
    %get3A_1702 = vector.shape_cast %get3A_1701 : vector<1x512x512xf32> to vector<512x512xf32>
    %slice3A_1703 = vector.extract_strided_slice %get3A_1702 {offsets = [0, 448], sizes = [512, 64], strides = [1, 1]} : vector<512x512xf32> to vector<512x64xf32>
    %dot_general3A_1704 = arith.constant dense<0.000000e+00> : vector<31x64xf32>
    %dot_general3A_1705 = tpu.matmul %div3A_1697, %slice3A_1703, %dot_general3A_1704 {dimension_numbers = #tpu.dot_dimension_numbers<[1], [0], [0], [1], [0, 0, 1, 1], [], []>, transpose_lhs_hint = false} : vector<31x512xf32>, vector<512x64xf32>, vector<31x64xf32> -> vector<31x64xf32>
    %dot_general3A_1706 = arith.constant dense<0.000000e+00> : vector<512x64xf32>
    %dot_general3A_1707 = tpu.matmul %get3A_1667, %dot_general3A_1705, %dot_general3A_1706 {dimension_numbers = #tpu.dot_dimension_numbers<[0], [0], [1], [1], [0, 1, 1, 1], [], []>, transpose_lhs_hint = false} : vector<31x512xf32>, vector<31x64xf32>, vector<512x64xf32> -> vector<512x64xf32>
    %dot_general3A_1708 = arith.constant dense<0.000000e+00> : vector<512x1xf32>
    %dot_general3A_1709 = tpu.matmul %get3A_1667, %broadcast_in_dim3A_1277, %dot_general3A_1708 {dimension_numbers = #tpu.dot_dimension_numbers<[0], [0], [1], [1], [0, 1, 1, 1], [], []>, transpose_lhs_hint = false} : vector<31x512xf32>, vector<31x1xf32>, vector<512x1xf32> -> vector<512x1xf32>
    %slice3A_1710 = vector.extract_strided_slice %dot_general3A_1287 {offsets = [0, 448], sizes = [512, 64], strides = [1, 1]} : vector<512x512xf32> to vector<512x64xf32>
    %sub3A_1711 = arith.constant 1.000000e+00 : f32
    %sub3A_1712 = vector.broadcast %sub3A_1711 : f32 to vector<512x1xf32>
    %sub3A_1713 = arith.subf %sub3A_1712, %dot_general3A_1709 : vector<512x1xf32>
    %mul3A_1714 = vector.broadcast %sub3A_1713 : vector<512x1xf32> to vector<512x64xf32>
    %mul3A_1715 = arith.mulf %slice3A_1710, %mul3A_1714 : vector<512x64xf32>
    %add3A_1716 = arith.addf %mul3A_1715, %dot_general3A_1707 : vector<512x64xf32>
    %concatenate3A_1717 = tpu.concatenate %add3A, %add3A_1392, %add3A_1446, %add3A_1500, %add3A_1554, %add3A_1608, %add3A_1662, %add3A_1716 in 1 : vector<512x64xf32>, vector<512x64xf32>, vector<512x64xf32>, vector<512x64xf32>, vector<512x64xf32>, vector<512x64xf32>, vector<512x64xf32>, vector<512x64xf32> -> vector<512x512xf32>
    %get3A_1718 = arith.constant 0 : index
    %get3A_1719 = arith.constant 0 : index
    %get3A_1720 = vector.load %arg6[%get3A_1718, %get3A_1719] : memref<512x512xf32, #tpu.memory_space<vmem>>, vector<512x512xf32>
    %dot_general3A_1721 = arith.constant dense<0.000000e+00> : vector<512x512xf32>
    %dot_general3A_1722 = tpu.matmul %concatenate3A_1717, %get3A_1720, %dot_general3A_1721 {dimension_numbers = #tpu.dot_dimension_numbers<[1], [0], [0], [1], [0, 0, 1, 1], [], []>, transpose_lhs_hint = false} : vector<512x512xf32>, vector<512x512xf32>, vector<512x512xf32> -> vector<512x512xf32>
    %get3A_1723 = arith.constant 0 : index
    %get3A_1724 = arith.constant 0 : index
    %get3A_1725 = arith.constant 0 : index
    %get3A_1726 = vector.load %arg0[%get3A_1723, %get3A_1724, %get3A_1725] : memref<2x512x512xf32, #tpu.memory_space<vmem>>, vector<1x512x512xf32>
    %get3A_1727 = vector.shape_cast %get3A_1726 : vector<1x512x512xf32> to vector<512x512xf32>
    %add3A_1728 = arith.addf %dot_general3A_1722, %get3A_1727 : vector<512x512xf32>
    %reduce_sum3A_1729 = arith.constant dense<0.000000e+00> : vector<512xf32>
    %reduce_sum3A_1730 = vector.multi_reduction <add>, %add3A_1728, %reduce_sum3A_1729 [1] : vector<512x512xf32> to vector<512xf32>
    %broadcast_in_dim3A_1731 = vector.shape_cast %reduce_sum3A_1730 : vector<512xf32> to vector<512x1xf32>
    %div3A_1732 = arith.constant 5.120000e+02 : f32
    %div3A_1733 = vector.broadcast %div3A_1732 : f32 to vector<512x1xf32>
    %div3A_1734 = arith.divf %broadcast_in_dim3A_1731, %div3A_1733 : vector<512x1xf32>
    %sub3A_1735 = vector.broadcast %div3A_1734 : vector<512x1xf32> to vector<512x512xf32>
    %sub3A_1736 = arith.subf %add3A_1728, %sub3A_1735 : vector<512x512xf32>
    %mul3A_1737 = arith.mulf %sub3A_1736, %sub3A_1736 : vector<512x512xf32>
    %reduce_sum3A_1738 = arith.constant dense<0.000000e+00> : vector<512xf32>
    %reduce_sum3A_1739 = vector.multi_reduction <add>, %mul3A_1737, %reduce_sum3A_1738 [1] : vector<512x512xf32> to vector<512xf32>
    %broadcast_in_dim3A_1740 = vector.shape_cast %reduce_sum3A_1739 : vector<512xf32> to vector<512x1xf32>
    %div3A_1741 = arith.constant 5.120000e+02 : f32
    %div3A_1742 = vector.broadcast %div3A_1741 : f32 to vector<512x1xf32>
    %div3A_1743 = arith.divf %broadcast_in_dim3A_1740, %div3A_1742 : vector<512x1xf32>
    %add3A_1744 = arith.constant 9.99999974E-6 : f32
    %add3A_1745 = vector.broadcast %add3A_1744 : f32 to vector<512x1xf32>
    %add3A_1746 = arith.addf %div3A_1743, %add3A_1745 : vector<512x1xf32>
    %sqrt3A = math.sqrt %add3A_1746 : vector<512x1xf32>
    %div3A_1747 = vector.broadcast %sqrt3A : vector<512x1xf32> to vector<512x512xf32>
    %div3A_1748 = arith.divf %sub3A_1736, %div3A_1747 : vector<512x512xf32>
    %get3A_1749 = arith.constant 0 : index
    %get3A_1750 = arith.constant 0 : index
    %get3A_1751 = vector.load %arg7[%get3A_1749, %get3A_1750] : memref<1x512xf32, #tpu.memory_space<vmem>>, vector<1x512xf32>
    %mul3A_1752 = vector.broadcast %get3A_1751 : vector<1x512xf32> to vector<512x512xf32>
    %mul3A_1753 = arith.mulf %div3A_1748, %mul3A_1752 : vector<512x512xf32>
    %get3A_1754 = arith.constant 0 : index
    %get3A_1755 = arith.constant 0 : index
    %get3A_1756 = vector.load %arg8[%get3A_1754, %get3A_1755] : memref<1x512xf32, #tpu.memory_space<vmem>>, vector<1x512xf32>
    %add3A_1757 = vector.broadcast %get3A_1756 : vector<1x512xf32> to vector<512x512xf32>
    %add3A_1758 = arith.addf %mul3A_1753, %add3A_1757 : vector<512x512xf32>
    %swap3A_1759 = arith.constant 0 : index
    %swap3A_1760 = arith.constant 0 : index
    %swap3A_1761 = arith.constant 0 : index
    %swap3A_1762 = vector.load %arg12[%swap3A_1759, %swap3A_1760, %swap3A_1761] : memref<2x512x512xf32, #tpu.memory_space<vmem>>, vector<1x512x512xf32>
    %swap3A_1763 = vector.shape_cast %swap3A_1762 : vector<1x512x512xf32> to vector<512x512xf32>
    %swap3A_1764 = vector.shape_cast %add3A_1758 : vector<512x512xf32> to vector<1x512x512xf32>
    tpu.vector_store %arg12[%swap3A_1759, %swap3A_1760, %swap3A_1761], %swap3A_1764 {strides = array<i32>} : memref<2x512x512xf32, #tpu.memory_space<vmem>>, vector<1x512x512xf32>,
    %get3A_1765 = arith.constant 1 : index
    %get3A_1766 = arith.constant 0 : index
    %get3A_1767 = arith.constant 0 : index
    %get3A_1768 = vector.load %arg15[%get3A_1765, %get3A_1766, %get3A_1767] : memref<2x512x512xf32, #tpu.memory_space<vmem>>, vector<1x512x512xf32>
    %get3A_1769 = vector.shape_cast %get3A_1768 : vector<1x512x512xf32> to vector<512x512xf32>
    %dot_general3A_1770 = arith.constant dense<0.000000e+00> : vector<512x512xf32>
    %dot_general3A_1771 = tpu.matmul %get3A_1280, %get3A_1769, %dot_general3A_1770 {dimension_numbers = #tpu.dot_dimension_numbers<[1], [0], [0], [1], [0, 0, 1, 1], [], []>, transpose_lhs_hint = false} : vector<512x512xf32>, vector<512x512xf32>, vector<512x512xf32> -> vector<512x512xf32>
    %get3A_1772 = arith.constant 0 : index
    %get3A_1773 = arith.constant 8 : index
    %get3A_1774 = arith.constant 0 : index
    %get3A_1775 = vector.load %arg16[%get3A_1772, %get3A_1773, %get3A_1774] : memref<31x16x512xf32, #tpu.memory_space<vmem>>, vector<31x1x512xf32>
    %get3A_1776 = vector.shape_cast %get3A_1775 : vector<31x1x512xf32> to vector<31x512xf32>
    %get3A_1777 = arith.constant 1 : index
    %get3A_1778 = arith.constant 0 : index
    %get3A_1779 = arith.constant 0 : index
    %get3A_1780 = vector.load %arg13[%get3A_1777, %get3A_1778, %get3A_1779] : memref<2x512x512xf32, #tpu.memory_space<vmem>>, vector<1x512x512xf32>
    %get3A_1781 = vector.shape_cast %get3A_1780 : vector<1x512x512xf32> to vector<512x512xf32>
    %slice3A_1782 = vector.extract_strided_slice %get3A_1781 {offsets = [0, 0], sizes = [512, 64], strides = [1, 1]} : vector<512x512xf32> to vector<512x64xf32>
    %dot_general3A_1783 = arith.constant dense<0.000000e+00> : vector<31x64xf32>
    %dot_general3A_1784 = tpu.matmul %get3A_1776, %slice3A_1782, %dot_general3A_1783 {dimension_numbers = #tpu.dot_dimension_numbers<[1], [0], [0], [1], [0, 0, 1, 1], [], []>, transpose_lhs_hint = false} : vector<31x512xf32>, vector<512x64xf32>, vector<31x64xf32> -> vector<31x64xf32>
    %get3A_1785 = arith.constant 1 : index
    %get3A_1786 = arith.constant 0 : index
    %get3A_1787 = arith.constant 0 : index
    %get3A_1788 = vector.load %arg14[%get3A_1785, %get3A_1786, %get3A_1787] : memref<2x512x512xf32, #tpu.memory_space<vmem>>, vector<1x512x512xf32>
    %get3A_1789 = vector.shape_cast %get3A_1788 : vector<1x512x512xf32> to vector<512x512xf32>
    %slice3A_1790 = vector.extract_strided_slice %get3A_1789 {offsets = [0, 0], sizes = [512, 64], strides = [1, 1]} : vector<512x512xf32> to vector<512x64xf32>
    %dot_general3A_1791 = arith.constant dense<0.000000e+00> : vector<31x512xf32>
    %dot_general3A_1792 = tpu.matmul %dot_general3A_1784, %slice3A_1790, %dot_general3A_1791 {dimension_numbers = #tpu.dot_dimension_numbers<[1], [1], [0], [0], [0, 0, 1, 0], [], []>, transpose_lhs_hint = false} : vector<31x64xf32>, vector<512x64xf32>, vector<31x512xf32> -> vector<31x512xf32>
    %mul3A_1793 = arith.constant 1.250000e-01 : f32
    %mul3A_1794 = vector.broadcast %mul3A_1793 : f32 to vector<31x512xf32>
    %mul3A_1795 = arith.mulf %dot_general3A_1792, %mul3A_1794 : vector<31x512xf32>
    %reduce_max3A_1796 = arith.constant dense<0xFF800000> : vector<31xf32>
    %reduce_max3A_1797 = vector.multi_reduction <maximumf>, %mul3A_1795, %reduce_max3A_1796 [1] : vector<31x512xf32> to vector<31xf32>
    %broadcast_in_dim3A_1798 = vector.shape_cast %reduce_max3A_1797 : vector<31xf32> to vector<31x1xf32>
    %sub3A_1799 = vector.broadcast %broadcast_in_dim3A_1798 : vector<31x1xf32> to vector<31x512xf32>
    %sub3A_1800 = arith.subf %mul3A_1795, %sub3A_1799 : vector<31x512xf32>
    %exp3A_1801 = math.exp %sub3A_1800 : vector<31x512xf32>
    %reduce_sum3A_1802 = arith.constant dense<0.000000e+00> : vector<31xf32>
    %reduce_sum3A_1803 = vector.multi_reduction <add>, %exp3A_1801, %reduce_sum3A_1802 [1] : vector<31x512xf32> to vector<31xf32>
    %broadcast_in_dim3A_1804 = vector.shape_cast %reduce_sum3A_1803 : vector<31xf32> to vector<31x1xf32>
    %div3A_1805 = vector.broadcast %broadcast_in_dim3A_1804 : vector<31x1xf32> to vector<31x512xf32>
    %div3A_1806 = arith.divf %exp3A_1801, %div3A_1805 : vector<31x512xf32>
    %get3A_1807 = arith.constant 1 : index
    %get3A_1808 = arith.constant 0 : index
    %get3A_1809 = arith.constant 0 : index
    %get3A_1810 = vector.load %arg15[%get3A_1807, %get3A_1808, %get3A_1809] : memref<2x512x512xf32, #tpu.memory_space<vmem>>, vector<1x512x512xf32>
    %get3A_1811 = vector.shape_cast %get3A_1810 : vector<1x512x512xf32> to vector<512x512xf32>
    %slice3A_1812 = vector.extract_strided_slice %get3A_1811 {offsets = [0, 0], sizes = [512, 64], strides = [1, 1]} : vector<512x512xf32> to vector<512x64xf32>
    %dot_general3A_1813 = arith.constant dense<0.000000e+00> : vector<31x64xf32>
    %dot_general3A_1814 = tpu.matmul %div3A_1806, %slice3A_1812, %dot_general3A_1813 {dimension_numbers = #tpu.dot_dimension_numbers<[1], [0], [0], [1], [0, 0, 1, 1], [], []>, transpose_lhs_hint = false} : vector<31x512xf32>, vector<512x64xf32>, vector<31x64xf32> -> vector<31x64xf32>
    %dot_general3A_1815 = arith.constant dense<0.000000e+00> : vector<512x64xf32>
    %dot_general3A_1816 = tpu.matmul %get3A_1776, %dot_general3A_1814, %dot_general3A_1815 {dimension_numbers = #tpu.dot_dimension_numbers<[0], [0], [1], [1], [0, 1, 1, 1], [], []>, transpose_lhs_hint = false} : vector<31x512xf32>, vector<31x64xf32>, vector<512x64xf32> -> vector<512x64xf32>
    %dot_general3A_1817 = arith.constant dense<0.000000e+00> : vector<512x1xf32>
    %dot_general3A_1818 = tpu.matmul %get3A_1776, %broadcast_in_dim3A_1277, %dot_general3A_1817 {dimension_numbers = #tpu.dot_dimension_numbers<[0], [0], [1], [1], [0, 1, 1, 1], [], []>, transpose_lhs_hint = false} : vector<31x512xf32>, vector<31x1xf32>, vector<512x1xf32> -> vector<512x1xf32>
    %slice3A_1819 = vector.extract_strided_slice %dot_general3A_1771 {offsets = [0, 0], sizes = [512, 64], strides = [1, 1]} : vector<512x512xf32> to vector<512x64xf32>
    %sub3A_1820 = arith.constant 1.000000e+00 : f32
    %sub3A_1821 = vector.broadcast %sub3A_1820 : f32 to vector<512x1xf32>
    %sub3A_1822 = arith.subf %sub3A_1821, %dot_general3A_1818 : vector<512x1xf32>
    %mul3A_1823 = vector.broadcast %sub3A_1822 : vector<512x1xf32> to vector<512x64xf32>
    %mul3A_1824 = arith.mulf %slice3A_1819, %mul3A_1823 : vector<512x64xf32>
    %add3A_1825 = arith.addf %mul3A_1824, %dot_general3A_1816 : vector<512x64xf32>
    %get3A_1826 = arith.constant 0 : index
    %get3A_1827 = arith.constant 9 : index
    %get3A_1828 = arith.constant 0 : index
    %get3A_1829 = vector.load %arg16[%get3A_1826, %get3A_1827, %get3A_1828] : memref<31x16x512xf32, #tpu.memory_space<vmem>>, vector<31x1x512xf32>
    %get3A_1830 = vector.shape_cast %get3A_1829 : vector<31x1x512xf32> to vector<31x512xf32>
    %get3A_1831 = arith.constant 1 : index
    %get3A_1832 = arith.constant 0 : index
    %get3A_1833 = arith.constant 0 : index
    %get3A_1834 = vector.load %arg13[%get3A_1831, %get3A_1832, %get3A_1833] : memref<2x512x512xf32, #tpu.memory_space<vmem>>, vector<1x512x512xf32>
    %get3A_1835 = vector.shape_cast %get3A_1834 : vector<1x512x512xf32> to vector<512x512xf32>
    %slice3A_1836 = vector.extract_strided_slice %get3A_1835 {offsets = [0, 64], sizes = [512, 64], strides = [1, 1]} : vector<512x512xf32> to vector<512x64xf32>
    %dot_general3A_1837 = arith.constant dense<0.000000e+00> : vector<31x64xf32>
    %dot_general3A_1838 = tpu.matmul %get3A_1830, %slice3A_1836, %dot_general3A_1837 {dimension_numbers = #tpu.dot_dimension_numbers<[1], [0], [0], [1], [0, 0, 1, 1], [], []>, transpose_lhs_hint = false} : vector<31x512xf32>, vector<512x64xf32>, vector<31x64xf32> -> vector<31x64xf32>
    %get3A_1839 = arith.constant 1 : index
    %get3A_1840 = arith.constant 0 : index
    %get3A_1841 = arith.constant 0 : index
    %get3A_1842 = vector.load %arg14[%get3A_1839, %get3A_1840, %get3A_1841] : memref<2x512x512xf32, #tpu.memory_space<vmem>>, vector<1x512x512xf32>
    %get3A_1843 = vector.shape_cast %get3A_1842 : vector<1x512x512xf32> to vector<512x512xf32>
    %slice3A_1844 = vector.extract_strided_slice %get3A_1843 {offsets = [0, 64], sizes = [512, 64], strides = [1, 1]} : vector<512x512xf32> to vector<512x64xf32>
    %dot_general3A_1845 = arith.constant dense<0.000000e+00> : vector<31x512xf32>
    %dot_general3A_1846 = tpu.matmul %dot_general3A_1838, %slice3A_1844, %dot_general3A_1845 {dimension_numbers = #tpu.dot_dimension_numbers<[1], [1], [0], [0], [0, 0, 1, 0], [], []>, transpose_lhs_hint = false} : vector<31x64xf32>, vector<512x64xf32>, vector<31x512xf32> -> vector<31x512xf32>
    %mul3A_1847 = arith.constant 1.250000e-01 : f32
    %mul3A_1848 = vector.broadcast %mul3A_1847 : f32 to vector<31x512xf32>
    %mul3A_1849 = arith.mulf %dot_general3A_1846, %mul3A_1848 : vector<31x512xf32>
    %reduce_max3A_1850 = arith.constant dense<0xFF800000> : vector<31xf32>
    %reduce_max3A_1851 = vector.multi_reduction <maximumf>, %mul3A_1849, %reduce_max3A_1850 [1] : vector<31x512xf32> to vector<31xf32>
    %broadcast_in_dim3A_1852 = vector.shape_cast %reduce_max3A_1851 : vector<31xf32> to vector<31x1xf32>
    %sub3A_1853 = vector.broadcast %broadcast_in_dim3A_1852 : vector<31x1xf32> to vector<31x512xf32>
    %sub3A_1854 = arith.subf %mul3A_1849, %sub3A_1853 : vector<31x512xf32>
    %exp3A_1855 = math.exp %sub3A_1854 : vector<31x512xf32>
    %reduce_sum3A_1856 = arith.constant dense<0.000000e+00> : vector<31xf32>
    %reduce_sum3A_1857 = vector.multi_reduction <add>, %exp3A_1855, %reduce_sum3A_1856 [1] : vector<31x512xf32> to vector<31xf32>
    %broadcast_in_dim3A_1858 = vector.shape_cast %reduce_sum3A_1857 : vector<31xf32> to vector<31x1xf32>
    %div3A_1859 = vector.broadcast %broadcast_in_dim3A_1858 : vector<31x1xf32> to vector<31x512xf32>
    %div3A_1860 = arith.divf %exp3A_1855, %div3A_1859 : vector<31x512xf32>
    %get3A_1861 = arith.constant 1 : index
    %get3A_1862 = arith.constant 0 : index
    %get3A_1863 = arith.constant 0 : index
    %get3A_1864 = vector.load %arg15[%get3A_1861, %get3A_1862, %get3A_1863] : memref<2x512x512xf32, #tpu.memory_space<vmem>>, vector<1x512x512xf32>
    %get3A_1865 = vector.shape_cast %get3A_1864 : vector<1x512x512xf32> to vector<512x512xf32>
    %slice3A_1866 = vector.extract_strided_slice %get3A_1865 {offsets = [0, 64], sizes = [512, 64], strides = [1, 1]} : vector<512x512xf32> to vector<512x64xf32>
    %dot_general3A_1867 = arith.constant dense<0.000000e+00> : vector<31x64xf32>
    %dot_general3A_1868 = tpu.matmul %div3A_1860, %slice3A_1866, %dot_general3A_1867 {dimension_numbers = #tpu.dot_dimension_numbers<[1], [0], [0], [1], [0, 0, 1, 1], [], []>, transpose_lhs_hint = false} : vector<31x512xf32>, vector<512x64xf32>, vector<31x64xf32> -> vector<31x64xf32>
    %dot_general3A_1869 = arith.constant dense<0.000000e+00> : vector<512x64xf32>
    %dot_general3A_1870 = tpu.matmul %get3A_1830, %dot_general3A_1868, %dot_general3A_1869 {dimension_numbers = #tpu.dot_dimension_numbers<[0], [0], [1], [1], [0, 1, 1, 1], [], []>, transpose_lhs_hint = false} : vector<31x512xf32>, vector<31x64xf32>, vector<512x64xf32> -> vector<512x64xf32>
    %dot_general3A_1871 = arith.constant dense<0.000000e+00> : vector<512x1xf32>
    %dot_general3A_1872 = tpu.matmul %get3A_1830, %broadcast_in_dim3A_1277, %dot_general3A_1871 {dimension_numbers = #tpu.dot_dimension_numbers<[0], [0], [1], [1], [0, 1, 1, 1], [], []>, transpose_lhs_hint = false} : vector<31x512xf32>, vector<31x1xf32>, vector<512x1xf32> -> vector<512x1xf32>
    %slice3A_1873 = vector.extract_strided_slice %dot_general3A_1771 {offsets = [0, 64], sizes = [512, 64], strides = [1, 1]} : vector<512x512xf32> to vector<512x64xf32>
    %sub3A_1874 = arith.constant 1.000000e+00 : f32
    %sub3A_1875 = vector.broadcast %sub3A_1874 : f32 to vector<512x1xf32>
    %sub3A_1876 = arith.subf %sub3A_1875, %dot_general3A_1872 : vector<512x1xf32>
    %mul3A_1877 = vector.broadcast %sub3A_1876 : vector<512x1xf32> to vector<512x64xf32>
    %mul3A_1878 = arith.mulf %slice3A_1873, %mul3A_1877 : vector<512x64xf32>
    %add3A_1879 = arith.addf %mul3A_1878, %dot_general3A_1870 : vector<512x64xf32>
    %get3A_1880 = arith.constant 0 : index
    %get3A_1881 = arith.constant 10 : index
    %get3A_1882 = arith.constant 0 : index
    %get3A_1883 = vector.load %arg16[%get3A_1880, %get3A_1881, %get3A_1882] : memref<31x16x512xf32, #tpu.memory_space<vmem>>, vector<31x1x512xf32>
    %get3A_1884 = vector.shape_cast %get3A_1883 : vector<31x1x512xf32> to vector<31x512xf32>
    %get3A_1885 = arith.constant 1 : index
    %get3A_1886 = arith.constant 0 : index
    %get3A_1887 = arith.constant 0 : index
    %get3A_1888 = vector.load %arg13[%get3A_1885, %get3A_1886, %get3A_1887] : memref<2x512x512xf32, #tpu.memory_space<vmem>>, vector<1x512x512xf32>
    %get3A_1889 = vector.shape_cast %get3A_1888 : vector<1x512x512xf32> to vector<512x512xf32>
    %slice3A_1890 = vector.extract_strided_slice %get3A_1889 {offsets = [0, 128], sizes = [512, 64], strides = [1, 1]} : vector<512x512xf32> to vector<512x64xf32>
    %dot_general3A_1891 = arith.constant dense<0.000000e+00> : vector<31x64xf32>
    %dot_general3A_1892 = tpu.matmul %get3A_1884, %slice3A_1890, %dot_general3A_1891 {dimension_numbers = #tpu.dot_dimension_numbers<[1], [0], [0], [1], [0, 0, 1, 1], [], []>, transpose_lhs_hint = false} : vector<31x512xf32>, vector<512x64xf32>, vector<31x64xf32> -> vector<31x64xf32>
    %get3A_1893 = arith.constant 1 : index
    %get3A_1894 = arith.constant 0 : index
    %get3A_1895 = arith.constant 0 : index
    %get3A_1896 = vector.load %arg14[%get3A_1893, %get3A_1894, %get3A_1895] : memref<2x512x512xf32, #tpu.memory_space<vmem>>, vector<1x512x512xf32>
    %get3A_1897 = vector.shape_cast %get3A_1896 : vector<1x512x512xf32> to vector<512x512xf32>
    %slice3A_1898 = vector.extract_strided_slice %get3A_1897 {offsets = [0, 128], sizes = [512, 64], strides = [1, 1]} : vector<512x512xf32> to vector<512x64xf32>
    %dot_general3A_1899 = arith.constant dense<0.000000e+00> : vector<31x512xf32>
    %dot_general3A_1900 = tpu.matmul %dot_general3A_1892, %slice3A_1898, %dot_general3A_1899 {dimension_numbers = #tpu.dot_dimension_numbers<[1], [1], [0], [0], [0, 0, 1, 0], [], []>, transpose_lhs_hint = false} : vector<31x64xf32>, vector<512x64xf32>, vector<31x512xf32> -> vector<31x512xf32>
    %mul3A_1901 = arith.constant 1.250000e-01 : f32
    %mul3A_1902 = vector.broadcast %mul3A_1901 : f32 to vector<31x512xf32>
    %mul3A_1903 = arith.mulf %dot_general3A_1900, %mul3A_1902 : vector<31x512xf32>
    %reduce_max3A_1904 = arith.constant dense<0xFF800000> : vector<31xf32>
    %reduce_max3A_1905 = vector.multi_reduction <maximumf>, %mul3A_1903, %reduce_max3A_1904 [1] : vector<31x512xf32> to vector<31xf32>
    %broadcast_in_dim3A_1906 = vector.shape_cast %reduce_max3A_1905 : vector<31xf32> to vector<31x1xf32>
    %sub3A_1907 = vector.broadcast %broadcast_in_dim3A_1906 : vector<31x1xf32> to vector<31x512xf32>
    %sub3A_1908 = arith.subf %mul3A_1903, %sub3A_1907 : vector<31x512xf32>
    %exp3A_1909 = math.exp %sub3A_1908 : vector<31x512xf32>
    %reduce_sum3A_1910 = arith.constant dense<0.000000e+00> : vector<31xf32>
    %reduce_sum3A_1911 = vector.multi_reduction <add>, %exp3A_1909, %reduce_sum3A_1910 [1] : vector<31x512xf32> to vector<31xf32>
    %broadcast_in_dim3A_1912 = vector.shape_cast %reduce_sum3A_1911 : vector<31xf32> to vector<31x1xf32>
    %div3A_1913 = vector.broadcast %broadcast_in_dim3A_1912 : vector<31x1xf32> to vector<31x512xf32>
    %div3A_1914 = arith.divf %exp3A_1909, %div3A_1913 : vector<31x512xf32>
    %get3A_1915 = arith.constant 1 : index
    %get3A_1916 = arith.constant 0 : index
    %get3A_1917 = arith.constant 0 : index
    %get3A_1918 = vector.load %arg15[%get3A_1915, %get3A_1916, %get3A_1917] : memref<2x512x512xf32, #tpu.memory_space<vmem>>, vector<1x512x512xf32>
    %get3A_1919 = vector.shape_cast %get3A_1918 : vector<1x512x512xf32> to vector<512x512xf32>
    %slice3A_1920 = vector.extract_strided_slice %get3A_1919 {offsets = [0, 128], sizes = [512, 64], strides = [1, 1]} : vector<512x512xf32> to vector<512x64xf32>
    %dot_general3A_1921 = arith.constant dense<0.000000e+00> : vector<31x64xf32>
    %dot_general3A_1922 = tpu.matmul %div3A_1914, %slice3A_1920, %dot_general3A_1921 {dimension_numbers = #tpu.dot_dimension_numbers<[1], [0], [0], [1], [0, 0, 1, 1], [], []>, transpose_lhs_hint = false} : vector<31x512xf32>, vector<512x64xf32>, vector<31x64xf32> -> vector<31x64xf32>
    %dot_general3A_1923 = arith.constant dense<0.000000e+00> : vector<512x64xf32>
    %dot_general3A_1924 = tpu.matmul %get3A_1884, %dot_general3A_1922, %dot_general3A_1923 {dimension_numbers = #tpu.dot_dimension_numbers<[0], [0], [1], [1], [0, 1, 1, 1], [], []>, transpose_lhs_hint = false} : vector<31x512xf32>, vector<31x64xf32>, vector<512x64xf32> -> vector<512x64xf32>
    %dot_general3A_1925 = arith.constant dense<0.000000e+00> : vector<512x1xf32>
    %dot_general3A_1926 = tpu.matmul %get3A_1884, %broadcast_in_dim3A_1277, %dot_general3A_1925 {dimension_numbers = #tpu.dot_dimension_numbers<[0], [0], [1], [1], [0, 1, 1, 1], [], []>, transpose_lhs_hint = false} : vector<31x512xf32>, vector<31x1xf32>, vector<512x1xf32> -> vector<512x1xf32>
    %slice3A_1927 = vector.extract_strided_slice %dot_general3A_1771 {offsets = [0, 128], sizes = [512, 64], strides = [1, 1]} : vector<512x512xf32> to vector<512x64xf32>
    %sub3A_1928 = arith.constant 1.000000e+00 : f32
    %sub3A_1929 = vector.broadcast %sub3A_1928 : f32 to vector<512x1xf32>
    %sub3A_1930 = arith.subf %sub3A_1929, %dot_general3A_1926 : vector<512x1xf32>
    %mul3A_1931 = vector.broadcast %sub3A_1930 : vector<512x1xf32> to vector<512x64xf32>
    %mul3A_1932 = arith.mulf %slice3A_1927, %mul3A_1931 : vector<512x64xf32>
    %add3A_1933 = arith.addf %mul3A_1932, %dot_general3A_1924 : vector<512x64xf32>
    %get3A_1934 = arith.constant 0 : index
    %get3A_1935 = arith.constant 11 : index
    %get3A_1936 = arith.constant 0 : index
    %get3A_1937 = vector.load %arg16[%get3A_1934, %get3A_1935, %get3A_1936] : memref<31x16x512xf32, #tpu.memory_space<vmem>>, vector<31x1x512xf32>
    %get3A_1938 = vector.shape_cast %get3A_1937 : vector<31x1x512xf32> to vector<31x512xf32>
    %get3A_1939 = arith.constant 1 : index
    %get3A_1940 = arith.constant 0 : index
    %get3A_1941 = arith.constant 0 : index
    %get3A_1942 = vector.load %arg13[%get3A_1939, %get3A_1940, %get3A_1941] : memref<2x512x512xf32, #tpu.memory_space<vmem>>, vector<1x512x512xf32>
    %get3A_1943 = vector.shape_cast %get3A_1942 : vector<1x512x512xf32> to vector<512x512xf32>
    %slice3A_1944 = vector.extract_strided_slice %get3A_1943 {offsets = [0, 192], sizes = [512, 64], strides = [1, 1]} : vector<512x512xf32> to vector<512x64xf32>
    %dot_general3A_1945 = arith.constant dense<0.000000e+00> : vector<31x64xf32>
    %dot_general3A_1946 = tpu.matmul %get3A_1938, %slice3A_1944, %dot_general3A_1945 {dimension_numbers = #tpu.dot_dimension_numbers<[1], [0], [0], [1], [0, 0, 1, 1], [], []>, transpose_lhs_hint = false} : vector<31x512xf32>, vector<512x64xf32>, vector<31x64xf32> -> vector<31x64xf32>
    %get3A_1947 = arith.constant 1 : index
    %get3A_1948 = arith.constant 0 : index
    %get3A_1949 = arith.constant 0 : index
    %get3A_1950 = vector.load %arg14[%get3A_1947, %get3A_1948, %get3A_1949] : memref<2x512x512xf32, #tpu.memory_space<vmem>>, vector<1x512x512xf32>
    %get3A_1951 = vector.shape_cast %get3A_1950 : vector<1x512x512xf32> to vector<512x512xf32>
    %slice3A_1952 = vector.extract_strided_slice %get3A_1951 {offsets = [0, 192], sizes = [512, 64], strides = [1, 1]} : vector<512x512xf32> to vector<512x64xf32>
    %dot_general3A_1953 = arith.constant dense<0.000000e+00> : vector<31x512xf32>
    %dot_general3A_1954 = tpu.matmul %dot_general3A_1946, %slice3A_1952, %dot_general3A_1953 {dimension_numbers = #tpu.dot_dimension_numbers<[1], [1], [0], [0], [0, 0, 1, 0], [], []>, transpose_lhs_hint = false} : vector<31x64xf32>, vector<512x64xf32>, vector<31x512xf32> -> vector<31x512xf32>
    %mul3A_1955 = arith.constant 1.250000e-01 : f32
    %mul3A_1956 = vector.broadcast %mul3A_1955 : f32 to vector<31x512xf32>
    %mul3A_1957 = arith.mulf %dot_general3A_1954, %mul3A_1956 : vector<31x512xf32>
    %reduce_max3A_1958 = arith.constant dense<0xFF800000> : vector<31xf32>
    %reduce_max3A_1959 = vector.multi_reduction <maximumf>, %mul3A_1957, %reduce_max3A_1958 [1] : vector<31x512xf32> to vector<31xf32>
    %broadcast_in_dim3A_1960 = vector.shape_cast %reduce_max3A_1959 : vector<31xf32> to vector<31x1xf32>
    %sub3A_1961 = vector.broadcast %broadcast_in_dim3A_1960 : vector<31x1xf32> to vector<31x512xf32>
    %sub3A_1962 = arith.subf %mul3A_1957, %sub3A_1961 : vector<31x512xf32>
    %exp3A_1963 = math.exp %sub3A_1962 : vector<31x512xf32>
    %reduce_sum3A_1964 = arith.constant dense<0.000000e+00> : vector<31xf32>
    %reduce_sum3A_1965 = vector.multi_reduction <add>, %exp3A_1963, %reduce_sum3A_1964 [1] : vector<31x512xf32> to vector<31xf32>
    %broadcast_in_dim3A_1966 = vector.shape_cast %reduce_sum3A_1965 : vector<31xf32> to vector<31x1xf32>
    %div3A_1967 = vector.broadcast %broadcast_in_dim3A_1966 : vector<31x1xf32> to vector<31x512xf32>
    %div3A_1968 = arith.divf %exp3A_1963, %div3A_1967 : vector<31x512xf32>
    %get3A_1969 = arith.constant 1 : index
    %get3A_1970 = arith.constant 0 : index
    %get3A_1971 = arith.constant 0 : index
    %get3A_1972 = vector.load %arg15[%get3A_1969, %get3A_1970, %get3A_1971] : memref<2x512x512xf32, #tpu.memory_space<vmem>>, vector<1x512x512xf32>
    %get3A_1973 = vector.shape_cast %get3A_1972 : vector<1x512x512xf32> to vector<512x512xf32>
    %slice3A_1974 = vector.extract_strided_slice %get3A_1973 {offsets = [0, 192], sizes = [512, 64], strides = [1, 1]} : vector<512x512xf32> to vector<512x64xf32>
    %dot_general3A_1975 = arith.constant dense<0.000000e+00> : vector<31x64xf32>
    %dot_general3A_1976 = tpu.matmul %div3A_1968, %slice3A_1974, %dot_general3A_1975 {dimension_numbers = #tpu.dot_dimension_numbers<[1], [0], [0], [1], [0, 0, 1, 1], [], []>, transpose_lhs_hint = false} : vector<31x512xf32>, vector<512x64xf32>, vector<31x64xf32> -> vector<31x64xf32>
    %dot_general3A_1977 = arith.constant dense<0.000000e+00> : vector<512x64xf32>
    %dot_general3A_1978 = tpu.matmul %get3A_1938, %dot_general3A_1976, %dot_general3A_1977 {dimension_numbers = #tpu.dot_dimension_numbers<[0], [0], [1], [1], [0, 1, 1, 1], [], []>, transpose_lhs_hint = false} : vector<31x512xf32>, vector<31x64xf32>, vector<512x64xf32> -> vector<512x64xf32>
    %dot_general3A_1979 = arith.constant dense<0.000000e+00> : vector<512x1xf32>
    %dot_general3A_1980 = tpu.matmul %get3A_1938, %broadcast_in_dim3A_1277, %dot_general3A_1979 {dimension_numbers = #tpu.dot_dimension_numbers<[0], [0], [1], [1], [0, 1, 1, 1], [], []>, transpose_lhs_hint = false} : vector<31x512xf32>, vector<31x1xf32>, vector<512x1xf32> -> vector<512x1xf32>
    %slice3A_1981 = vector.extract_strided_slice %dot_general3A_1771 {offsets = [0, 192], sizes = [512, 64], strides = [1, 1]} : vector<512x512xf32> to vector<512x64xf32>
    %sub3A_1982 = arith.constant 1.000000e+00 : f32
    %sub3A_1983 = vector.broadcast %sub3A_1982 : f32 to vector<512x1xf32>
    %sub3A_1984 = arith.subf %sub3A_1983, %dot_general3A_1980 : vector<512x1xf32>
    %mul3A_1985 = vector.broadcast %sub3A_1984 : vector<512x1xf32> to vector<512x64xf32>
    %mul3A_1986 = arith.mulf %slice3A_1981, %mul3A_1985 : vector<512x64xf32>
    %add3A_1987 = arith.addf %mul3A_1986, %dot_general3A_1978 : vector<512x64xf32>
    %get3A_1988 = arith.constant 0 : index
    %get3A_1989 = arith.constant 12 : index
    %get3A_1990 = arith.constant 0 : index
    %get3A_1991 = vector.load %arg16[%get3A_1988, %get3A_1989, %get3A_1990] : memref<31x16x512xf32, #tpu.memory_space<vmem>>, vector<31x1x512xf32>
    %get3A_1992 = vector.shape_cast %get3A_1991 : vector<31x1x512xf32> to vector<31x512xf32>
    %get3A_1993 = arith.constant 1 : index
    %get3A_1994 = arith.constant 0 : index
    %get3A_1995 = arith.constant 0 : index
    %get3A_1996 = vector.load %arg13[%get3A_1993, %get3A_1994, %get3A_1995] : memref<2x512x512xf32, #tpu.memory_space<vmem>>, vector<1x512x512xf32>
    %get3A_1997 = vector.shape_cast %get3A_1996 : vector<1x512x512xf32> to vector<512x512xf32>
    %slice3A_1998 = vector.extract_strided_slice %get3A_1997 {offsets = [0, 256], sizes = [512, 64], strides = [1, 1]} : vector<512x512xf32> to vector<512x64xf32>
    %dot_general3A_1999 = arith.constant dense<0.000000e+00> : vector<31x64xf32>
    %dot_general3A_2000 = tpu.matmul %get3A_1992, %slice3A_1998, %dot_general3A_1999 {dimension_numbers = #tpu.dot_dimension_numbers<[1], [0], [0], [1], [0, 0, 1, 1], [], []>, transpose_lhs_hint = false} : vector<31x512xf32>, vector<512x64xf32>, vector<31x64xf32> -> vector<31x64xf32>
    %get3A_2001 = arith.constant 1 : index
    %get3A_2002 = arith.constant 0 : index
    %get3A_2003 = arith.constant 0 : index
    %get3A_2004 = vector.load %arg14[%get3A_2001, %get3A_2002, %get3A_2003] : memref<2x512x512xf32, #tpu.memory_space<vmem>>, vector<1x512x512xf32>
    %get3A_2005 = vector.shape_cast %get3A_2004 : vector<1x512x512xf32> to vector<512x512xf32>
    %slice3A_2006 = vector.extract_strided_slice %get3A_2005 {offsets = [0, 256], sizes = [512, 64], strides = [1, 1]} : vector<512x512xf32> to vector<512x64xf32>
    %dot_general3A_2007 = arith.constant dense<0.000000e+00> : vector<31x512xf32>
    %dot_general3A_2008 = tpu.matmul %dot_general3A_2000, %slice3A_2006, %dot_general3A_2007 {dimension_numbers = #tpu.dot_dimension_numbers<[1], [1], [0], [0], [0, 0, 1, 0], [], []>, transpose_lhs_hint = false} : vector<31x64xf32>, vector<512x64xf32>, vector<31x512xf32> -> vector<31x512xf32>
    %mul3A_2009 = arith.constant 1.250000e-01 : f32
    %mul3A_2010 = vector.broadcast %mul3A_2009 : f32 to vector<31x512xf32>
    %mul3A_2011 = arith.mulf %dot_general3A_2008, %mul3A_2010 : vector<31x512xf32>
    %reduce_max3A_2012 = arith.constant dense<0xFF800000> : vector<31xf32>
    %reduce_max3A_2013 = vector.multi_reduction <maximumf>, %mul3A_2011, %reduce_max3A_2012 [1] : vector<31x512xf32> to vector<31xf32>
    %broadcast_in_dim3A_2014 = vector.shape_cast %reduce_max3A_2013 : vector<31xf32> to vector<31x1xf32>
    %sub3A_2015 = vector.broadcast %broadcast_in_dim3A_2014 : vector<31x1xf32> to vector<31x512xf32>
    %sub3A_2016 = arith.subf %mul3A_2011, %sub3A_2015 : vector<31x512xf32>
    %exp3A_2017 = math.exp %sub3A_2016 : vector<31x512xf32>
    %reduce_sum3A_2018 = arith.constant dense<0.000000e+00> : vector<31xf32>
    %reduce_sum3A_2019 = vector.multi_reduction <add>, %exp3A_2017, %reduce_sum3A_2018 [1] : vector<31x512xf32> to vector<31xf32>
    %broadcast_in_dim3A_2020 = vector.shape_cast %reduce_sum3A_2019 : vector<31xf32> to vector<31x1xf32>
    %div3A_2021 = vector.broadcast %broadcast_in_dim3A_2020 : vector<31x1xf32> to vector<31x512xf32>
    %div3A_2022 = arith.divf %exp3A_2017, %div3A_2021 : vector<31x512xf32>
    %get3A_2023 = arith.constant 1 : index
    %get3A_2024 = arith.constant 0 : index
    %get3A_2025 = arith.constant 0 : index
    %get3A_2026 = vector.load %arg15[%get3A_2023, %get3A_2024, %get3A_2025] : memref<2x512x512xf32, #tpu.memory_space<vmem>>, vector<1x512x512xf32>
    %get3A_2027 = vector.shape_cast %get3A_2026 : vector<1x512x512xf32> to vector<512x512xf32>
    %slice3A_2028 = vector.extract_strided_slice %get3A_2027 {offsets = [0, 256], sizes = [512, 64], strides = [1, 1]} : vector<512x512xf32> to vector<512x64xf32>
    %dot_general3A_2029 = arith.constant dense<0.000000e+00> : vector<31x64xf32>
    %dot_general3A_2030 = tpu.matmul %div3A_2022, %slice3A_2028, %dot_general3A_2029 {dimension_numbers = #tpu.dot_dimension_numbers<[1], [0], [0], [1], [0, 0, 1, 1], [], []>, transpose_lhs_hint = false} : vector<31x512xf32>, vector<512x64xf32>, vector<31x64xf32> -> vector<31x64xf32>
    %dot_general3A_2031 = arith.constant dense<0.000000e+00> : vector<512x64xf32>
    %dot_general3A_2032 = tpu.matmul %get3A_1992, %dot_general3A_2030, %dot_general3A_2031 {dimension_numbers = #tpu.dot_dimension_numbers<[0], [0], [1], [1], [0, 1, 1, 1], [], []>, transpose_lhs_hint = false} : vector<31x512xf32>, vector<31x64xf32>, vector<512x64xf32> -> vector<512x64xf32>
    %dot_general3A_2033 = arith.constant dense<0.000000e+00> : vector<512x1xf32>
    %dot_general3A_2034 = tpu.matmul %get3A_1992, %broadcast_in_dim3A_1277, %dot_general3A_2033 {dimension_numbers = #tpu.dot_dimension_numbers<[0], [0], [1], [1], [0, 1, 1, 1], [], []>, transpose_lhs_hint = false} : vector<31x512xf32>, vector<31x1xf32>, vector<512x1xf32> -> vector<512x1xf32>
    %slice3A_2035 = vector.extract_strided_slice %dot_general3A_1771 {offsets = [0, 256], sizes = [512, 64], strides = [1, 1]} : vector<512x512xf32> to vector<512x64xf32>
    %sub3A_2036 = arith.constant 1.000000e+00 : f32
    %sub3A_2037 = vector.broadcast %sub3A_2036 : f32 to vector<512x1xf32>
    %sub3A_2038 = arith.subf %sub3A_2037, %dot_general3A_2034 : vector<512x1xf32>
    %mul3A_2039 = vector.broadcast %sub3A_2038 : vector<512x1xf32> to vector<512x64xf32>
    %mul3A_2040 = arith.mulf %slice3A_2035, %mul3A_2039 : vector<512x64xf32>
    %add3A_2041 = arith.addf %mul3A_2040, %dot_general3A_2032 : vector<512x64xf32>
    %get3A_2042 = arith.constant 0 : index
    %get3A_2043 = arith.constant 13 : index
    %get3A_2044 = arith.constant 0 : index
    %get3A_2045 = vector.load %arg16[%get3A_2042, %get3A_2043, %get3A_2044] : memref<31x16x512xf32, #tpu.memory_space<vmem>>, vector<31x1x512xf32>
    %get3A_2046 = vector.shape_cast %get3A_2045 : vector<31x1x512xf32> to vector<31x512xf32>
    %get3A_2047 = arith.constant 1 : index
    %get3A_2048 = arith.constant 0 : index
    %get3A_2049 = arith.constant 0 : index
    %get3A_2050 = vector.load %arg13[%get3A_2047, %get3A_2048, %get3A_2049] : memref<2x512x512xf32, #tpu.memory_space<vmem>>, vector<1x512x512xf32>
    %get3A_2051 = vector.shape_cast %get3A_2050 : vector<1x512x512xf32> to vector<512x512xf32>
    %slice3A_2052 = vector.extract_strided_slice %get3A_2051 {offsets = [0, 320], sizes = [512, 64], strides = [1, 1]} : vector<512x512xf32> to vector<512x64xf32>
    %dot_general3A_2053 = arith.constant dense<0.000000e+00> : vector<31x64xf32>
    %dot_general3A_2054 = tpu.matmul %get3A_2046, %slice3A_2052, %dot_general3A_2053 {dimension_numbers = #tpu.dot_dimension_numbers<[1], [0], [0], [1], [0, 0, 1, 1], [], []>, transpose_lhs_hint = false} : vector<31x512xf32>, vector<512x64xf32>, vector<31x64xf32> -> vector<31x64xf32>
    %get3A_2055 = arith.constant 1 : index
    %get3A_2056 = arith.constant 0 : index
    %get3A_2057 = arith.constant 0 : index
    %get3A_2058 = vector.load %arg14[%get3A_2055, %get3A_2056, %get3A_2057] : memref<2x512x512xf32, #tpu.memory_space<vmem>>, vector<1x512x512xf32>
    %get3A_2059 = vector.shape_cast %get3A_2058 : vector<1x512x512xf32> to vector<512x512xf32>
    %slice3A_2060 = vector.extract_strided_slice %get3A_2059 {offsets = [0, 320], sizes = [512, 64], strides = [1, 1]} : vector<512x512xf32> to vector<512x64xf32>
    %dot_general3A_2061 = arith.constant dense<0.000000e+00> : vector<31x512xf32>
    %dot_general3A_2062 = tpu.matmul %dot_general3A_2054, %slice3A_2060, %dot_general3A_2061 {dimension_numbers = #tpu.dot_dimension_numbers<[1], [1], [0], [0], [0, 0, 1, 0], [], []>, transpose_lhs_hint = false} : vector<31x64xf32>, vector<512x64xf32>, vector<31x512xf32> -> vector<31x512xf32>
    %mul3A_2063 = arith.constant 1.250000e-01 : f32
    %mul3A_2064 = vector.broadcast %mul3A_2063 : f32 to vector<31x512xf32>
    %mul3A_2065 = arith.mulf %dot_general3A_2062, %mul3A_2064 : vector<31x512xf32>
    %reduce_max3A_2066 = arith.constant dense<0xFF800000> : vector<31xf32>
    %reduce_max3A_2067 = vector.multi_reduction <maximumf>, %mul3A_2065, %reduce_max3A_2066 [1] : vector<31x512xf32> to vector<31xf32>
    %broadcast_in_dim3A_2068 = vector.shape_cast %reduce_max3A_2067 : vector<31xf32> to vector<31x1xf32>
    %sub3A_2069 = vector.broadcast %broadcast_in_dim3A_2068 : vector<31x1xf32> to vector<31x512xf32>
    %sub3A_2070 = arith.subf %mul3A_2065, %sub3A_2069 : vector<31x512xf32>
    %exp3A_2071 = math.exp %sub3A_2070 : vector<31x512xf32>
    %reduce_sum3A_2072 = arith.constant dense<0.000000e+00> : vector<31xf32>
    %reduce_sum3A_2073 = vector.multi_reduction <add>, %exp3A_2071, %reduce_sum3A_2072 [1] : vector<31x512xf32> to vector<31xf32>
    %broadcast_in_dim3A_2074 = vector.shape_cast %reduce_sum3A_2073 : vector<31xf32> to vector<31x1xf32>
    %div3A_2075 = vector.broadcast %broadcast_in_dim3A_2074 : vector<31x1xf32> to vector<31x512xf32>
    %div3A_2076 = arith.divf %exp3A_2071, %div3A_2075 : vector<31x512xf32>
    %get3A_2077 = arith.constant 1 : index
    %get3A_2078 = arith.constant 0 : index
    %get3A_2079 = arith.constant 0 : index
    %get3A_2080 = vector.load %arg15[%get3A_2077, %get3A_2078, %get3A_2079] : memref<2x512x512xf32, #tpu.memory_space<vmem>>, vector<1x512x512xf32>
    %get3A_2081 = vector.shape_cast %get3A_2080 : vector<1x512x512xf32> to vector<512x512xf32>
    %slice3A_2082 = vector.extract_strided_slice %get3A_2081 {offsets = [0, 320], sizes = [512, 64], strides = [1, 1]} : vector<512x512xf32> to vector<512x64xf32>
    %dot_general3A_2083 = arith.constant dense<0.000000e+00> : vector<31x64xf32>
    %dot_general3A_2084 = tpu.matmul %div3A_2076, %slice3A_2082, %dot_general3A_2083 {dimension_numbers = #tpu.dot_dimension_numbers<[1], [0], [0], [1], [0, 0, 1, 1], [], []>, transpose_lhs_hint = false} : vector<31x512xf32>, vector<512x64xf32>, vector<31x64xf32> -> vector<31x64xf32>
    %dot_general3A_2085 = arith.constant dense<0.000000e+00> : vector<512x64xf32>
    %dot_general3A_2086 = tpu.matmul %get3A_2046, %dot_general3A_2084, %dot_general3A_2085 {dimension_numbers = #tpu.dot_dimension_numbers<[0], [0], [1], [1], [0, 1, 1, 1], [], []>, transpose_lhs_hint = false} : vector<31x512xf32>, vector<31x64xf32>, vector<512x64xf32> -> vector<512x64xf32>
    %dot_general3A_2087 = arith.constant dense<0.000000e+00> : vector<512x1xf32>
    %dot_general3A_2088 = tpu.matmul %get3A_2046, %broadcast_in_dim3A_1277, %dot_general3A_2087 {dimension_numbers = #tpu.dot_dimension_numbers<[0], [0], [1], [1], [0, 1, 1, 1], [], []>, transpose_lhs_hint = false} : vector<31x512xf32>, vector<31x1xf32>, vector<512x1xf32> -> vector<512x1xf32>
    %slice3A_2089 = vector.extract_strided_slice %dot_general3A_1771 {offsets = [0, 320], sizes = [512, 64], strides = [1, 1]} : vector<512x512xf32> to vector<512x64xf32>
    %sub3A_2090 = arith.constant 1.000000e+00 : f32
    %sub3A_2091 = vector.broadcast %sub3A_2090 : f32 to vector<512x1xf32>
    %sub3A_2092 = arith.subf %sub3A_2091, %dot_general3A_2088 : vector<512x1xf32>
    %mul3A_2093 = vector.broadcast %sub3A_2092 : vector<512x1xf32> to vector<512x64xf32>
    %mul3A_2094 = arith.mulf %slice3A_2089, %mul3A_2093 : vector<512x64xf32>
    %add3A_2095 = arith.addf %mul3A_2094, %dot_general3A_2086 : vector<512x64xf32>
    %get3A_2096 = arith.constant 0 : index
    %get3A_2097 = arith.constant 14 : index
    %get3A_2098 = arith.constant 0 : index
    %get3A_2099 = vector.load %arg16[%get3A_2096, %get3A_2097, %get3A_2098] : memref<31x16x512xf32, #tpu.memory_space<vmem>>, vector<31x1x512xf32>
    %get3A_2100 = vector.shape_cast %get3A_2099 : vector<31x1x512xf32> to vector<31x512xf32>
    %get3A_2101 = arith.constant 1 : index
    %get3A_2102 = arith.constant 0 : index
    %get3A_2103 = arith.constant 0 : index
    %get3A_2104 = vector.load %arg13[%get3A_2101, %get3A_2102, %get3A_2103] : memref<2x512x512xf32, #tpu.memory_space<vmem>>, vector<1x512x512xf32>
    %get3A_2105 = vector.shape_cast %get3A_2104 : vector<1x512x512xf32> to vector<512x512xf32>
    %slice3A_2106 = vector.extract_strided_slice %get3A_2105 {offsets = [0, 384], sizes = [512, 64], strides = [1, 1]} : vector<512x512xf32> to vector<512x64xf32>
    %dot_general3A_2107 = arith.constant dense<0.000000e+00> : vector<31x64xf32>
    %dot_general3A_2108 = tpu.matmul %get3A_2100, %slice3A_2106, %dot_general3A_2107 {dimension_numbers = #tpu.dot_dimension_numbers<[1], [0], [0], [1], [0, 0, 1, 1], [], []>, transpose_lhs_hint = false} : vector<31x512xf32>, vector<512x64xf32>, vector<31x64xf32> -> vector<31x64xf32>
    %get3A_2109 = arith.constant 1 : index
    %get3A_2110 = arith.constant 0 : index
    %get3A_2111 = arith.constant 0 : index
    %get3A_2112 = vector.load %arg14[%get3A_2109, %get3A_2110, %get3A_2111] : memref<2x512x512xf32, #tpu.memory_space<vmem>>, vector<1x512x512xf32>
    %get3A_2113 = vector.shape_cast %get3A_2112 : vector<1x512x512xf32> to vector<512x512xf32>
    %slice3A_2114 = vector.extract_strided_slice %get3A_2113 {offsets = [0, 384], sizes = [512, 64], strides = [1, 1]} : vector<512x512xf32> to vector<512x64xf32>
    %dot_general3A_2115 = arith.constant dense<0.000000e+00> : vector<31x512xf32>
    %dot_general3A_2116 = tpu.matmul %dot_general3A_2108, %slice3A_2114, %dot_general3A_2115 {dimension_numbers = #tpu.dot_dimension_numbers<[1], [1], [0], [0], [0, 0, 1, 0], [], []>, transpose_lhs_hint = false} : vector<31x64xf32>, vector<512x64xf32>, vector<31x512xf32> -> vector<31x512xf32>
    %mul3A_2117 = arith.constant 1.250000e-01 : f32
    %mul3A_2118 = vector.broadcast %mul3A_2117 : f32 to vector<31x512xf32>
    %mul3A_2119 = arith.mulf %dot_general3A_2116, %mul3A_2118 : vector<31x512xf32>
    %reduce_max3A_2120 = arith.constant dense<0xFF800000> : vector<31xf32>
    %reduce_max3A_2121 = vector.multi_reduction <maximumf>, %mul3A_2119, %reduce_max3A_2120 [1] : vector<31x512xf32> to vector<31xf32>
    %broadcast_in_dim3A_2122 = vector.shape_cast %reduce_max3A_2121 : vector<31xf32> to vector<31x1xf32>
    %sub3A_2123 = vector.broadcast %broadcast_in_dim3A_2122 : vector<31x1xf32> to vector<31x512xf32>
    %sub3A_2124 = arith.subf %mul3A_2119, %sub3A_2123 : vector<31x512xf32>
    %exp3A_2125 = math.exp %sub3A_2124 : vector<31x512xf32>
    %reduce_sum3A_2126 = arith.constant dense<0.000000e+00> : vector<31xf32>
    %reduce_sum3A_2127 = vector.multi_reduction <add>, %exp3A_2125, %reduce_sum3A_2126 [1] : vector<31x512xf32> to vector<31xf32>
    %broadcast_in_dim3A_2128 = vector.shape_cast %reduce_sum3A_2127 : vector<31xf32> to vector<31x1xf32>
    %div3A_2129 = vector.broadcast %broadcast_in_dim3A_2128 : vector<31x1xf32> to vector<31x512xf32>
    %div3A_2130 = arith.divf %exp3A_2125, %div3A_2129 : vector<31x512xf32>
    %get3A_2131 = arith.constant 1 : index
    %get3A_2132 = arith.constant 0 : index
    %get3A_2133 = arith.constant 0 : index
    %get3A_2134 = vector.load %arg15[%get3A_2131, %get3A_2132, %get3A_2133] : memref<2x512x512xf32, #tpu.memory_space<vmem>>, vector<1x512x512xf32>
    %get3A_2135 = vector.shape_cast %get3A_2134 : vector<1x512x512xf32> to vector<512x512xf32>
    %slice3A_2136 = vector.extract_strided_slice %get3A_2135 {offsets = [0, 384], sizes = [512, 64], strides = [1, 1]} : vector<512x512xf32> to vector<512x64xf32>
    %dot_general3A_2137 = arith.constant dense<0.000000e+00> : vector<31x64xf32>
    %dot_general3A_2138 = tpu.matmul %div3A_2130, %slice3A_2136, %dot_general3A_2137 {dimension_numbers = #tpu.dot_dimension_numbers<[1], [0], [0], [1], [0, 0, 1, 1], [], []>, transpose_lhs_hint = false} : vector<31x512xf32>, vector<512x64xf32>, vector<31x64xf32> -> vector<31x64xf32>
    %dot_general3A_2139 = arith.constant dense<0.000000e+00> : vector<512x64xf32>
    %dot_general3A_2140 = tpu.matmul %get3A_2100, %dot_general3A_2138, %dot_general3A_2139 {dimension_numbers = #tpu.dot_dimension_numbers<[0], [0], [1], [1], [0, 1, 1, 1], [], []>, transpose_lhs_hint = false} : vector<31x512xf32>, vector<31x64xf32>, vector<512x64xf32> -> vector<512x64xf32>
    %dot_general3A_2141 = arith.constant dense<0.000000e+00> : vector<512x1xf32>
    %dot_general3A_2142 = tpu.matmul %get3A_2100, %broadcast_in_dim3A_1277, %dot_general3A_2141 {dimension_numbers = #tpu.dot_dimension_numbers<[0], [0], [1], [1], [0, 1, 1, 1], [], []>, transpose_lhs_hint = false} : vector<31x512xf32>, vector<31x1xf32>, vector<512x1xf32> -> vector<512x1xf32>
    %slice3A_2143 = vector.extract_strided_slice %dot_general3A_1771 {offsets = [0, 384], sizes = [512, 64], strides = [1, 1]} : vector<512x512xf32> to vector<512x64xf32>
    %sub3A_2144 = arith.constant 1.000000e+00 : f32
    %sub3A_2145 = vector.broadcast %sub3A_2144 : f32 to vector<512x1xf32>
    %sub3A_2146 = arith.subf %sub3A_2145, %dot_general3A_2142 : vector<512x1xf32>
    %mul3A_2147 = vector.broadcast %sub3A_2146 : vector<512x1xf32> to vector<512x64xf32>
    %mul3A_2148 = arith.mulf %slice3A_2143, %mul3A_2147 : vector<512x64xf32>
    %add3A_2149 = arith.addf %mul3A_2148, %dot_general3A_2140 : vector<512x64xf32>
    %get3A_2150 = arith.constant 0 : index
    %get3A_2151 = arith.constant 15 : index
    %get3A_2152 = arith.constant 0 : index
    %get3A_2153 = vector.load %arg16[%get3A_2150, %get3A_2151, %get3A_2152] : memref<31x16x512xf32, #tpu.memory_space<vmem>>, vector<31x1x512xf32>
    %get3A_2154 = vector.shape_cast %get3A_2153 : vector<31x1x512xf32> to vector<31x512xf32>
    %get3A_2155 = arith.constant 1 : index
    %get3A_2156 = arith.constant 0 : index
    %get3A_2157 = arith.constant 0 : index
    %get3A_2158 = vector.load %arg13[%get3A_2155, %get3A_2156, %get3A_2157] : memref<2x512x512xf32, #tpu.memory_space<vmem>>, vector<1x512x512xf32>
    %get3A_2159 = vector.shape_cast %get3A_2158 : vector<1x512x512xf32> to vector<512x512xf32>
    %slice3A_2160 = vector.extract_strided_slice %get3A_2159 {offsets = [0, 448], sizes = [512, 64], strides = [1, 1]} : vector<512x512xf32> to vector<512x64xf32>
    %dot_general3A_2161 = arith.constant dense<0.000000e+00> : vector<31x64xf32>
    %dot_general3A_2162 = tpu.matmul %get3A_2154, %slice3A_2160, %dot_general3A_2161 {dimension_numbers = #tpu.dot_dimension_numbers<[1], [0], [0], [1], [0, 0, 1, 1], [], []>, transpose_lhs_hint = false} : vector<31x512xf32>, vector<512x64xf32>, vector<31x64xf32> -> vector<31x64xf32>
    %get3A_2163 = arith.constant 1 : index
    %get3A_2164 = arith.constant 0 : index
    %get3A_2165 = arith.constant 0 : index
    %get3A_2166 = vector.load %arg14[%get3A_2163, %get3A_2164, %get3A_2165] : memref<2x512x512xf32, #tpu.memory_space<vmem>>, vector<1x512x512xf32>
    %get3A_2167 = vector.shape_cast %get3A_2166 : vector<1x512x512xf32> to vector<512x512xf32>
    %slice3A_2168 = vector.extract_strided_slice %get3A_2167 {offsets = [0, 448], sizes = [512, 64], strides = [1, 1]} : vector<512x512xf32> to vector<512x64xf32>
    %dot_general3A_2169 = arith.constant dense<0.000000e+00> : vector<31x512xf32>
    %dot_general3A_2170 = tpu.matmul %dot_general3A_2162, %slice3A_2168, %dot_general3A_2169 {dimension_numbers = #tpu.dot_dimension_numbers<[1], [1], [0], [0], [0, 0, 1, 0], [], []>, transpose_lhs_hint = false} : vector<31x64xf32>, vector<512x64xf32>, vector<31x512xf32> -> vector<31x512xf32>
    %mul3A_2171 = arith.constant 1.250000e-01 : f32
    %mul3A_2172 = vector.broadcast %mul3A_2171 : f32 to vector<31x512xf32>
    %mul3A_2173 = arith.mulf %dot_general3A_2170, %mul3A_2172 : vector<31x512xf32>
    %reduce_max3A_2174 = arith.constant dense<0xFF800000> : vector<31xf32>
    %reduce_max3A_2175 = vector.multi_reduction <maximumf>, %mul3A_2173, %reduce_max3A_2174 [1] : vector<31x512xf32> to vector<31xf32>
    %broadcast_in_dim3A_2176 = vector.shape_cast %reduce_max3A_2175 : vector<31xf32> to vector<31x1xf32>
    %sub3A_2177 = vector.broadcast %broadcast_in_dim3A_2176 : vector<31x1xf32> to vector<31x512xf32>
    %sub3A_2178 = arith.subf %mul3A_2173, %sub3A_2177 : vector<31x512xf32>
    %exp3A_2179 = math.exp %sub3A_2178 : vector<31x512xf32>
    %reduce_sum3A_2180 = arith.constant dense<0.000000e+00> : vector<31xf32>
    %reduce_sum3A_2181 = vector.multi_reduction <add>, %exp3A_2179, %reduce_sum3A_2180 [1] : vector<31x512xf32> to vector<31xf32>
    %broadcast_in_dim3A_2182 = vector.shape_cast %reduce_sum3A_2181 : vector<31xf32> to vector<31x1xf32>
    %div3A_2183 = vector.broadcast %broadcast_in_dim3A_2182 : vector<31x1xf32> to vector<31x512xf32>
    %div3A_2184 = arith.divf %exp3A_2179, %div3A_2183 : vector<31x512xf32>
    %get3A_2185 = arith.constant 1 : index
    %get3A_2186 = arith.constant 0 : index
    %get3A_2187 = arith.constant 0 : index
    %get3A_2188 = vector.load %arg15[%get3A_2185, %get3A_2186, %get3A_2187] : memref<2x512x512xf32, #tpu.memory_space<vmem>>, vector<1x512x512xf32>
    %get3A_2189 = vector.shape_cast %get3A_2188 : vector<1x512x512xf32> to vector<512x512xf32>
    %slice3A_2190 = vector.extract_strided_slice %get3A_2189 {offsets = [0, 448], sizes = [512, 64], strides = [1, 1]} : vector<512x512xf32> to vector<512x64xf32>
    %dot_general3A_2191 = arith.constant dense<0.000000e+00> : vector<31x64xf32>
    %dot_general3A_2192 = tpu.matmul %div3A_2184, %slice3A_2190, %dot_general3A_2191 {dimension_numbers = #tpu.dot_dimension_numbers<[1], [0], [0], [1], [0, 0, 1, 1], [], []>, transpose_lhs_hint = false} : vector<31x512xf32>, vector<512x64xf32>, vector<31x64xf32> -> vector<31x64xf32>
    %dot_general3A_2193 = arith.constant dense<0.000000e+00> : vector<512x64xf32>
    %dot_general3A_2194 = tpu.matmul %get3A_2154, %dot_general3A_2192, %dot_general3A_2193 {dimension_numbers = #tpu.dot_dimension_numbers<[0], [0], [1], [1], [0, 1, 1, 1], [], []>, transpose_lhs_hint = false} : vector<31x512xf32>, vector<31x64xf32>, vector<512x64xf32> -> vector<512x64xf32>
    %dot_general3A_2195 = arith.constant dense<0.000000e+00> : vector<512x1xf32>
    %dot_general3A_2196 = tpu.matmul %get3A_2154, %broadcast_in_dim3A_1277, %dot_general3A_2195 {dimension_numbers = #tpu.dot_dimension_numbers<[0], [0], [1], [1], [0, 1, 1, 1], [], []>, transpose_lhs_hint = false} : vector<31x512xf32>, vector<31x1xf32>, vector<512x1xf32> -> vector<512x1xf32>
    %slice3A_2197 = vector.extract_strided_slice %dot_general3A_1771 {offsets = [0, 448], sizes = [512, 64], strides = [1, 1]} : vector<512x512xf32> to vector<512x64xf32>
    %sub3A_2198 = arith.constant 1.000000e+00 : f32
    %sub3A_2199 = vector.broadcast %sub3A_2198 : f32 to vector<512x1xf32>
    %sub3A_2200 = arith.subf %sub3A_2199, %dot_general3A_2196 : vector<512x1xf32>
    %mul3A_2201 = vector.broadcast %sub3A_2200 : vector<512x1xf32> to vector<512x64xf32>
    %mul3A_2202 = arith.mulf %slice3A_2197, %mul3A_2201 : vector<512x64xf32>
    %add3A_2203 = arith.addf %mul3A_2202, %dot_general3A_2194 : vector<512x64xf32>
    %concatenate3A_2204 = tpu.concatenate %add3A_1825, %add3A_1879, %add3A_1933, %add3A_1987, %add3A_2041, %add3A_2095, %add3A_2149, %add3A_2203 in 1 : vector<512x64xf32>, vector<512x64xf32>, vector<512x64xf32>, vector<512x64xf32>, vector<512x64xf32>, vector<512x64xf32>, vector<512x64xf32>, vector<512x64xf32> -> vector<512x512xf32>
    %get3A_2205 = arith.constant 0 : index
    %get3A_2206 = arith.constant 0 : index
    %get3A_2207 = vector.load %arg6[%get3A_2205, %get3A_2206] : memref<512x512xf32, #tpu.memory_space<vmem>>, vector<512x512xf32>
    %dot_general3A_2208 = arith.constant dense<0.000000e+00> : vector<512x512xf32>
    %dot_general3A_2209 = tpu.matmul %concatenate3A_2204, %get3A_2207, %dot_general3A_2208 {dimension_numbers = #tpu.dot_dimension_numbers<[1], [0], [0], [1], [0, 0, 1, 1], [], []>, transpose_lhs_hint = false} : vector<512x512xf32>, vector<512x512xf32>, vector<512x512xf32> -> vector<512x512xf32>
    %get3A_2210 = arith.constant 1 : index
    %get3A_2211 = arith.constant 0 : index
    %get3A_2212 = arith.constant 0 : index
    %get3A_2213 = vector.load %arg0[%get3A_2210, %get3A_2211, %get3A_2212] : memref<2x512x512xf32, #tpu.memory_space<vmem>>, vector<1x512x512xf32>
    %get3A_2214 = vector.shape_cast %get3A_2213 : vector<1x512x512xf32> to vector<512x512xf32>
    %add3A_2215 = arith.addf %dot_general3A_2209, %get3A_2214 : vector<512x512xf32>
    %reduce_sum3A_2216 = arith.constant dense<0.000000e+00> : vector<512xf32>
    %reduce_sum3A_2217 = vector.multi_reduction <add>, %add3A_2215, %reduce_sum3A_2216 [1] : vector<512x512xf32> to vector<512xf32>
    %broadcast_in_dim3A_2218 = vector.shape_cast %reduce_sum3A_2217 : vector<512xf32> to vector<512x1xf32>
    %div3A_2219 = arith.constant 5.120000e+02 : f32
    %div3A_2220 = vector.broadcast %div3A_2219 : f32 to vector<512x1xf32>
    %div3A_2221 = arith.divf %broadcast_in_dim3A_2218, %div3A_2220 : vector<512x1xf32>
    %sub3A_2222 = vector.broadcast %div3A_2221 : vector<512x1xf32> to vector<512x512xf32>
    %sub3A_2223 = arith.subf %add3A_2215, %sub3A_2222 : vector<512x512xf32>
    %mul3A_2224 = arith.mulf %sub3A_2223, %sub3A_2223 : vector<512x512xf32>
    %reduce_sum3A_2225 = arith.constant dense<0.000000e+00> : vector<512xf32>
    %reduce_sum3A_2226 = vector.multi_reduction <add>, %mul3A_2224, %reduce_sum3A_2225 [1] : vector<512x512xf32> to vector<512xf32>
    %broadcast_in_dim3A_2227 = vector.shape_cast %reduce_sum3A_2226 : vector<512xf32> to vector<512x1xf32>
    %div3A_2228 = arith.constant 5.120000e+02 : f32
    %div3A_2229 = vector.broadcast %div3A_2228 : f32 to vector<512x1xf32>
    %div3A_2230 = arith.divf %broadcast_in_dim3A_2227, %div3A_2229 : vector<512x1xf32>
    %add3A_2231 = arith.constant 9.99999974E-6 : f32
    %add3A_2232 = vector.broadcast %add3A_2231 : f32 to vector<512x1xf32>
    %add3A_2233 = arith.addf %div3A_2230, %add3A_2232 : vector<512x1xf32>
    %sqrt3A_2234 = math.sqrt %add3A_2233 : vector<512x1xf32>
    %div3A_2235 = vector.broadcast %sqrt3A_2234 : vector<512x1xf32> to vector<512x512xf32>
    %div3A_2236 = arith.divf %sub3A_2223, %div3A_2235 : vector<512x512xf32>
    %get3A_2237 = arith.constant 0 : index
    %get3A_2238 = arith.constant 0 : index
    %get3A_2239 = vector.load %arg7[%get3A_2237, %get3A_2238] : memref<1x512xf32, #tpu.memory_space<vmem>>, vector<1x512xf32>
    %mul3A_2240 = vector.broadcast %get3A_2239 : vector<1x512xf32> to vector<512x512xf32>
    %mul3A_2241 = arith.mulf %div3A_2236, %mul3A_2240 : vector<512x512xf32>
    %get3A_2242 = arith.constant 0 : index
    %get3A_2243 = arith.constant 0 : index
    %get3A_2244 = vector.load %arg8[%get3A_2242, %get3A_2243] : memref<1x512xf32, #tpu.memory_space<vmem>>, vector<1x512xf32>
    %add3A_2245 = vector.broadcast %get3A_2244 : vector<1x512xf32> to vector<512x512xf32>
    %add3A_2246 = arith.addf %mul3A_2241, %add3A_2245 : vector<512x512xf32>
    %swap3A_2247 = arith.constant 1 : index
    %swap3A_2248 = arith.constant 0 : index
    %swap3A_2249 = arith.constant 0 : index
    %swap3A_2250 = vector.load %arg12[%swap3A_2247, %swap3A_2248, %swap3A_2249] : memref<2x512x512xf32, #tpu.memory_space<vmem>>, vector<1x512x512xf32>
    %swap3A_2251 = vector.shape_cast %swap3A_2250 : vector<1x512x512xf32> to vector<512x512xf32>
    %swap3A_2252 = vector.shape_cast %add3A_2246 : vector<512x512xf32> to vector<1x512x512xf32>
    tpu.vector_store %arg12[%swap3A_2247, %swap3A_2248, %swap3A_2249], %swap3A_2252 {strides = array<i32>} : memref<2x512x512xf32, #tpu.memory_space<vmem>>, vector<1x512x512xf32>,
    return
  }
}

</mosaic_0001>

<sc_bundles>
// kernel: scatter_offload_async_start
scs
__scs_entry_jumppad:
0x0: {  	(pc) =	sbr.rel $0x88, $3  }
0x1: {  	(tag) =	ssettag $0x0;
	lr =	simm.s32 $0x1  }
0x2: {  	[smem:$0x3F98] =	sst lr;
	_ =	strace $0xD0000000  }
0x3: {  	_ = 	snop  }
0x4: {  	_ = 	snop  }
0x5: {  	_ = 	snop  }
0x6: {  	_ = 	snop  }
0x7: {  	_ = 	snop  }
__scs_overlays_trampoline_lowered:
0x8: {  	[smem:$0x3FA7] =	sst s0  }
0x9: {  	[smem:$0x3FA8] =	sst s1  }
0xa: {  	[smem:$0x3FA9] =	sst s2  }
0xb: {  	[smem:$0x3FAA] =	sst s3  }
0xc: {  	[smem:$0x3FAB] =	sst s4  }
0xd: {  	[smem:$0x3FAC] =	sst s5  }
0xe: {  	[smem:$0x3FAD] =	sst s6  }
0xf: {  	[smem:$0x3FAE] =	sst s7  }
0x10: {  	[smem:$0x3FAF] =	sst s8  }
0x11: {  	[smem:$0x3FB0] =	sst s9;
	s0 =	simm.s32 @!p0 $0x0  }
0x12: {  	s1 =	sld [smem:$0x3F96];
	s0 =	simm.s32 @p0 $0x1  }
0x13: {  	[smem:$0x3FB1] =	sst s0;
	s0 =	simm.s32 @!p1 $0x0  }
0x14: {  	s2 =	sld [smem:$0x3F95];
	s0 =	simm.s32 @p1 $0x1  }
0x15: {  	[smem:$0x3FB2] =	sst s0;
	s0 =	simm.s32 @!p2 $0x0  }
0x16: {  	s3 =	sld [smem:$0x3FDB];
	s0 =	simm.s32 @p2 $0x1  }
0x17: {  	s4 =	simm.s32 $0x1BF5;
	[smem:$0x3FB4] =	sst s0  }
0x18: {  	s0 =	sld [smem:$0x3F97];
	_ =	swait.ge [sflag:s4], $0x0  }
0x19: {  	s7 =	sld [smem:$0x3F98]  }
0x1a: {  	s8 =	sadd.s32 $0xFFFFE003, lr  }
0x1b: {  	s9 =	sadd.s32 $0xFFFFFEF7, lr;
	s5 =	simm.s32 $0xFFFFFFFF;
	p2 =	slt.u32 s8, $0xFFFFF086  }
0x1c: {  	p1 =	slt.u32 s9, $0xF7A;
	s5 =	simm.s32 @!p2 $0x0  }
0x1d: {  	s5 =	simm.s32 @p1 $0x1;
	p0 =	seq.s32 s7, s2  }
0x1e: {  	s7 =	smul.u32 @!p0 $0xF7A, s2;
	p2 =	seq.s32 @!p0 s5, $0x0  }
0x1f: {  	s9 =	smul.u32 $0xF7A, s1;
	s8 =	simm.s32 @!p0 $0x1BF5;
	p2 =	por !p2, p0  }
0x20: {  	[sflag:s8] =	ssyncset.s32 @!p0 $0xFFFFF086;
	s6 =	sadd.s32 @!p0 s3, s7;
	s7 =	simm.s32 @!p0 $0x108  }
0x21: {  	s3 =	sadd.s32 s3, s9;
	s6 =	sadd.s32 @!p0 $0x88, s6;
	s7 =	simm.s32 @p2 $0x1082  }
0x22: {  	[simem:s7], [sflag:s8] =	dma.local @!p0 [hbm:s6], $0xF7A  }
0x23: {  	s9 =	sor.u32 $0xD0000000, s2;
	s6 =	simm.s32 $0x108;
	_ =	swait.ge @!p0 [sflag:s8], $0x0  }
0x24: {  	s3 =	sadd.s32 $0x88, s3;
	s6 =	simm.s32 @!p1 $0x1082;
	[sflag:s4] =	ssyncset.s32 $0xFFFFF086  }
0x25: {  	[simem:s6], [sflag:s4] =	dma.local [hbm:s3], $0xF7A  }
0x26: {  	[smem:$0x3F98] =	sst s1;
	(tag) =	ssettag s2;
	_ =	strace s9  }
0x27: {  	s1 =	sld [smem:$0x3FA8]  }
0x28: {  	s2 =	sld [smem:$0x3FA9]  }
0x29: {  	s4 =	sld [smem:$0x3FAB]  }
0x2a: {  	p0 =	seq.s32 s5, $0x0;
	s5 =	sld [smem:$0x3FAC]  }
0x2b: {  	s6 =	sld [smem:$0x3FAD]  }
0x2c: {  	s7 =	sld [smem:$0x3FAE]  }
0x2d: {  	s3 =	simm.s32 $0x108;
	s8 =	sld [smem:$0x3FAF]  }
0x2e: {  	s3 =	simm.s32 @!p0 $0x1082;
	s9 =	sld [smem:$0x3FB0]  }
0x2f: {  	lr =	sadd.s32 s0, s3;
	s0 =	sld [smem:$0x3FA7]  }
0x30: {  	s3 =	sld [smem:$0x3FAA]  }
0x31: {  	[smem:$0x3FB3] =	sst s10  }
0x32: {  	s10 =	sld [smem:$0x3FB1];
	_ =	sdelay $0x3  }
0x33: {  	p0 =	seq.s32 s10, $0x1;
	s10 =	sld [smem:$0x3FB3];
	_ =	sdelay $0x3  }
0x34: {  	[smem:$0x3FB3] =	sst s10  }
0x35: {  	s10 =	sld [smem:$0x3FB2];
	_ =	sdelay $0x3  }
0x36: {  	p1 =	seq.s32 s10, $0x1;
	s10 =	sld [smem:$0x3FB3];
	_ =	sdelay $0x3  }
0x37: {  	[smem:$0x3FB3] =	sst s10  }
0x38: {  	s10 =	sld [smem:$0x3FB4]  }
0x39: {  	_ = 	snop;
	(pc) =	sbr.ind lr, $3  }
0x3a: {  	_ = 	snop  }
0x3b: {  	_ = 	snop  }
0x3c: {  	p2 =	seq.s32 s10, $0x1;
	s10 =	sld [smem:$0x3FB3]  }
0x3d: {  	_ =	shalt  }
0x3e: {  	_ =	shalt  }
0x3f: {  	_ =	shalt  }
0x40: {  	_ =	shalt  }
0x41: {  	_ =	shalt  }
0x42: {  	_ =	shalt  }
0x43: {  	_ =	shalt  }
0x44: {  	_ =	shalt  }
0x45: {  	_ =	shalt  }
0x46: {  	_ =	shalt  }
0x47: {  	_ =	shalt  }
0x48: {  	_ =	shalt  }
0x49: {  	_ =	shalt  }
0x4a: {  	_ =	shalt  }
0x4b: {  	_ =	shalt  }
0x4c: {  	_ =	shalt  }
0x4d: {  	_ =	shalt  }
0x4e: {  	_ =	shalt  }
0x4f: {  	_ =	shalt  }
0x50: {  	_ =	shalt  }
0x51: {  	_ =	shalt  }
0x52: {  	_ =	shalt  }
0x53: {  	_ =	shalt  }
0x54: {  	_ =	shalt  }
0x55: {  	_ =	shalt  }
0x56: {  	_ =	shalt  }
0x57: {  	_ =	shalt  }
0x58: {  	_ =	shalt  }
0x59: {  	_ =	shalt  }
0x5a: {  	_ =	shalt  }
0x5b: {  	_ =	shalt  }
0x5c: {  	_ =	shalt  }
0x5d: {  	_ =	shalt  }
0x5e: {  	_ =	shalt  }
0x5f: {  	_ =	shalt  }
0x60: {  	_ =	shalt  }
0x61: {  	_ =	shalt  }
0x62: {  	_ =	shalt  }
0x63: {  	_ =	shalt  }
0x64: {  	_ =	shalt  }
0x65: {  	_ =	shalt  }
0x66: {  	_ =	shalt  }
0x67: {  	_ =	shalt  }
0x68: {  	_ =	shalt  }
0x69: {  	_ =	shalt  }
0x6a: {  	_ =	shalt  }
0x6b: {  	_ =	shalt  }
0x6c: {  	_ =	shalt  }
0x6d: {  	_ =	shalt  }
0x6e: {  	_ =	shalt  }
0x6f: {  	_ =	shalt  }
0x70: {  	_ =	shalt  }
0x71: {  	_ =	shalt  }
0x72: {  	_ =	shalt  }
0x73: {  	_ =	shalt  }
0x74: {  	_ =	shalt  }
0x75: {  	_ =	shalt  }
0x76: {  	_ =	shalt  }
0x77: {  	_ =	shalt  }
0x78: {  	_ =	shalt  }
0x79: {  	_ =	shalt  }
0x7a: {  	_ =	shalt  }
0x7b: {  	_ =	shalt  }
0x7c: {  	_ =	shalt  }
0x7d: {  	_ =	shalt  }
0x7e: {  	_ =	shalt  }
0x7f: {  	_ =	shalt  }
0x80: {  	_ =	shalt  }
0x81: {  	_ =	shalt  }
0x82: {  	_ =	shalt  }
0x83: {  	_ =	shalt  }
0x84: {  	_ =	shalt  }
0x85: {  	_ =	shalt  }
0x86: {  	_ =	shalt  }
0x87: {  	_ =	shalt  }
.Lfunc_end0:
.L_simem_size_0:
called_computation_lowered:
.L_overlay_start_0:
0x88: {  	s0 =	sld [smem:$0x3FD9]  }
0x89: {  	s1 =	sld [smem:$0x3FFE];
	_ =	sdelay $0x3  }
0x8a: {  	s0 =	sadd.s32 s1, s0  }
0x8b: {  	[smem:$0x3FBF] =	sst s0  }
0x8c: {  	_ = 	snop  }
0x8d: {  	s0 =	sld [smem:$0x3FD0];
	(tm) =	ssettm $0x1  }
0x8e: {  	s16 =	sld [smem:$0x3FFB];
	_ =	sdelay $0x3  }
0x8f: {  	_ =	strace s16  }
0x90: {  	s1 =	sld [smem:$0x3FFC];
	_ =	sdelay $0x3  }
0x91: {  	_ =	strace s1  }
0x92: {  	s1 =	sld [smem:$0x3FFD];
	_ =	sdelay $0x3  }
0x93: {  	_ =	strace s1  }
0x94: {  	_ =	strace $0x8FFFFFFF  }
0x95: {  	s17 =	sld [smem:$0x3FDB];
	_ =	sdelay $0x1  }
0x96: {  	s2 =	simm.s32 $_scs_section_size  }
0x97: {  	s3 =	simm.s32 $_size__tile_overlayer_lowered;
	s4 =	simm.s32 $_tile_overlayer_lowered  }
0x98: {  	s20 =	simm.s32 $0x1BFF;
	s19 =	sshll.u32 s4, $0x1;
	s1 =	sadd.s32 s2, s17  }
0x99: {  	s5 =	simm.s32 $0x0;
	s18 =	sshll.u32 s3, $0x1;
	s3 =	sadd.s32 s19, s1  }
0x9a: {  	[timem:s5], [sflag:s20] =	dma.local [hbm:s3], s18  }
0x9b: {  	_ =	swait.ge [sflag:s20], s18  }
0x9c: {  	s2 =	ssub.s32 $0x0, s18;
	[sflag:s20] =	ssyncset.done $0x0  }
0x9d: {  	[sflag:s20] =	ssyncadd.s32 s2;
	_ =	sdelay $0x1  }
0x9e: {  	s21 =	simm.s32 $0x1B8B  }
0x9f: {  	_ =	swait.ge [sflag:s21], $0x1  }
0xa0: {  	[sflag:s21] =	ssyncset.done $0x0  }
0xa1: {  	s23 =	simm.s32 $0x1B8E;
	s22 =	sld [smem:$0x3FFE];
	[sflag:s21] =	ssyncadd.s32 $0xFFFFFFFF  }
0xa2: {  	s24 =	simm.s32 $execute0_lowered;
	[smem:$0x3FD2] =	sst s23  }
0xa3: {  	s3 =	sshll.u32 s24, $0x1;
	_ =	strace $0x80000046;
	[dreg:$0x1] =	wrdreg $0xFFFFFFFF  }
0xa4: {  	s25 =	simm.s32 $_size_execute0_lowered;
	s1 =	sadd.s32 s1, s3;
	[dreg:$0x0] =	wrdreg $0x0  }
0xa5: {  	s3 =	sshll.u32 s25, $0x1;
	[dreg:$0x2] =	wrdreg s1  }
0xa6: {  	[dreg:$0x3] =	wrdreg s3  }
0xa7: {  	[dreg:$0x4] =	wrdreg $0xC0  }
0xa8: {  	_ =	task [dreg:s5], $0x5FFFF  }
0xa9: {  	[dreg:$0x1] =	wrdreg $0xFFFFFFFF  }
0xaa: {  	[dreg:$0x0] =	wrdreg $0x60  }
0xab: {  	[dreg:$0x2] =	wrdreg s0  }
0xac: {  	[dreg:$0x3] =	wrdreg s22  }
0xad: {  	[dreg:$0x4] =	wrdreg $0x9  }
0xae: {  	_ =	task.clear_ibuf [dreg:s5], $0x5FFFF;
	_ =	strace $0x90000046  }
0xaf: {  	s26 =	simm.s32 $0x9;
	_ =	strace $0x80000048  }
0xb0: {  	_ =	swait.ge [sflag:s26], $0x1  }
0xb1: {  	[sflag:s26] =	ssyncadd.s32 $0xFFFFFFFF  }
0xb2: {  	_ =	strace $0x90000048  }
0xb3: {  	_ =	sfence  }
0xb4: {  	s28 =	sld [smem:$0x0];
	_ =	sdelay $0x1  }
0xb5: {  	s29 =	srdreg.scid  }
0xb6: {  	s30 =	sshll.u32 s29, $0xD;
	s31 =	sshrl.u32 s29, $0x2  }
0xb7: {  	s2 =	sand.u32 $0x4000, s30;
	s1 =	sand.u32 $0x1, s29;
	s0 =	sadd.s32 s31, s28  }
0xb8: {  	s1 =	sor.u32 s2, s1;
	s0 =	sshll.u32 s0, $0x11  }
0xb9: {  	s0 =	sor.u32 s0, s1  }
0xba: {  	s0 =	sadd.s32 $0x8F2B, s0  }
0xbb: {  	[sflag:s0] =	ssyncadd.remote.s32 $0x1  }
0xbc: {  	_ =	sfence.sel $0xFFFF  }
0xbd: {  	[dreg:$0x0] =	wrdreg $0xFFFFFFFF;
	(pc) =	sbr.abs _section_cstart, $3  }
0xbe: {  	[dreg:$0x1] =	wrdreg $0xFFFFFFFF  }
0xbf: {  	_ =	task.clear_ibuf [dreg:s5], $0x2FFFF;
	_ =	strace $0x9FFFFFFF  }
0xc0: {  	(tm) =	ssettm $0x7FFFFFFF  }
0xc1: {  	_ =	shalt  }
tec
execute0_lowered:
.L_overlay_start_1:
0x0: {  	(tag) =	ssettag $0x1  }
0x1: {  	s1 =	rddreg [dreg:$0x0]  }
0x2: {  	s0 =	rddreg [dreg:$0x1];
	_ =	strace $0x80000047;
	s3 =	simm.s32 $0x1  }
0x3: {  	v1 =	vimm.s32 $0xFFFFFFFF;
	[sflag:s3] =	ssyncpa.u1 $0x0  }
0x4: {  	[tilespmem:$0x10] =	vst v1  }
0x5: {  	v0 =	vimm.f32 $0.0e+00;
	[tilespmem:$0x20] =	vst v1  }
0x6: {  	[tilespmem:$0x30] =	vst v0  }
0x7: {  	s2 =	simm.s32 $0x2;
	s26 =	stileid.u32;
	[tilespmem:$0x40] =	vst v0  }
0x8: {  	s5 =	simm.s32 $0x7;
	s7 =	simm.s32 $0x8;
	s31 =	simm.s32 $0x9;
	[tilespmem:$0x50] =	vst v0  }
0x9: {  	s14 =	simm.s32 $0x0;
	s15 =	simm.s32 $0x100;
	s18 =	simm.s32 $0x10;
	[tilespmem:$0x60] =	vst v1  }
0xa: {  	s19 =	simm.s32 $0x23E0;
	s20 =	simm.s32 $0xF;
	s21 =	simm.s32 $0x50;
	[tilespmem:$0x70] =	vst v1  }
0xb: {  	s22 =	simm.s32 $0x107F;
	s23 =	simm.s32 $0x20;
	s24 =	simm.s32 $0x30;
	[tilespmem:$0x80] =	vst v1  }
0xc: {  	s25 =	simm.s32 $0x1FFF;
	s30 =	simm.s32 $0x0;
	s6 =	smul.u32 $0x3E0, s26;
	v1 =	vimm.s32 $0x0;
	[tilespmem:$0xB0] =	vst v0  }
.Ltmp0:
0xd: {  	s29 =	simm.s32 $0x0;
	s4 =	sadd.s32 $0x400, s0;
	[tilespmem:$0x90] =	vst v1;
	(pc) =	sbr.rel .LBB2_1-.Ltmp0, $4  }
0xe: {  	s8 =	sadd.s32 $0xC00, s0;
	s10 =	sshll.u32 s26, $0x1;
	[tilespmem:$0xA0] =	vst v1;
	[sflag:s2] =	ssyncpa.u1 $0x0  }
0xf: {  	s12 =	sshllo.u32 s26, $0x1;
	s26 =	simm.s32 $0x80;
	[sflag:s5] =	ssyncpa.u1 $0x0  }
0x10: {  	vm0 =	vmmov $0xffff;
	v2 =	vlaneseq.u32;
	s11 =	sor.u32 $0x81, s10;
	s13 =	sor.u32 $0x80, s10;
	[sflag:s7] =	ssyncpa.u1 $0x0  }
0x11: {  	vm1 =	vmxor vm1, vm1;
	vm2 =	vmmov $0x1;
	vm3 =	vcmask $0x3F3C;
	s9 =	sadd.s32 $0x3E0, s6;
	s28 =	smov.u32 s6;
	[sflag:s31] =	ssyncpa.u1 $0x0  }
.LBB2_3:
0x12: {  	s0 =	sshrl.u32 s28, $0x3  }
0x13: {  	s2 =	sand.u32 $0x7, s28;
	s0 =	sadd.s32 s4, s0  }
0x14: {  	[tilespmem:s15], [sflag:$0x7] =	stream.linear.gather [hbm4b:s0+s2], $0x3E0, $0x38;
	[tilespmem:$0x2400] =	vst v63  }
.LBB2_4:
0x15: {  	s0 =	sadd.s32 $0x3E0, s28  }
0x16: {  	s2 =	smov.u32 s6;
	s29 =	sadd.s32 $0x1, s29;
	p0 =	slt.s32 s0, s9  }
0x17: {  	s2 =	smov.u32 @p0 s0;
	p0 =	sne.s32 s29, $0x4  }
.Ltmp1:
0x18: {  	_ = 	snop;
	(pc) =	sbr.rel @!p0 .LBB2_13-.Ltmp1, $2  }
0x19: {  	_ =	sdelay $0x2  }
0x1a: {  	s30 =	smov.u32 s28;
	s28 =	smov.u32 s2  }
.LBB2_1:
0x1b: {  	p0 =	sgt.s32 s29, $0x1  }
.Ltmp2:
0x1c: {  	_ = 	snop;
	(pc) =	sbr.rel @p0 .LBB2_11-.Ltmp2, $1  }
0x1d: {  	_ =	sdelay $0x3  }
0x1e: {  	p0 =	seq.s32 s29, $0x0  }
.Ltmp3:
0x1f: {  	_ = 	snop;
	(pc) =	sbr.rel @p0 .LBB2_3-.Ltmp3, $1  }
0x20: {  	_ =	sdelay $0x3  }
0x21: {  	_ =	swait.ge [sflag:s5], $0x3E0  }
0x22: {  	[sflag:s5] =	ssyncset.done $0x0  }
0x23: {  	[sflag:s5] =	ssyncadd.s32 $0xFFFFFC20;
	(ifvalue) =	ssetifvalue $0xFFFFFFFF;
	v3 =	vld.msk [tilespmem:s15+$0x0 ss:$0x1], $0xffff;
	_ =	sdelay $0x4  }
0x24: {  	v4 =	vperm.xlane v3, v1  }
0x25: {  	vm4 =	vlt.u32 v3, $0x40000  }
0x26: {  	v3 =	vnsel vm4, $0xFFFFFFFE, v3;
	vm4 =	vlt.u32 v4, $0x40000  }
0x27: {  	[tilespmem:$0x70] =	vst v3;
	v3 =	vnsel vm4, $0xFFFFFFFE, v4  }
0x28: {  	s17 =	simm.s32 $0x4D0;
	[tilespmem:$0x80] =	vst v3  }
0x29: {  	v3 =	vld.msk [tilespmem:s17+$0x0 ss:$0x1], $0xffff;
	_ =	sdelay $0x4  }
0x2a: {  	(xrf1) =	vunique.msk.u32 $0xffff, v3;
	_ =	sdelay $0xd  }
0x2b: {  	v4 =	vimm.s32 $0xFFFFFFFF;
	v5, _, _ =	vpop (xrf1)  }
0x2c: {  	vm5 =	vne.s32 v3, v4;
	vm4 =	veq.s32 v5, v2  }
0x2d: {  	vm6 =	vlt.u32 v3, $0x40000;
	vm4 =	vmand vm5, vm4  }
0x2e: {  	vm4 =	vmand vm6, vm4  }
0x2f: {  	v4 =	vnsel vm4, $0xFFFFFFFF, v3;
	_ =	sdelay $0x3  }
0x30: {  	s0 =	simm.s32 $0x1070;
	(ifvalue) =	ssetifvalue $0xFFFFFFFF  }
0x31: {  	v3 =	vperm.xlane v3, v1;
	[tilespmem:s0], [sflag:$0x8] =	stream.indirect_vreg.gather [hbm4b:s1+s14], $0x1, v4, vm0, $0x4038;
	v4 =	vnsel vm6, $0xFFFFFFFE, v4;
	[tilespmem:$0x2400] =	vst v63  }
0x32: {  	s2 =	simm.s32 $0x0;
	s16 =	simm.s32 $0x4C0;
	[tilespmem:s17+$0x0] =	vst v4  }
.LBB2_6:
0x33: {  	v4 =	vld.msk [tilespmem:s16+$0x0 ss:$0x1], $0xffff;
	s2 =	sadd.s32 $0x10, s2;
	v5 =	vmov v3;
	s17 =	smov.u32 s16  }
0x34: {  	p0 =	slt.u32 s2, $0x3D0;
	_ =	sdelay $0x4  }
0x35: {  	v3 =	vperm.xlane v4, v1;
	(xrf1) =	vunique.msk.u32 $0xffff, v4;
	_ =	sdelay $0xd  }
0x36: {  	v6, _, _ =	vpop (xrf1)  }
0x37: {  	vm5 =	vne.s32 v4, v5;
	vm4 =	veq.s32 v6, v2  }
0x38: {  	vm6 =	vlt.u32 v4, $0x40000;
	vm4 =	vmand vm5, vm4  }
0x39: {  	vm4 =	vmand vm6, vm4  }
0x3a: {  	v4 =	vnsel vm4, $0xFFFFFFFF, v4  }
.Ltmp4:
0x3b: {  	v5 =	vnsel vm6, $0xFFFFFFFE, v4;
	(pc) =	sbr.rel @p0 .LBB2_6-.Ltmp4, $3  }
0x3c: {  	_ =	sdelay $0x1  }
0x3d: {  	s16 =	sadd.s32 $0xFFFFFFF0, s16;
	s0 =	sadd.s32 $0xFFFFFFF0, s0;
	(ifvalue) =	ssetifvalue $0xFFFFFFFF  }
0x3e: {  	[tilespmem:s0], [sflag:$0x8] =	stream.indirect_vreg.gather [hbm4b:s1+s14], $0x1, v4, vm0, $0x4038;
	[tilespmem:s17+$0x0] =	vst v5  }
.Ltmp5:
0x3f: {  	(pc) =	sbr.rel .LBB2_4-.Ltmp5, $4  }
0x40: {  	_ = 	snop  }
0x41: {  	s0 =	sshrl.u32 s30, $0x3  }
0x42: {  	s2 =	simm.s32 $0x1460;
	s0 =	sadd.s32 s8, s0  }
0x43: {  	[tilespmem:s2], [sflag:$0x8] =	stream.linear.gather [hbm:s0], $0x3E0, $0x38;
	[tilespmem:$0x2400] =	vst v63  }
.LBB2_11:
0x44: {  	p0 =	seq.s32 s29, $0x2  }
.Ltmp6:
0x45: {  	_ = 	snop;
	(pc) =	sbr.rel @!p0 .LBB2_12-.Ltmp6, $1  }
0x46: {  	_ =	sdelay $0x3  }
0x47: {  	_ =	swait.ge [sflag:s7], $0x7C0  }
0x48: {  	[sflag:s7] =	ssyncset.done $0x0  }
0x49: {  	s0 =	simm.s32 $0x4DF;
	[sflag:s7] =	ssyncadd.s32 $0xFFFFF840  }
0x4a: {  	[spmem:s11] =	stream.linear.scatter [tilespmem:s0], [sflag:$0x1], $0x1, $0x38;
	[tilespmem:$0x2400] =	vst v63  }
0x4b: {  	_ =	swait.ge [sflag:s3], $0x1  }
0x4c: {  	[sflag:s3] =	ssyncset.done $0x0  }
0x4d: {  	[sflag:s3] =	ssyncadd.s32 $0xFFFFFFFF  }
0x4e: {  	v4 =	vld [tilespmem:$0x10]  }
0x4f: {  	v5 =	vld [tilespmem:$0x70]  }
0x50: {  	v3 =	vld [tilespmem:$0x80];
	_ =	sdelay $0x2  }
0x51: {  	(v2sf) =	vpush v4, $0x0  }
0x52: {  	(v2sf) =	vpush v5, $0x0  }
0x53: {  	(v2sf) =	vpush v3, $0x0;
	_ =	sdelay $0xc  }
0x54: {  	s16 =	spop (v2sf)  }
0x55: {  	s2 =	spop (v2sf)  }
0x56: {  	s30 =	spop (v2sf)  }
0x57: {  	p0 =	seq.s32 s16, s2;
	p1 =	seq.s32 s30, s16  }
0x58: {  	p1 =	por p0, p1  }
0x59: {  	v4 =	vpsel p1, $0xFFFFFFFF, v4  }
0x5a: {  	[tilespmem:s18+$0x0] =	vst.msk $0x1, v4  }
0x5b: {  	v4 =	vld [tilespmem:$0x30]  }
0x5c: {  	v5 =	vld [tilespmem:$0x1460]  }
0x5d: {  	v6 =	vld [tilespmem:$0x40];
	_ =	sdelay $0x3  }
0x5e: {  	vm4 =	vmmov vm1;
	v5 =	vadd.f32 v5, v4  }
0x5f: {  	vm5 =	vmmov vm2;
	s31 =	simm.s32 $0x1460;
	vm4 =	vmmov @p0 vm2;
	v4 =	vadd.f32 v6, v4  }
0x60: {  	vm5 =	vmmov @p1 vm1;
	[tilespmem:s31+$0x0] =	vst.msk vm4, v5  }
0x61: {  	[tilespmem:s19+$0x0] =	vst.msk vm5, v4  }
0x62: {  	v4 =	vld [tilespmem:$0x1070];
	_ =	sdelay $0x3  }
0x63: {  	v5 =	vimm.f32 $0.0e+00  }
0x64: {  	v4 =	vshift.insert v4, v5, s20;
	_ =	sdelay $0x1  }
0x65: {  	[tilespmem:s21+$0x0] =	vst.msk $0x1, v4  }
0x66: {  	[tilespmem:s22+$0x0] =	vst.msk $0x1, v5  }
0x67: {  	v4 =	vld [tilespmem:$0x4D0];
	_ =	sdelay $0x4  }
0x68: {  	v4 =	vshift.insert v4, v1, s20;
	_ =	sdelay $0x1  }
0x69: {  	[tilespmem:s23+$0x0] =	vst.msk $0x1, v4  }
0x6a: {  	s17 =	simm.s32 $0x100;
	v6 =	vld [tilespmem:s31+$0x0]  }
0x6b: {  	v7 =	vld [tilespmem:s17+$0x0];
	_ =	sdelay $0x3  }
0x6c: {  	v5 =	vadd.f32 v6, v5  }
0x6d: {  	vm4 =	vne.s32 v7, $0xFFFFFFFF  }
0x6e: {  	(xrf2) =	vadd.seg.scan.f32 vm4, v5;
	_ =	sdelay $0x3  }
0x6f: {  	s0 =	simm.s32 $0xCA0;
	v5 =	vperm.xlane v4, v1  }
0x70: {  	v6 =	vld [tilespmem:s0+$0x0]  }
0x71: {  	vm5 =	veq.s32 v7, v3;
	vm6 =	veq.s32 v7, v5  }
0x72: {  	vm7 =	vgt.u32 v7, $0xFFFFFFFD;
	vm6 =	vmor vm6, vm5  }
0x73: {  	vm6 =	vmor vm6, vm7  }
0x74: {  	v9 =	vld [tilespmem:$0xA0];
	v7 =	vsel vm6, $0xFFFFFFFF, v7  }
0x75: {  	v10 =	vld [tilespmem:$0x90];
	v6 =	vsel vm5, $0x0, v6;
	v8, _, _ =	vpop (xrf2)  }
0x76: {  	v6 =	vadd.f32 v8, v6  }
0x77: {  	s2 =	simm.s32 $0x1C20  }
0x78: {  	vm4 =	vmand vm4, vm3;
	[tilespmem:s2+$0x0] =	vst v6;
	(ifvalue) =	ssetifvalue $0xFFFFFFFF  }
0x79: {  	vm6 =	veq.s32 v9, $0x1;
	[hbm4b:s1+s14] =	stream.indirect_vreg.scatter [tilespmem:s2], [sflag:$0x2], $0x1, v7, vm0, $0x4038;
	v7 =	vsel vm4, $0x0, v8;
	[tilespmem:$0x2400] =	vst v63  }
0x7a: {  	s16 =	simm.s32 $0x0;
	s17 =	simm.s32 $0x110;
	vm4 =	vmor vm6, vm5;
	v6 =	vsel vm5, v8, v10;
	v7 =	vshift.insert v7, v0, s20  }
.LBB2_9:
0x7b: {  	v8 =	vld [tilespmem:s17+$0x0];
	s31 =	sadd.s32 $0x10, s31  }
0x7c: {  	s0 =	sadd.s32 $0x10, s0;
	v9 =	vld [tilespmem:s31+$0x0]  }
0x7d: {  	s16 =	sadd.s32 $0x10, s16;
	v10 =	vld [tilespmem:s0+$0x0]  }
0x7e: {  	p0 =	slt.u32 s16, $0x3D0;
	_ =	sdelay $0x2  }
0x7f: {  	v7 =	vadd.f32 v9, v7  }
0x80: {  	vm5 =	vne.s32 v8, $0xFFFFFFFF  }
0x81: {  	vm6 =	vmand vm5, vm3;
	(xrf2) =	vadd.seg.scan.f32 vm5, v7;
	_ =	sdelay $0x5  }
0x82: {  	vm7 =	veq.s32 v8, v5;
	vm5 =	veq.s32 v8, v3  }
0x83: {  	vm8 =	vgt.u32 v8, $0xFFFFFFFD;
	vm4 =	vmor vm4, vm5;
	vm7 =	vmor vm7, vm5  }
0x84: {  	vm7 =	vmor vm7, vm8  }
0x85: {  	v8 =	vsel vm7, $0xFFFFFFFF, v8  }
.Ltmp7:
0x86: {  	v7 =	vsel vm5, $0x0, v10;
	v9, _, _ =	vpop (xrf2);
	(pc) =	sbr.rel @p0 .LBB2_9-.Ltmp7, $4  }
0x87: {  	v6 =	vsel vm5, v9, v6;
	v10 =	vadd.f32 v9, v7;
	v7 =	vsel vm6, $0x0, v9  }
0x88: {  	s2 =	sadd.s32 $0x10, s2;
	v7 =	vshift.insert v7, v0, s20  }
0x89: {  	s17 =	sadd.s32 $0x10, s17;
	[tilespmem:s2+$0x0] =	vst v10;
	(ifvalue) =	ssetifvalue $0xFFFFFFFF  }
0x8a: {  	[hbm4b:s1+s14] =	stream.indirect_vreg.scatter [tilespmem:s2], [sflag:$0x2], $0x1, v8, vm0, $0x4038;
	[tilespmem:$0x2400] =	vst v63  }
0x8b: {  	v3 =	vld [tilespmem:$0x1FF0];
	_ =	sdelay $0x4  }
0x8c: {  	v3 =	vshift.insert v3, v0, s20;
	_ =	sdelay $0x1  }
0x8d: {  	[tilespmem:s24+$0x0] =	vst.msk $0x1, v3  }
0x8e: {  	v3 =	vsel vm4, $0x1, v1;
	[tilespmem:$0x90] =	vst v6  }
0x8f: {  	[tilespmem:$0xA0] =	vst v3  }
0x90: {  	[spmem:s12] =	stream.linear.scatter [tilespmem:s25], [sflag:$0x1], $0x1, $0x38;
	[tilespmem:$0x2400] =	vst v63  }
0x91: {  	v3 =	vmctz.xlane vm4;
	_ =	swait.ge [sflag:s3], $0x1  }
0x92: {  	(v2sf) =	vpush v4, $0x0  }
0x93: {  	(v2sf) =	vpush v3, $0x0;
	_ =	sdelay $0xd  }
0x94: {  	s0 =	spop (v2sf)  }
0x95: {  	s2 =	spop (v2sf)  }
0x96: {  	[sflag:s3] =	ssyncset.done $0x0;
	p0 =	sne.s32 s30, s0;
	p1 =	slt.s32 s2, $0xF  }
0x97: {  	[sflag:s3] =	ssyncadd.s32 $0xFFFFFFFF;
	v3 =	vimm.s32 @!p0 $0xFFFFFFFF;
	s2 =	simm.s32 @!p1 $0xF  }
0x98: {  	[tilespmem:$0x80] =	vst @!p0 v3;
	s31 =	sadd.s32 $0x90, s2  }
0x99: {  	[spmem:s10] =	stream.linear.scatter [tilespmem:s31], [sflag:$0x1], $0x1, $0x38;
	[tilespmem:$0x2400] =	vst v63  }
0x9a: {  	_ =	swait.ge [sflag:s3], $0x1  }
0x9b: {  	[sflag:s3] =	ssyncset.done $0x0  }
0x9c: {  	[sflag:s3] =	ssyncadd.s32 $0xFFFFFFFF  }
0x9d: {  	[spmem:s13] =	stream.linear.scatter [tilespmem:s26], [sflag:$0x1], $0x1, $0x38;
	[tilespmem:$0x2400] =	vst v63  }
0x9e: {  	_ =	swait.ge [sflag:s3], $0x1  }
0x9f: {  	[sflag:s3] =	ssyncset.done $0x0  }
0xa0: {  	[sflag:s3] =	ssyncadd.s32 $0xFFFFFFFF;
	(ifvalue) =	ssetifvalue $0xFFFFFFFF;
	v3 =	vld [tilespmem:$0x10];
	_ =	sdelay $0x3  }
.Ltmp8:
0xa1: {  	_ = 	snop;
	(pc) =	sbr.rel .LBB2_4-.Ltmp8, $3  }
0xa2: {  	_ =	sdelay $0x1  }
0xa3: {  	(ifvalue) =	ssetifvalue $0xFFFFFFFF  }
0xa4: {  	[hbm4b:s1+s14] =	stream.indirect_vreg.scatter [tilespmem:s19], [sflag:$0x9], $0x1, v3, vm0, $0x4038;
	[tilespmem:$0x2400] =	vst v63  }
.LBB2_12:
0xa5: {  	s0 =	simm.s32 $0x2  }
0xa6: {  	_ =	swait.ge [sflag:s0], $0x3E0  }
0xa7: {  	[sflag:s0] =	ssyncset.done $0x0  }
0xa8: {  	s31 =	simm.s32 $0x9;
	[sflag:s0] =	ssyncadd.s32 $0xFFFFFC20  }
0xa9: {  	_ =	swait.ge [sflag:s31], $0x10  }
0xaa: {  	[sflag:s31] =	ssyncset.done $0x0  }
0xab: {  	[sflag:s31] =	ssyncadd.s32 $0xFFFFFFF0  }
.LBB2_13:
0xac: {  	_ =	sfence.sel $0x180000  }
0xad: {  	s0 =	simm.s32 $0x7;
	[bflag:$0x0] =	sbarrier.arrive $0xFFFF  }
0xae: {  	s26 =	simm.s32 $0x8;
	[sflag:s0] =	ssyncpa.u1 $0x1  }
0xaf: {  	s28 =	simm.s32 $0x9;
	[sflag:s26] =	ssyncpa.u1 $0x1  }
0xb0: {  	[sflag:s28] =	ssyncpa.u1 $0x1  }
0xb1: {  	_ =	sfence.stream.spmem  }
0xb2: {  	s29 =	simm.s32 $0x3;
	[bflag:$0x0] =	sbarrier.arrive $0xFFFF  }
0xb3: {  	s30 =	simm.s32 $0x4;
	[sflag:s29] =	ssyncpa.u1 $0x1  }
0xb4: {  	s31 =	simm.s32 $0x3C;
	s2 =	stileid.u32;
	[sflag:s30] =	ssyncpa.u1 $0x1  }
0xb5: {  	p0 =	sne.s32 s2, $0x0;
	[sflag:s31] =	ssyncpa.u1 $0x1  }
0xb6: {  	s0 =	simm.s32 @p0 $0x1;
	_ =	sfence @p0  }
0xb7: {  	[sflag:s0] =	ssyncpa.u1 @p0 $0x1;
	s0 =	simm.s32 @p0 $0x2  }
0xb8: {  	[sflag:s0] =	ssyncpa.u1 @p0 $0x1  }
0xb9: {  	_ =	strace @p0 $0x90000047  }
0xba: {  	[bflag:$0x2] =	sbarrier.arrive @p0 $0xFFFF  }
0xbb: {  	_ =	shalt @p0  }
.LBB2_14:
0xbc: {  	_ =	sfence.stream.spmem;
	s0 =	simm.s32 $0x5  }
0xbd: {  	s2 =	simm.s32 $0x80;
	s3 =	simm.s32 $0xC0;
	[sflag:s0] =	ssyncpa.u1 $0x0  }
0xbe: {  	[tilespmem:s3], [sflag:$0x5] =	stream.linear.gather [spmem:s2], $0x20, $0x38;
	[tilespmem:$0x2400] =	vst v63  }
0xbf: {  	s2 =	simm.s32 $0x0;
	s3 =	simm.s32 $0xE0  }
0xc0: {  	[tilespmem:s3], [sflag:$0x5] =	stream.linear.gather [spmem:s2], $0x20, $0x38;
	[tilespmem:$0x2400] =	vst v63  }
.Ltmp9:
0xc1: {  	_ = 	snop;
	(pc) =	sbr.rel .LBB2_15-.Ltmp9, $4  }
0xc2: {  	_ =	swait.ge [sflag:s0], $0x40  }
0xc3: {  	[sflag:s0] =	ssyncset.done $0x0  }
0xc4: {  	s31 =	simm.s32 $0x6;
	[sflag:s0] =	ssyncadd.s32 $0xFFFFFFC0  }
0xc5: {  	s4 =	simm.s32 $0x0;
	[sflag:s31] =	ssyncpa.u1 $0x0  }
.LBB2_20:
0xc6: {  	p0 =	sgt.u32 s0, $0x3FFFF  }
0xc7: {  	s5 =	sshrl.u32 @!p0 s0, $0x3  }
0xc8: {  	s0 =	sand.u32 @!p0 $0x7, s0;
	s6 =	simm.s32 @!p0 $0xB0;
	s5 =	sadd.s32 @!p0 s1, s5  }
0xc9: {  	[tilespmem:s6], [sflag:$0x6] =	stream.linear.gather @!p0 [hbm4b:s5+s0], $0x1, $0x38;
	[tilespmem:$0x2400] =	vst v63  }
0xca: {  	s0 =	simm.s32 @!p0 $0x6  }
0xcb: {  	_ =	swait.ge @!p0 [sflag:s0], $0x1  }
0xcc: {  	[sflag:s0] =	ssyncset.done @!p0 $0x0  }
0xcd: {  	[sflag:s0] =	ssyncadd.s32 @!p0 $0xFFFFFFFF  }
0xce: {  	v2 =	vmov @!p0 s4;
	v1 =	vld.msk @!p0 [tilespmem:$0xB0], $0x1;
	_ =	sdelay $0x3  }
0xcf: {  	s0 =	simm.s32 @!p0 $0xE0  }
0xd0: {  	[tilespmem:v2+s0+$0x0], v1 =	vst.idx.ret.add.f32.msk @!p0 $0x1, v1  }
0xd1: {  	[tilespmem:s2+$0xC0] =	vst.msk $0x1, v0  }
0xd2: {  	v0 =	vld.msk [tilespmem:s4+$0xE0], $0x1;
	_ =	sdelay $0x4  }
0xd3: {  	[tilespmem:s2+$0xE0] =	vst.msk $0x1, v0;
	s2 =	sadd.s32 $0x1, s2  }
.LBB2_22:
0xd4: {  	s4 =	sadd.s32 $0x1, s4  }
0xd5: {  	p0 =	sne.s32 s4, $0x20  }
.Ltmp10:
0xd6: {  	_ = 	snop;
	(pc) =	sbr.rel @!p0 .LBB2_23-.Ltmp10, $1  }
0xd7: {  	_ =	sdelay $0x3  }
.LBB2_15:
0xd8: {  	v0 =	vld.msk [tilespmem:s4+$0xC0], $0x1;
	_ =	sdelay $0x4  }
0xd9: {  	(v2sf) =	vpush v0, $0x0;
	_ =	sdelay $0xe  }
0xda: {  	s0 =	spop (v2sf)  }
0xdb: {  	p0 =	seq.s32 s0, $0xFFFFFFFF  }
.Ltmp11:
0xdc: {  	_ = 	snop;
	(pc) =	sbr.rel @p0 .LBB2_22-.Ltmp11, $1  }
0xdd: {  	_ =	sdelay $0x3  }
0xde: {  	p0 =	slt.s32 s2, $0x1  }
.Ltmp12:
0xdf: {  	_ = 	snop;
	(pc) =	sbr.rel @p0 .LBB2_20-.Ltmp12, $1  }
0xe0: {  	_ =	sdelay $0x3  }
0xe1: {  	s5 =	simm.s32 $0xC0;
	p0 =	por $0x0, $0x0  }
0xe2: {  	v1 =	vld.msk @!p0 [tilespmem:s5+$0x0], $0x1;
	_ =	sdelay $0x4  }
0xe3: {  	(v2sf) =	vpush @!p0 v1, $0x0;
	_ =	sdelay $0xd  }
0xe4: {  	p2 =	sne.s32 s2, $0x1  }
.Ltmp13:
0xe5: {  	s6 =	spop @!p0 (v2sf);
	(pc) =	sbr.rel @!p2 .LBB2_19-.Ltmp13, $4  }
0xe6: {  	p1 =	seq.s32 @!p0 s0, s6  }
0xe7: {  	s6 =	simm.s32 $0x0;
	p1 =	por !p1, p0  }
0xe8: {  	s8 =	simm.s32 $0xFFFFFFFF;
	s6 =	simm.s32 @p1 $0xFFFFFFFF  }
0xe9: {  	s7 =	simm.s32 $0x1;
	s6 =	smov.u32 @p0 s8  }
.LBB2_18:
0xea: {  	s8 =	smov.u32 s6;
	p0 =	sne.s32 s6, $0xFFFFFFFF  }
0xeb: {  	s5 =	sadd.s32 $0x1, s5;
	s6 =	smov.u32 s7;
	s7 =	sadd.s32 $0x1, s7  }
0xec: {  	p1 =	sne.s32 s2, s7;
	v1 =	vld.msk @!p0 [tilespmem:s5+$0x0], $0x1;
	_ =	sdelay $0x4  }
0xed: {  	(v2sf) =	vpush @!p0 v1, $0x0;
	_ =	sdelay $0xe  }
.Ltmp14:
0xee: {  	s9 =	spop @!p0 (v2sf);
	(pc) =	sbr.rel @p1 .LBB2_18-.Ltmp14, $4  }
0xef: {  	p2 =	seq.s32 @!p0 s0, s9  }
0xf0: {  	p2 =	por !p2, p0  }
0xf1: {  	s6 =	simm.s32 @p2 $0xFFFFFFFF  }
0xf2: {  	s6 =	smov.u32 @p0 s8  }
.LBB2_19:
0xf3: {  	p0 =	sne.s32 s6, $0xFFFFFFFF  }
.Ltmp15:
0xf4: {  	_ = 	snop;
	(pc) =	sbr.rel @!p0 .LBB2_20-.Ltmp15, $1  }
0xf5: {  	_ =	sdelay $0x3  }
0xf6: {  	v0 =	vld.msk [tilespmem:s4+$0xE0], $0x1;
	v1 =	vmov s6  }
.Ltmp16:
0xf7: {  	_ = 	snop;
	(pc) =	sbr.rel .LBB2_22-.Ltmp16, $2  }
0xf8: {  	_ =	sdelay $0x2  }
0xf9: {  	[tilespmem:v1+s3+$0x0], v0 =	vst.idx.ret.add.f32.msk $0x1, v0  }
.LBB2_23:
0xfa: {  	p0 =	slt.s32 s2, $0x1  }
.Ltmp17:
0xfb: {  	_ = 	snop;
	(pc) =	sbr.rel @p0 .LBB2_27-.Ltmp17, $3  }
0xfc: {  	_ =	sdelay $0x1  }
0xfd: {  	s0 =	simm.s32 $0x6  }
0xfe: {  	[sflag:s0] =	ssyncpa.u1 $0x1;
	s0 =	simm.s32 $0x0  }
0xff: {  	s3 =	simm.s32 $0xC0  }
0x100: {  	v0 =	vld.msk [tilespmem:s3+$0x0], $0x1;
	_ =	sdelay $0x4  }
0x101: {  	(v2sf) =	vpush v0, $0x0;
	_ =	sdelay $0xe  }
0x102: {  	s2 =	sadd.s32 $0xFFFFFFFF, s2;
	s4 =	spop (v2sf)  }
0x103: {  	p1 =	sne.s32 s2, $0x0;
	p0 =	sgt.u32 s4, $0x3FFFF  }
.Ltmp18:
0x104: {  	s5 =	sshrl.u32 @!p0 s4, $0x3;
	(pc) =	sbr.rel @!p1 .LBB2_26-.Ltmp18, $4  }
0x105: {  	s3 =	simm.s32 $0xE0;
	s4 =	sand.u32 @!p0 $0x7, s4;
	s5 =	sadd.s32 @!p0 s1, s5  }
0x106: {  	[hbm4b:s5+s4] =	stream.linear.scatter @!p0 [tilespmem:s3], [sflag:$0x5], $0x1, $0x38;
	[tilespmem:$0x2400] =	vst v63  }
0x107: {  	s5 =	simm.s32 $0x0  }
0x108: {  	s4 =	simm.s32 $0xC1;
	s5 =	simm.s32 @!p0 $0x4  }
.LBB2_25:
0x109: {  	v0 =	vld.msk [tilespmem:s4+$0x0], $0x1;
	s2 =	sadd.s32 $0xFFFFFFFF, s2;
	s0 =	sadd.s32 s0, s5  }
0x10a: {  	p0 =	sne.s32 s2, $0x0;
	_ =	sdelay $0x3  }
0x10b: {  	(v2sf) =	vpush v0, $0x0;
	_ =	sdelay $0xe  }
.Ltmp19:
0x10c: {  	s6 =	spop (v2sf);
	(pc) =	sbr.rel @p0 .LBB2_25-.Ltmp19, $4  }
0x10d: {  	s5 =	simm.s32 $0x0;
	p1 =	sgt.u32 s6, $0x3FFFF  }
0x10e: {  	s3 =	sadd.s32 $0x1, s3;
	s5 =	simm.s32 @!p1 $0x4;
	s7 =	sshrl.u32 @!p1 s6, $0x3  }
0x10f: {  	s4 =	sadd.s32 $0x1, s4;
	s6 =	sand.u32 @!p1 $0x7, s6;
	s7 =	sadd.s32 @!p1 s1, s7  }
0x110: {  	[hbm4b:s7+s6] =	stream.linear.scatter @!p1 [tilespmem:s3], [sflag:$0x5], $0x1, $0x38;
	[tilespmem:$0x2400] =	vst v63  }
.LBB2_26:
0x111: {  	s0 =	sadd.s32 s0, s5  }
0x112: {  	s0 =	sshrl.u32 s0, $0x2  }
.LBB2_27:
0x113: {  	s1 =	simm.s32 $0x5  }
0x114: {  	_ =	swait.ge [sflag:s1], s0  }
0x115: {  	s28 =	ssub.s32 $0x0, s0;
	[sflag:s1] =	ssyncset.done $0x0  }
0x116: {  	[sflag:s1] =	ssyncadd.s32 s28  }
0x117: {  	[sflag:s1] =	ssyncpa.u1 $0x1  }
0x118: {  	s29 =	simm.s32 $0x1;
	_ =	sfence  }
0x119: {  	s30 =	simm.s32 $0x2;
	[sflag:s29] =	ssyncpa.u1 $0x1  }
0x11a: {  	[sflag:s30] =	ssyncpa.u1 $0x1  }
0x11b: {  	_ =	strace $0x90000047  }
0x11c: {  	[bflag:$0x2] =	sbarrier.arrive $0xFFFF  }
0x11d: {  	s31 =	rddreg [dreg:$0x2]  }
0x11e: {  	s0 =	sadd.s32 $0x100000, s31  }
0x11f: {  	[sflag:s0] =	ssyncadd.tile.s32 $0x1;
	_ =	shalt  }
.Lfunc_end2:
_tile_overlayer_lowered:
.L_overlay_start_2:
0x120: {  	(tag) =	ssettag $0x2  }
0x121: {  	s0 =	rddreg [dreg:$0x0];
	s2 =	stileid.u32  }
0x122: {  	s1 =	rddreg [dreg:$0x1];
	p0 =	sne.s32 s2, $0x0  }
0x123: {  	s3 =	rddreg [dreg:$0x2];
	[bflag:$0x3] =	sbarrier.arrive $0xFFFF;
	s2 =	simm.s32 @!p0 $0x1C01  }
0x124: {  	[timem:s3], [sflag:s2] =	dma.local @!p0 [hbm:s0], s1  }
0x125: {  	s0 =	simm.s32 @!p0 $0x1  }
0x126: {  	_ =	swait.ge @!p0 [sflag:s0], s1  }
0x127: {  	s1 =	ssub.s32 @!p0 $0x0, s1;
	[sflag:s0] =	ssyncset.done @!p0 $0x0  }
0x128: {  	[sflag:s0] =	ssyncadd.s32 @!p0 s1  }
0x129: {  	[bflag:$0x3] =	sbarrier.arrive $0xFFFF  }
0x12a: {  	_ =	shalt  }

</sc_bundles>
